<compile_context>
chip_gen: v7x
topology: tpu7x:2x2x1
jax: 0.10.2.dev20260603
libtpu: 0.0.44.dev20260713+nightly
codegen_flags: <defaults>
</compile_context>

<pallas_src>
import functools

import jax
import jax.numpy as jnp
from jax import lax
from jax.experimental import pallas as pl
from jax.experimental.pallas import tpu as pltpu
from jax.experimental.pallas import tpu_sc as plsc

N = 10000
E = 320000
H = 128
S = 256
MAXN_C = 16

NC = 2
NS = 16
CHUNK = 80
NCHUNK = 125
ZCH = 640
ZTAIL = N - (NS - 1) * ZCH
N_PAD = NS * ZCH

_MESH = plsc.VectorSubcoreMesh(
    core_axis_name="c", subcore_axis_name="s", num_cores=NC, num_subcores=NS)



@functools.partial(
    pl.kernel,
    out_type=[jax.ShapeDtypeStruct((N_PAD,), jnp.float32),
              jax.ShapeDtypeStruct((N_PAD,), jnp.float32)],
    mesh=_MESH,
    scratch_types=[
        pltpu.VMEM((NCHUNK, CHUNK), jnp.int32),
        pltpu.VMEM((CHUNK,), jnp.float32),
        pltpu.VMEM((ZCH,), jnp.float32),
        pltpu.VMEM_SHARED((N_PAD,), jnp.float32),
        pltpu.SemaphoreType.DMA,
    ],
)
def _deg_kernel(dst_hbm, out0_hbm, out1_hbm, dst_v, ones_v, z_v, accum, dsem):
    c = lax.axis_index("c")
    s = lax.axis_index("s")
    w = s * NC + c
    for j in range(-(-CHUNK // 16)):
        ones_v[pl.ds(min(j * 16, CHUNK - 16), 16)] = jnp.ones((16,), jnp.float32)
    for j in range(ZCH // 16):
        z_v[pl.ds(j * 16, 16)] = jnp.zeros((16,), jnp.float32)

    pltpu.sync_copy(z_v, accum.at[pl.ds(s * ZCH, ZCH)])
    plsc.subcore_barrier()
    pltpu.sync_copy(dst_hbm.at[w], dst_v)

    DEGW = 16

    def body(i, _):
        pltpu.async_copy(ones_v, accum.at[dst_v.at[i]], dsem, add=True)

        @pl.when(i >= DEGW)
        def _():
            pltpu.make_async_copy(ones_v, accum.at[dst_v.at[i - DEGW]],
                                  dsem).wait()
        return ()

    lax.fori_loop(0, NCHUNK, body, ())
    for i in range(NCHUNK - DEGW, NCHUNK):
        pltpu.make_async_copy(ones_v, accum.at[dst_v.at[i]], dsem).wait()
    plsc.subcore_barrier()

    for cc, out_hbm in ((0, out0_hbm), (1, out1_hbm)):
        @pl.when(c == cc)
        def _(out_hbm=out_hbm):
            pltpu.sync_copy(accum.at[pl.ds(s * ZCH, ZCH)],
                            out_hbm.at[pl.ds(s * ZCH, ZCH)])


NB = 3
NFULL = (NCHUNK - 2) // NB


@functools.partial(
    pl.kernel,
    out_type=jax.ShapeDtypeStruct((NC, N, H), jnp.float32),
    mesh=_MESH,
    scratch_types=[
        pltpu.VMEM((NCHUNK, CHUNK), jnp.int32),
        pltpu.VMEM((NCHUNK, CHUNK), jnp.int32),
        [pltpu.VMEM((CHUNK, H), jnp.float32)] * NB,
        pltpu.VMEM_SHARED((N, H), jnp.float32),
        [pltpu.SemaphoreType.DMA] * NB,
        [pltpu.SemaphoreType.DMA] * NB,
    ],
    compiler_params=pltpu.CompilerParams(use_tc_tiling_on_sc=False),
)
def _agg_kernel(x_hbm, src_hbm, dst_hbm, out_hbm, sidx, didx, bufs, accum,
                ssems, gsems):
    c = lax.axis_index("c")
    s = lax.axis_index("s")
    w = s * NC + c

    @pl.when(s < NS - 1)
    def _():
        pltpu.sync_copy(x_hbm.at[pl.ds(s * ZCH, ZCH)],
                        accum.at[pl.ds(s * ZCH, ZCH)])

    @pl.when(s == NS - 1)
    def _():
        pltpu.sync_copy(x_hbm.at[pl.ds((NS - 1) * ZCH, ZTAIL)],
                        accum.at[pl.ds((NS - 1) * ZCH, ZTAIL)])

    plsc.subcore_barrier()
    pltpu.sync_copy(src_hbm.at[w], sidx)
    pltpu.sync_copy(dst_hbm.at[w], didx)

    def _g(i, b):
        pltpu.async_copy(x_hbm.at[sidx.at[i]], bufs[b], gsems[b])

    def _gwait(i, b):
        pltpu.make_async_copy(x_hbm.at[sidx.at[i]], bufs[b], gsems[b]).wait()

    def _s(i, b):
        pltpu.async_copy(bufs[b], accum.at[didx.at[i]], ssems[b], add=True)

    def _swait(i, b):
        pltpu.make_async_copy(bufs[b], accum.at[didx.at[i]], ssems[b]).wait()

    for b in range(NB):
        _g(b, b)
    _gwait(0, 0)
    _s(0, 0)

    def body(k, _):
        for b in range(NB):
            i = k * NB + b
            _swait(i - NB, b)
            _g(i, b)
            j = i - (NB - 1)
            _gwait(j, (b + 1) % NB)
            _s(j, (b + 1) % NB)
        return ()

    lax.fori_loop(1, NFULL, body, ())
    last = NFULL * NB - 1
    for j in range(last - (NB - 2), last + 1):
        _gwait(j, j % NB)
        _s(j, j % NB)
    for t in range(NFULL * NB, NCHUNK):
        b = t % NB
        _swait(t - NB, b)
        pltpu.sync_copy(x_hbm.at[sidx.at[t]], bufs[b])
        _s(t, b)
    for j in range(NCHUNK - NB, NCHUNK):
        _swait(j, j % NB)
    plsc.subcore_barrier()

    @pl.when(s < NS - 1)
    def _():
        pltpu.sync_copy(accum.at[pl.ds(s * ZCH, ZCH)],
                        out_hbm.at[c, pl.ds(s * ZCH, ZCH)])

    @pl.when(s == NS - 1)
    def _():
        pltpu.sync_copy(accum.at[pl.ds((NS - 1) * ZCH, ZTAIL)],
                        out_hbm.at[c, pl.ds((NS - 1) * ZCH, ZTAIL)])



BLK = 1000
BLK2 = 2000


def _l0_body(d0_ref, d1_ref, w1_ref, b1_ref, w2_ref, b2_ref, out_ref):
    d = d0_ref[...] + d1_ref[...]
    h = jax.nn.gelu((1.0 + d) * w1_ref[...] + b1_ref[...])
    out_ref[...] = jax.nn.gelu(
        jnp.dot(h, w2_ref[...], preferred_element_type=jnp.float32)
        + b2_ref[...])


def _mlp_body(x_ref, a_ref, w1_ref, b1_ref, w2_ref, b2_ref, out_ref):
    hin = a_ref[0] + a_ref[1] - x_ref[...]
    h = jax.nn.gelu(
        jnp.dot(hin, w1_ref[...], preferred_element_type=jnp.float32)
        + b1_ref[...])
    out_ref[...] = jax.nn.gelu(
        jnp.dot(h, w2_ref[...], preferred_element_type=jnp.float32)
        + b2_ref[...])


def _fcpool_body(x_ref, a_ref, w1_ref, b1_ref, w2_ref, b2_ref,
                 seg_ref, fc0w_ref, fc0b_ref, fc1w_ref, fc1b_ref,
                 pooled_ref, res_ref):
    i = pl.program_id(0)
    hin = a_ref[0] + a_ref[1] - x_ref[...]
    h = jax.nn.gelu(
        jnp.dot(hin, w1_ref[...], preferred_element_type=jnp.float32)
        + b1_ref[...])
    x2 = jax.nn.gelu(
        jnp.dot(h, w2_ref[...], preferred_element_type=jnp.float32)
        + b2_ref[...])
    x3 = jax.nn.gelu(
        jnp.dot(x2, fc0w_ref[...], preferred_element_type=jnp.float32)
        + fc0b_ref[...])
    onehot = (seg_ref[...] ==
              lax.broadcasted_iota(jnp.int32, (1, S), 1)).astype(jnp.float32)
    contrib = lax.dot_general(onehot, x3, (((0,), (0,)), ((), ())),
                              preferred_element_type=jnp.float32)

    @pl.when(i == 0)
    def _():
        pooled_ref[...] = contrib

    @pl.when(i > 0)
    def _():
        pooled_ref[...] += contrib

    @pl.when(i == pl.num_programs(0) - 1)
    def _():
        res_ref[...] = (
            jnp.dot(pooled_ref[...], fc1w_ref[...],
                    preferred_element_type=jnp.float32) + fc1b_ref[...])


_W_SPEC = lambda shp: pl.BlockSpec(shp, lambda i: (0, 0))
_ARB = pltpu.CompilerParams(dimension_semantics=("arbitrary",))


def _l0_call(d0, d1, w1, b1, w2, b2):
    return pl.pallas_call(
        _l0_body,
        grid=(N // BLK,),
        in_specs=[
            pl.BlockSpec((BLK, 1), lambda i: (i, 0)),
            pl.BlockSpec((BLK, 1), lambda i: (i, 0)),
            _W_SPEC((1, H)), _W_SPEC((1, H)), _W_SPEC((H, H)), _W_SPEC((1, H)),
        ],
        out_specs=pl.BlockSpec((BLK, H), lambda i: (i, 0)),
        out_shape=jax.ShapeDtypeStruct((N, H), jnp.float32),
        compiler_params=_ARB,
    )(d0, d1, w1, b1, w2, b2)


def _mlp_call(x, a, w1, b1, w2, b2):
    return pl.pallas_call(
        _mlp_body,
        grid=(N // BLK2,),
        in_specs=[
            pl.BlockSpec((BLK2, H), lambda i: (i, 0)),
            pl.BlockSpec((NC, BLK2, H), lambda i: (0, i, 0)),
            _W_SPEC((H, H)), _W_SPEC((1, H)), _W_SPEC((H, H)), _W_SPEC((1, H)),
        ],
        out_specs=pl.BlockSpec((BLK2, H), lambda i: (i, 0)),
        out_shape=jax.ShapeDtypeStruct((N, H), jnp.float32),
        compiler_params=_ARB,
    )(x, a, w1, b1, w2, b2)


def _fcpool_call(x, a, w1, b1, w2, b2, seg, fc0w, fc0b, fc1w, fc1b):
    return pl.pallas_call(
        _fcpool_body,
        grid=(N // BLK2,),
        in_specs=[
            pl.BlockSpec((BLK2, H), lambda i: (i, 0)),
            pl.BlockSpec((NC, BLK2, H), lambda i: (0, i, 0)),
            _W_SPEC((H, H)), _W_SPEC((1, H)), _W_SPEC((H, H)), _W_SPEC((1, H)),
            pl.BlockSpec((BLK2, 1), lambda i: (i, 0)),
            _W_SPEC((H, H)), _W_SPEC((1, H)), _W_SPEC((H, 1)), _W_SPEC((1, 1)),
        ],
        out_specs=[
            pl.BlockSpec((S, H), lambda i: (0, 0)),
            pl.BlockSpec((S, 1), lambda i: (0, 0)),
        ],
        out_shape=[
            jax.ShapeDtypeStruct((S, H), jnp.float32),
            jax.ShapeDtypeStruct((S, 1), jnp.float32),
        ],
        compiler_params=_ARB,
    )(x, a, w1, b1, w2, b2, seg, fc0w, fc0b, fc1w, fc1b)



def kernel(edge_index, node2subgraph, subgraph_ids, max_nodes,
           gin0_W1, gin0_b1, gin0_W2, gin0_b2,
           gin1_W1, gin1_b1, gin1_W2, gin1_b2,
           gin2_W1, gin2_b1, gin2_W2, gin2_b2,
           fc0_W, fc0_b, fc1_W, fc1_b):
    src2 = edge_index[0].reshape(NC * NS, NCHUNK, CHUNK).astype(jnp.int32)
    dst2 = edge_index[1].reshape(NC * NS, NCHUNK, CHUNK).astype(jnp.int32)

    d0, d1 = _deg_kernel(dst2)
    x0 = _l0_call(d0.reshape(N_PAD, 1), d1.reshape(N_PAD, 1), gin0_W1,
                  gin0_b1.reshape(1, H), gin0_W2, gin0_b2.reshape(1, H))
    a1 = _agg_kernel(x0, src2, dst2)
    x1 = _mlp_call(x0, a1, gin1_W1, gin1_b1.reshape(1, H),
                   gin1_W2, gin1_b2.reshape(1, H))
    a2 = _agg_kernel(x1, src2, dst2)
    pooled, res = _fcpool_call(
        x1, a2, gin2_W1, gin2_b1.reshape(1, H),
        gin2_W2, gin2_b2.reshape(1, H),
        node2subgraph.reshape(N, 1).astype(jnp.int32),
        fc0_W, fc0_b.reshape(1, H), fc1_W, fc1_b.reshape(1, 1))
    return pooled, res.reshape(S // MAXN_C, MAXN_C)

# --- scband reference (transcript-rebuilt; emitter-appended) ---
"""Pipeline reference for scband-local-gnn-84542136254629 (READ-ONLY COPY).

The authoritative reference and input builder live on the scoring server;
editing this copy changes nothing except your own understanding.
"""

import jax, jax.numpy as jnp
import numpy as np

N = 10000
E = 320000
H = 128
S = 256
MAXN = 16


def setup_inputs(seed: int = 0) -> dict:
    key = jax.random.key(seed)
    ks = [jax.random.fold_in(key, i) for i in range(40)]
    inp = {}
    inp['edge_index'] = jax.random.randint(ks[0], (2, E), 0, N)
    inp['node2subgraph'] = jnp.sort(jax.random.randint(ks[1], (N,), 0, S))
    inp['subgraph_ids'] = jnp.arange(S)
    inp['max_nodes'] = MAXN
    # GIN layer 0: MLP(1 -> H -> H)
    inp['gin0_W1'] = jax.random.normal(ks[2], (1, H), dtype=jnp.float32) * 1.0
    inp['gin0_b1'] = jnp.zeros((H,), dtype=jnp.float32)
    inp['gin0_W2'] = jax.random.normal(ks[3], (H, H), dtype=jnp.float32) * (1.0 / np.sqrt(H))
    inp['gin0_b2'] = jnp.zeros((H,), dtype=jnp.float32)
    # GIN layers 1..2: MLP(H -> H -> H)
    inp['gin1_W1'] = jax.random.normal(ks[4], (H, H), dtype=jnp.float32) * (1.0 / np.sqrt(H))
    inp['gin1_b1'] = jnp.zeros((H,), dtype=jnp.float32)
    inp['gin1_W2'] = jax.random.normal(ks[5], (H, H), dtype=jnp.float32) * (1.0 / np.sqrt(H))
    inp['gin1_b2'] = jnp.zeros((H,), dtype=jnp.float32)
    inp['gin2_W1'] = jax.random.normal(ks[6], (H, H), dtype=jnp.float32) * (1.0 / np.sqrt(H))
    inp['gin2_b1'] = jnp.zeros((H,), dtype=jnp.float32)
    inp['gin2_W2'] = jax.random.normal(ks[7], (H, H), dtype=jnp.float32) * (1.0 / np.sqrt(H))
    inp['gin2_b2'] = jnp.zeros((H,), dtype=jnp.float32)
    inp['fc0_W'] = jax.random.normal(ks[8], (H, H), dtype=jnp.float32) * (1.0 / np.sqrt(H))
    inp['fc0_b'] = jnp.zeros((H,), dtype=jnp.float32)
    inp['fc1_W'] = jax.random.normal(ks[9], (H, 1), dtype=jnp.float32) * (1.0 / np.sqrt(H))
    inp['fc1_b'] = jnp.zeros((1,), dtype=jnp.float32)
    return inp


def _gin_layer(x, src, dst, n, W1, b1, W2, b2):
    # GINConv, train_eps=False, eps=0: out = MLP(x + sum_{j in N(i)} x_j)
    agg = jax.ops.segment_sum(x[src], dst, num_segments=n)
    h = x + agg
    h = jax.nn.gelu(h @ W1 + b1)
    h = jax.nn.gelu(h @ W2 + b2)
    return h


def reference(edge_index, node2subgraph, subgraph_ids, max_nodes,
              gin0_W1, gin0_b1, gin0_W2, gin0_b2,
              gin1_W1, gin1_b1, gin1_W2, gin1_b2,
              gin2_W1, gin2_b1, gin2_W2, gin2_b2,
              fc0_W, fc0_b, fc1_W, fc1_b):
    n = node2subgraph.shape[0]
    src = edge_index[0]
    dst = edge_index[1]
    # subgraph node features initialized to ones (as in torch forward)
    x = jnp.ones((n, 1), dtype=jnp.float32)
    x = _gin_layer(x, src, dst, n, gin0_W1, gin0_b1, gin0_W2, gin0_b2)
    x = _gin_layer(x, src, dst, n, gin1_W1, gin1_b1, gin1_W2, gin1_b2)
    x = _gin_layer(x, src, dst, n, gin2_W1, gin2_b1, gin2_W2, gin2_b2)
    x = jax.nn.gelu(x @ fc0_W + fc0_b)
    s = subgraph_ids.shape[0]
    # global_add_pool per subgraph
    pooled = jax.ops.segment_sum(x, node2subgraph, num_segments=s)  # [S, H]
    g = s // MAXN
    gidx = subgraph_ids // max_nodes
    slot = subgraph_ids % max_nodes
    int_emb = jnp.zeros((g, MAXN, x.shape[1]), dtype=jnp.float32).at[gidx, slot].set(pooled)
    res = jnp.squeeze(int_emb @ fc1_W + fc1_b, axis=-1)  # [G, max_nodes]
    return (pooled, res)

if __name__ == "__main__":
    import jax
    _d = setup_inputs()
    print(jax.jit(kernel)(*tuple(_d.values())))

</pallas_src>

<mosaic_0001>
#map = affine_map<(d0, d1) -> (0, 0, 0)>
#map1 = affine_map<(d0, d1) -> (0)>
module attributes {stable_mosaic.version = 14 : i64} {
  func.func @_deg_kernel(%arg0: i32, %arg1: i32, %arg2: memref<32x125x80xi32, #tpu.memory_space<hbm>>, %arg3: memref<10240xf32, #tpu.memory_space<hbm>>, %arg4: memref<10240xf32, #tpu.memory_space<hbm>>, %arg5: memref<125x80xi32, #tpu.memory_space<vmem>>, %arg6: memref<80xf32, #tpu.memory_space<vmem>>, %arg7: memref<640xf32, #tpu.memory_space<vmem>>, %arg8: memref<10240xf32, #tpu.memory_space<vmem_shared>>, %arg9: memref<!tpu.dma_semaphore, #tpu.memory_space<semaphore_mem>>) attributes {dimension_semantics = [#tpu.dimension_semantics<core_parallel>, #tpu.dimension_semantics<subcore_parallel>], iteration_bounds = array<i64: 2, 16>, scalar_prefetch = 0 : i64, scratch_operands = 5 : i64, tpu.core_type = #tpu.core_type<sc_vector_subcore>, window_params = [{transform_indices = #map}, {transform_indices = #map1}, {transform_indices = #map1}]} {
    %mul3A = arith.constant 2 : i32
    %mul3A_0 = arith.muli %arg1, %mul3A : i32
    %add3A = arith.addi %mul3A_0, %arg0 : i32
    %broadcast_in_dim3A = arith.constant 1.000000e+00 : f32
    %broadcast_in_dim3A_1 = vector.broadcast %broadcast_in_dim3A : f32 to vector<16xf32>
    %swap3A = arith.constant 0 : index
    %swap3A_2 = tpu.vector_load %arg6[%swap3A] {strides = array<i32>} : memref<80xf32, #tpu.memory_space<vmem>>, vector<16xf32>,
    %swap3A_3 = vector.shape_cast %swap3A_2 : vector<16xf32> to vector<16xf32>
    %swap3A_4 = vector.shape_cast %broadcast_in_dim3A_1 : vector<16xf32> to vector<16xf32>
    tpu.vector_store %arg6[%swap3A], %swap3A_4 {strides = array<i32>} : memref<80xf32, #tpu.memory_space<vmem>>, vector<16xf32>,
    %broadcast_in_dim3A_5 = arith.constant 1.000000e+00 : f32
    %broadcast_in_dim3A_6 = vector.broadcast %broadcast_in_dim3A_5 : f32 to vector<16xf32>
    %swap3A_7 = arith.constant 16 : index
    %swap3A_8 = tpu.vector_load %arg6[%swap3A_7] {strides = array<i32>} : memref<80xf32, #tpu.memory_space<vmem>>, vector<16xf32>,
    %swap3A_9 = vector.shape_cast %swap3A_8 : vector<16xf32> to vector<16xf32>
    %swap3A_10 = vector.shape_cast %broadcast_in_dim3A_6 : vector<16xf32> to vector<16xf32>
    tpu.vector_store %arg6[%swap3A_7], %swap3A_10 {strides = array<i32>} : memref<80xf32, #tpu.memory_space<vmem>>, vector<16xf32>,
    %broadcast_in_dim3A_11 = arith.constant 1.000000e+00 : f32
    %broadcast_in_dim3A_12 = vector.broadcast %broadcast_in_dim3A_11 : f32 to vector<16xf32>
    %swap3A_13 = arith.constant 32 : index
    %swap3A_14 = tpu.vector_load %arg6[%swap3A_13] {strides = array<i32>} : memref<80xf32, #tpu.memory_space<vmem>>, vector<16xf32>,
    %swap3A_15 = vector.shape_cast %swap3A_14 : vector<16xf32> to vector<16xf32>
    %swap3A_16 = vector.shape_cast %broadcast_in_dim3A_12 : vector<16xf32> to vector<16xf32>
    tpu.vector_store %arg6[%swap3A_13], %swap3A_16 {strides = array<i32>} : memref<80xf32, #tpu.memory_space<vmem>>, vector<16xf32>,
    %broadcast_in_dim3A_17 = arith.constant 1.000000e+00 : f32
    %broadcast_in_dim3A_18 = vector.broadcast %broadcast_in_dim3A_17 : f32 to vector<16xf32>
    %swap3A_19 = arith.constant 48 : index
    %swap3A_20 = tpu.vector_load %arg6[%swap3A_19] {strides = array<i32>} : memref<80xf32, #tpu.memory_space<vmem>>, vector<16xf32>,
    %swap3A_21 = vector.shape_cast %swap3A_20 : vector<16xf32> to vector<16xf32>
    %swap3A_22 = vector.shape_cast %broadcast_in_dim3A_18 : vector<16xf32> to vector<16xf32>
    tpu.vector_store %arg6[%swap3A_19], %swap3A_22 {strides = array<i32>} : memref<80xf32, #tpu.memory_space<vmem>>, vector<16xf32>,
    %broadcast_in_dim3A_23 = arith.constant 1.000000e+00 : f32
    %broadcast_in_dim3A_24 = vector.broadcast %broadcast_in_dim3A_23 : f32 to vector<16xf32>
    %swap3A_25 = arith.constant 64 : index
    %swap3A_26 = tpu.vector_load %arg6[%swap3A_25] {strides = array<i32>} : memref<80xf32, #tpu.memory_space<vmem>>, vector<16xf32>,
    %swap3A_27 = vector.shape_cast %swap3A_26 : vector<16xf32> to vector<16xf32>
    %swap3A_28 = vector.shape_cast %broadcast_in_dim3A_24 : vector<16xf32> to vector<16xf32>
    tpu.vector_store %arg6[%swap3A_25], %swap3A_28 {strides = array<i32>} : memref<80xf32, #tpu.memory_space<vmem>>, vector<16xf32>,
    %broadcast_in_dim3A_29 = arith.constant 0.000000e+00 : f32
    %broadcast_in_dim3A_30 = vector.broadcast %broadcast_in_dim3A_29 : f32 to vector<16xf32>
    %swap3A_31 = arith.constant 0 : index
    %swap3A_32 = tpu.vector_load %arg7[%swap3A_31] {strides = array<i32>} : memref<640xf32, #tpu.memory_space<vmem>>, vector<16xf32>,
    %swap3A_33 = vector.shape_cast %swap3A_32 : vector<16xf32> to vector<16xf32>
    %swap3A_34 = vector.shape_cast %broadcast_in_dim3A_30 : vector<16xf32> to vector<16xf32>
    tpu.vector_store %arg7[%swap3A_31], %swap3A_34 {strides = array<i32>} : memref<640xf32, #tpu.memory_space<vmem>>, vector<16xf32>,
    %broadcast_in_dim3A_35 = arith.constant 0.000000e+00 : f32
    %broadcast_in_dim3A_36 = vector.broadcast %broadcast_in_dim3A_35 : f32 to vector<16xf32>
    %swap3A_37 = arith.constant 16 : index
    %swap3A_38 = tpu.vector_load %arg7[%swap3A_37] {strides = array<i32>} : memref<640xf32, #tpu.memory_space<vmem>>, vector<16xf32>,
    %swap3A_39 = vector.shape_cast %swap3A_38 : vector<16xf32> to vector<16xf32>
    %swap3A_40 = vector.shape_cast %broadcast_in_dim3A_36 : vector<16xf32> to vector<16xf32>
    tpu.vector_store %arg7[%swap3A_37], %swap3A_40 {strides = array<i32>} : memref<640xf32, #tpu.memory_space<vmem>>, vector<16xf32>,
    %broadcast_in_dim3A_41 = arith.constant 0.000000e+00 : f32
    %broadcast_in_dim3A_42 = vector.broadcast %broadcast_in_dim3A_41 : f32 to vector<16xf32>
    %swap3A_43 = arith.constant 32 : index
    %swap3A_44 = tpu.vector_load %arg7[%swap3A_43] {strides = array<i32>} : memref<640xf32, #tpu.memory_space<vmem>>, vector<16xf32>,
    %swap3A_45 = vector.shape_cast %swap3A_44 : vector<16xf32> to vector<16xf32>
    %swap3A_46 = vector.shape_cast %broadcast_in_dim3A_42 : vector<16xf32> to vector<16xf32>
    tpu.vector_store %arg7[%swap3A_43], %swap3A_46 {strides = array<i32>} : memref<640xf32, #tpu.memory_space<vmem>>, vector<16xf32>,
    %broadcast_in_dim3A_47 = arith.constant 0.000000e+00 : f32
    %broadcast_in_dim3A_48 = vector.broadcast %broadcast_in_dim3A_47 : f32 to vector<16xf32>
    %swap3A_49 = arith.constant 48 : index
    %swap3A_50 = tpu.vector_load %arg7[%swap3A_49] {strides = array<i32>} : memref<640xf32, #tpu.memory_space<vmem>>, vector<16xf32>,
    %swap3A_51 = vector.shape_cast %swap3A_50 : vector<16xf32> to vector<16xf32>
    %swap3A_52 = vector.shape_cast %broadcast_in_dim3A_48 : vector<16xf32> to vector<16xf32>
    tpu.vector_store %arg7[%swap3A_49], %swap3A_52 {strides = array<i32>} : memref<640xf32, #tpu.memory_space<vmem>>, vector<16xf32>,
    %broadcast_in_dim3A_53 = arith.constant 0.000000e+00 : f32
    %broadcast_in_dim3A_54 = vector.broadcast %broadcast_in_dim3A_53 : f32 to vector<16xf32>
    %swap3A_55 = arith.constant 64 : index
    %swap3A_56 = tpu.vector_load %arg7[%swap3A_55] {strides = array<i32>} : memref<640xf32, #tpu.memory_space<vmem>>, vector<16xf32>,
    %swap3A_57 = vector.shape_cast %swap3A_56 : vector<16xf32> to vector<16xf32>
    %swap3A_58 = vector.shape_cast %broadcast_in_dim3A_54 : vector<16xf32> to vector<16xf32>
    tpu.vector_store %arg7[%swap3A_55], %swap3A_58 {strides = array<i32>} : memref<640xf32, #tpu.memory_space<vmem>>, vector<16xf32>,
    %broadcast_in_dim3A_59 = arith.constant 0.000000e+00 : f32
    %broadcast_in_dim3A_60 = vector.broadcast %broadcast_in_dim3A_59 : f32 to vector<16xf32>
    %swap3A_61 = arith.constant 80 : index
    %swap3A_62 = tpu.vector_load %arg7[%swap3A_61] {strides = array<i32>} : memref<640xf32, #tpu.memory_space<vmem>>, vector<16xf32>,
    %swap3A_63 = vector.shape_cast %swap3A_62 : vector<16xf32> to vector<16xf32>
    %swap3A_64 = vector.shape_cast %broadcast_in_dim3A_60 : vector<16xf32> to vector<16xf32>
    tpu.vector_store %arg7[%swap3A_61], %swap3A_64 {strides = array<i32>} : memref<640xf32, #tpu.memory_space<vmem>>, vector<16xf32>,
    %broadcast_in_dim3A_65 = arith.constant 0.000000e+00 : f32
    %broadcast_in_dim3A_66 = vector.broadcast %broadcast_in_dim3A_65 : f32 to vector<16xf32>
    %swap3A_67 = arith.constant 96 : index
    %swap3A_68 = tpu.vector_load %arg7[%swap3A_67] {strides = array<i32>} : memref<640xf32, #tpu.memory_space<vmem>>, vector<16xf32>,
    %swap3A_69 = vector.shape_cast %swap3A_68 : vector<16xf32> to vector<16xf32>
    %swap3A_70 = vector.shape_cast %broadcast_in_dim3A_66 : vector<16xf32> to vector<16xf32>
    tpu.vector_store %arg7[%swap3A_67], %swap3A_70 {strides = array<i32>} : memref<640xf32, #tpu.memory_space<vmem>>, vector<16xf32>,
    %broadcast_in_dim3A_71 = arith.constant 0.000000e+00 : f32
    %broadcast_in_dim3A_72 = vector.broadcast %broadcast_in_dim3A_71 : f32 to vector<16xf32>
    %swap3A_73 = arith.constant 112 : index
    %swap3A_74 = tpu.vector_load %arg7[%swap3A_73] {strides = array<i32>} : memref<640xf32, #tpu.memory_space<vmem>>, vector<16xf32>,
    %swap3A_75 = vector.shape_cast %swap3A_74 : vector<16xf32> to vector<16xf32>
    %swap3A_76 = vector.shape_cast %broadcast_in_dim3A_72 : vector<16xf32> to vector<16xf32>
    tpu.vector_store %arg7[%swap3A_73], %swap3A_76 {strides = array<i32>} : memref<640xf32, #tpu.memory_space<vmem>>, vector<16xf32>,
    %broadcast_in_dim3A_77 = arith.constant 0.000000e+00 : f32
    %broadcast_in_dim3A_78 = vector.broadcast %broadcast_in_dim3A_77 : f32 to vector<16xf32>
    %swap3A_79 = arith.constant 128 : index
    %swap3A_80 = tpu.vector_load %arg7[%swap3A_79] {strides = array<i32>} : memref<640xf32, #tpu.memory_space<vmem>>, vector<16xf32>,
    %swap3A_81 = vector.shape_cast %swap3A_80 : vector<16xf32> to vector<16xf32>
    %swap3A_82 = vector.shape_cast %broadcast_in_dim3A_78 : vector<16xf32> to vector<16xf32>
    tpu.vector_store %arg7[%swap3A_79], %swap3A_82 {strides = array<i32>} : memref<640xf32, #tpu.memory_space<vmem>>, vector<16xf32>,
    %broadcast_in_dim3A_83 = arith.constant 0.000000e+00 : f32
    %broadcast_in_dim3A_84 = vector.broadcast %broadcast_in_dim3A_83 : f32 to vector<16xf32>
    %swap3A_85 = arith.constant 144 : index
    %swap3A_86 = tpu.vector_load %arg7[%swap3A_85] {strides = array<i32>} : memref<640xf32, #tpu.memory_space<vmem>>, vector<16xf32>,
    %swap3A_87 = vector.shape_cast %swap3A_86 : vector<16xf32> to vector<16xf32>
    %swap3A_88 = vector.shape_cast %broadcast_in_dim3A_84 : vector<16xf32> to vector<16xf32>
    tpu.vector_store %arg7[%swap3A_85], %swap3A_88 {strides = array<i32>} : memref<640xf32, #tpu.memory_space<vmem>>, vector<16xf32>,
    %broadcast_in_dim3A_89 = arith.constant 0.000000e+00 : f32
    %broadcast_in_dim3A_90 = vector.broadcast %broadcast_in_dim3A_89 : f32 to vector<16xf32>
    %swap3A_91 = arith.constant 160 : index
    %swap3A_92 = tpu.vector_load %arg7[%swap3A_91] {strides = array<i32>} : memref<640xf32, #tpu.memory_space<vmem>>, vector<16xf32>,
    %swap3A_93 = vector.shape_cast %swap3A_92 : vector<16xf32> to vector<16xf32>
    %swap3A_94 = vector.shape_cast %broadcast_in_dim3A_90 : vector<16xf32> to vector<16xf32>
    tpu.vector_store %arg7[%swap3A_91], %swap3A_94 {strides = array<i32>} : memref<640xf32, #tpu.memory_space<vmem>>, vector<16xf32>,
    %broadcast_in_dim3A_95 = arith.constant 0.000000e+00 : f32
    %broadcast_in_dim3A_96 = vector.broadcast %broadcast_in_dim3A_95 : f32 to vector<16xf32>
    %swap3A_97 = arith.constant 176 : index
    %swap3A_98 = tpu.vector_load %arg7[%swap3A_97] {strides = array<i32>} : memref<640xf32, #tpu.memory_space<vmem>>, vector<16xf32>,
    %swap3A_99 = vector.shape_cast %swap3A_98 : vector<16xf32> to vector<16xf32>
    %swap3A_100 = vector.shape_cast %broadcast_in_dim3A_96 : vector<16xf32> to vector<16xf32>
    tpu.vector_store %arg7[%swap3A_97], %swap3A_100 {strides = array<i32>} : memref<640xf32, #tpu.memory_space<vmem>>, vector<16xf32>,
    %broadcast_in_dim3A_101 = arith.constant 0.000000e+00 : f32
    %broadcast_in_dim3A_102 = vector.broadcast %broadcast_in_dim3A_101 : f32 to vector<16xf32>
    %swap3A_103 = arith.constant 192 : index
    %swap3A_104 = tpu.vector_load %arg7[%swap3A_103] {strides = array<i32>} : memref<640xf32, #tpu.memory_space<vmem>>, vector<16xf32>,
    %swap3A_105 = vector.shape_cast %swap3A_104 : vector<16xf32> to vector<16xf32>
    %swap3A_106 = vector.shape_cast %broadcast_in_dim3A_102 : vector<16xf32> to vector<16xf32>
    tpu.vector_store %arg7[%swap3A_103], %swap3A_106 {strides = array<i32>} : memref<640xf32, #tpu.memory_space<vmem>>, vector<16xf32>,
    %broadcast_in_dim3A_107 = arith.constant 0.000000e+00 : f32
    %broadcast_in_dim3A_108 = vector.broadcast %broadcast_in_dim3A_107 : f32 to vector<16xf32>
    %swap3A_109 = arith.constant 208 : index
    %swap3A_110 = tpu.vector_load %arg7[%swap3A_109] {strides = array<i32>} : memref<640xf32, #tpu.memory_space<vmem>>, vector<16xf32>,
    %swap3A_111 = vector.shape_cast %swap3A_110 : vector<16xf32> to vector<16xf32>
    %swap3A_112 = vector.shape_cast %broadcast_in_dim3A_108 : vector<16xf32> to vector<16xf32>
    tpu.vector_store %arg7[%swap3A_109], %swap3A_112 {strides = array<i32>} : memref<640xf32, #tpu.memory_space<vmem>>, vector<16xf32>,
    %broadcast_in_dim3A_113 = arith.constant 0.000000e+00 : f32
    %broadcast_in_dim3A_114 = vector.broadcast %broadcast_in_dim3A_113 : f32 to vector<16xf32>
    %swap3A_115 = arith.constant 224 : index
    %swap3A_116 = tpu.vector_load %arg7[%swap3A_115] {strides = array<i32>} : memref<640xf32, #tpu.memory_space<vmem>>, vector<16xf32>,
    %swap3A_117 = vector.shape_cast %swap3A_116 : vector<16xf32> to vector<16xf32>
    %swap3A_118 = vector.shape_cast %broadcast_in_dim3A_114 : vector<16xf32> to vector<16xf32>
    tpu.vector_store %arg7[%swap3A_115], %swap3A_118 {strides = array<i32>} : memref<640xf32, #tpu.memory_space<vmem>>, vector<16xf32>,
    %broadcast_in_dim3A_119 = arith.constant 0.000000e+00 : f32
    %broadcast_in_dim3A_120 = vector.broadcast %broadcast_in_dim3A_119 : f32 to vector<16xf32>
    %swap3A_121 = arith.constant 240 : index
    %swap3A_122 = tpu.vector_load %arg7[%swap3A_121] {strides = array<i32>} : memref<640xf32, #tpu.memory_space<vmem>>, vector<16xf32>,
    %swap3A_123 = vector.shape_cast %swap3A_122 : vector<16xf32> to vector<16xf32>
    %swap3A_124 = vector.shape_cast %broadcast_in_dim3A_120 : vector<16xf32> to vector<16xf32>
    tpu.vector_store %arg7[%swap3A_121], %swap3A_124 {strides = array<i32>} : memref<640xf32, #tpu.memory_space<vmem>>, vector<16xf32>,
    %broadcast_in_dim3A_125 = arith.constant 0.000000e+00 : f32
    %broadcast_in_dim3A_126 = vector.broadcast %broadcast_in_dim3A_125 : f32 to vector<16xf32>
    %swap3A_127 = arith.constant 256 : index
    %swap3A_128 = tpu.vector_load %arg7[%swap3A_127] {strides = array<i32>} : memref<640xf32, #tpu.memory_space<vmem>>, vector<16xf32>,
    %swap3A_129 = vector.shape_cast %swap3A_128 : vector<16xf32> to vector<16xf32>
    %swap3A_130 = vector.shape_cast %broadcast_in_dim3A_126 : vector<16xf32> to vector<16xf32>
    tpu.vector_store %arg7[%swap3A_127], %swap3A_130 {strides = array<i32>} : memref<640xf32, #tpu.memory_space<vmem>>, vector<16xf32>,
    %broadcast_in_dim3A_131 = arith.constant 0.000000e+00 : f32
    %broadcast_in_dim3A_132 = vector.broadcast %broadcast_in_dim3A_131 : f32 to vector<16xf32>
    %swap3A_133 = arith.constant 272 : index
    %swap3A_134 = tpu.vector_load %arg7[%swap3A_133] {strides = array<i32>} : memref<640xf32, #tpu.memory_space<vmem>>, vector<16xf32>,
    %swap3A_135 = vector.shape_cast %swap3A_134 : vector<16xf32> to vector<16xf32>
    %swap3A_136 = vector.shape_cast %broadcast_in_dim3A_132 : vector<16xf32> to vector<16xf32>
    tpu.vector_store %arg7[%swap3A_133], %swap3A_136 {strides = array<i32>} : memref<640xf32, #tpu.memory_space<vmem>>, vector<16xf32>,
    %broadcast_in_dim3A_137 = arith.constant 0.000000e+00 : f32
    %broadcast_in_dim3A_138 = vector.broadcast %broadcast_in_dim3A_137 : f32 to vector<16xf32>
    %swap3A_139 = arith.constant 288 : index
    %swap3A_140 = tpu.vector_load %arg7[%swap3A_139] {strides = array<i32>} : memref<640xf32, #tpu.memory_space<vmem>>, vector<16xf32>,
    %swap3A_141 = vector.shape_cast %swap3A_140 : vector<16xf32> to vector<16xf32>
    %swap3A_142 = vector.shape_cast %broadcast_in_dim3A_138 : vector<16xf32> to vector<16xf32>
    tpu.vector_store %arg7[%swap3A_139], %swap3A_142 {strides = array<i32>} : memref<640xf32, #tpu.memory_space<vmem>>, vector<16xf32>,
    %broadcast_in_dim3A_143 = arith.constant 0.000000e+00 : f32
    %broadcast_in_dim3A_144 = vector.broadcast %broadcast_in_dim3A_143 : f32 to vector<16xf32>
    %swap3A_145 = arith.constant 304 : index
    %swap3A_146 = tpu.vector_load %arg7[%swap3A_145] {strides = array<i32>} : memref<640xf32, #tpu.memory_space<vmem>>, vector<16xf32>,
    %swap3A_147 = vector.shape_cast %swap3A_146 : vector<16xf32> to vector<16xf32>
    %swap3A_148 = vector.shape_cast %broadcast_in_dim3A_144 : vector<16xf32> to vector<16xf32>
    tpu.vector_store %arg7[%swap3A_145], %swap3A_148 {strides = array<i32>} : memref<640xf32, #tpu.memory_space<vmem>>, vector<16xf32>,
    %broadcast_in_dim3A_149 = arith.constant 0.000000e+00 : f32
    %broadcast_in_dim3A_150 = vector.broadcast %broadcast_in_dim3A_149 : f32 to vector<16xf32>
    %swap3A_151 = arith.constant 320 : index
    %swap3A_152 = tpu.vector_load %arg7[%swap3A_151] {strides = array<i32>} : memref<640xf32, #tpu.memory_space<vmem>>, vector<16xf32>,
    %swap3A_153 = vector.shape_cast %swap3A_152 : vector<16xf32> to vector<16xf32>
    %swap3A_154 = vector.shape_cast %broadcast_in_dim3A_150 : vector<16xf32> to vector<16xf32>
    tpu.vector_store %arg7[%swap3A_151], %swap3A_154 {strides = array<i32>} : memref<640xf32, #tpu.memory_space<vmem>>, vector<16xf32>,
    %broadcast_in_dim3A_155 = arith.constant 0.000000e+00 : f32
    %broadcast_in_dim3A_156 = vector.broadcast %broadcast_in_dim3A_155 : f32 to vector<16xf32>
    %swap3A_157 = arith.constant 336 : index
    %swap3A_158 = tpu.vector_load %arg7[%swap3A_157] {strides = array<i32>} : memref<640xf32, #tpu.memory_space<vmem>>, vector<16xf32>,
    %swap3A_159 = vector.shape_cast %swap3A_158 : vector<16xf32> to vector<16xf32>
    %swap3A_160 = vector.shape_cast %broadcast_in_dim3A_156 : vector<16xf32> to vector<16xf32>
    tpu.vector_store %arg7[%swap3A_157], %swap3A_160 {strides = array<i32>} : memref<640xf32, #tpu.memory_space<vmem>>, vector<16xf32>,
    %broadcast_in_dim3A_161 = arith.constant 0.000000e+00 : f32
    %broadcast_in_dim3A_162 = vector.broadcast %broadcast_in_dim3A_161 : f32 to vector<16xf32>
    %swap3A_163 = arith.constant 352 : index
    %swap3A_164 = tpu.vector_load %arg7[%swap3A_163] {strides = array<i32>} : memref<640xf32, #tpu.memory_space<vmem>>, vector<16xf32>,
    %swap3A_165 = vector.shape_cast %swap3A_164 : vector<16xf32> to vector<16xf32>
    %swap3A_166 = vector.shape_cast %broadcast_in_dim3A_162 : vector<16xf32> to vector<16xf32>
    tpu.vector_store %arg7[%swap3A_163], %swap3A_166 {strides = array<i32>} : memref<640xf32, #tpu.memory_space<vmem>>, vector<16xf32>,
    %broadcast_in_dim3A_167 = arith.constant 0.000000e+00 : f32
    %broadcast_in_dim3A_168 = vector.broadcast %broadcast_in_dim3A_167 : f32 to vector<16xf32>
    %swap3A_169 = arith.constant 368 : index
    %swap3A_170 = tpu.vector_load %arg7[%swap3A_169] {strides = array<i32>} : memref<640xf32, #tpu.memory_space<vmem>>, vector<16xf32>,
    %swap3A_171 = vector.shape_cast %swap3A_170 : vector<16xf32> to vector<16xf32>
    %swap3A_172 = vector.shape_cast %broadcast_in_dim3A_168 : vector<16xf32> to vector<16xf32>
    tpu.vector_store %arg7[%swap3A_169], %swap3A_172 {strides = array<i32>} : memref<640xf32, #tpu.memory_space<vmem>>, vector<16xf32>,
    %broadcast_in_dim3A_173 = arith.constant 0.000000e+00 : f32
    %broadcast_in_dim3A_174 = vector.broadcast %broadcast_in_dim3A_173 : f32 to vector<16xf32>
    %swap3A_175 = arith.constant 384 : index
    %swap3A_176 = tpu.vector_load %arg7[%swap3A_175] {strides = array<i32>} : memref<640xf32, #tpu.memory_space<vmem>>, vector<16xf32>,
    %swap3A_177 = vector.shape_cast %swap3A_176 : vector<16xf32> to vector<16xf32>
    %swap3A_178 = vector.shape_cast %broadcast_in_dim3A_174 : vector<16xf32> to vector<16xf32>
    tpu.vector_store %arg7[%swap3A_175], %swap3A_178 {strides = array<i32>} : memref<640xf32, #tpu.memory_space<vmem>>, vector<16xf32>,
    %broadcast_in_dim3A_179 = arith.constant 0.000000e+00 : f32
    %broadcast_in_dim3A_180 = vector.broadcast %broadcast_in_dim3A_179 : f32 to vector<16xf32>
    %swap3A_181 = arith.constant 400 : index
    %swap3A_182 = tpu.vector_load %arg7[%swap3A_181] {strides = array<i32>} : memref<640xf32, #tpu.memory_space<vmem>>, vector<16xf32>,
    %swap3A_183 = vector.shape_cast %swap3A_182 : vector<16xf32> to vector<16xf32>
    %swap3A_184 = vector.shape_cast %broadcast_in_dim3A_180 : vector<16xf32> to vector<16xf32>
    tpu.vector_store %arg7[%swap3A_181], %swap3A_184 {strides = array<i32>} : memref<640xf32, #tpu.memory_space<vmem>>, vector<16xf32>,
    %broadcast_in_dim3A_185 = arith.constant 0.000000e+00 : f32
    %broadcast_in_dim3A_186 = vector.broadcast %broadcast_in_dim3A_185 : f32 to vector<16xf32>
    %swap3A_187 = arith.constant 416 : index
    %swap3A_188 = tpu.vector_load %arg7[%swap3A_187] {strides = array<i32>} : memref<640xf32, #tpu.memory_space<vmem>>, vector<16xf32>,
    %swap3A_189 = vector.shape_cast %swap3A_188 : vector<16xf32> to vector<16xf32>
    %swap3A_190 = vector.shape_cast %broadcast_in_dim3A_186 : vector<16xf32> to vector<16xf32>
    tpu.vector_store %arg7[%swap3A_187], %swap3A_190 {strides = array<i32>} : memref<640xf32, #tpu.memory_space<vmem>>, vector<16xf32>,
    %broadcast_in_dim3A_191 = arith.constant 0.000000e+00 : f32
    %broadcast_in_dim3A_192 = vector.broadcast %broadcast_in_dim3A_191 : f32 to vector<16xf32>
    %swap3A_193 = arith.constant 432 : index
    %swap3A_194 = tpu.vector_load %arg7[%swap3A_193] {strides = array<i32>} : memref<640xf32, #tpu.memory_space<vmem>>, vector<16xf32>,
    %swap3A_195 = vector.shape_cast %swap3A_194 : vector<16xf32> to vector<16xf32>
    %swap3A_196 = vector.shape_cast %broadcast_in_dim3A_192 : vector<16xf32> to vector<16xf32>
    tpu.vector_store %arg7[%swap3A_193], %swap3A_196 {strides = array<i32>} : memref<640xf32, #tpu.memory_space<vmem>>, vector<16xf32>,
    %broadcast_in_dim3A_197 = arith.constant 0.000000e+00 : f32
    %broadcast_in_dim3A_198 = vector.broadcast %broadcast_in_dim3A_197 : f32 to vector<16xf32>
    %swap3A_199 = arith.constant 448 : index
    %swap3A_200 = tpu.vector_load %arg7[%swap3A_199] {strides = array<i32>} : memref<640xf32, #tpu.memory_space<vmem>>, vector<16xf32>,
    %swap3A_201 = vector.shape_cast %swap3A_200 : vector<16xf32> to vector<16xf32>
    %swap3A_202 = vector.shape_cast %broadcast_in_dim3A_198 : vector<16xf32> to vector<16xf32>
    tpu.vector_store %arg7[%swap3A_199], %swap3A_202 {strides = array<i32>} : memref<640xf32, #tpu.memory_space<vmem>>, vector<16xf32>,
    %broadcast_in_dim3A_203 = arith.constant 0.000000e+00 : f32
    %broadcast_in_dim3A_204 = vector.broadcast %broadcast_in_dim3A_203 : f32 to vector<16xf32>
    %swap3A_205 = arith.constant 464 : index
    %swap3A_206 = tpu.vector_load %arg7[%swap3A_205] {strides = array<i32>} : memref<640xf32, #tpu.memory_space<vmem>>, vector<16xf32>,
    %swap3A_207 = vector.shape_cast %swap3A_206 : vector<16xf32> to vector<16xf32>
    %swap3A_208 = vector.shape_cast %broadcast_in_dim3A_204 : vector<16xf32> to vector<16xf32>
    tpu.vector_store %arg7[%swap3A_205], %swap3A_208 {strides = array<i32>} : memref<640xf32, #tpu.memory_space<vmem>>, vector<16xf32>,
    %broadcast_in_dim3A_209 = arith.constant 0.000000e+00 : f32
    %broadcast_in_dim3A_210 = vector.broadcast %broadcast_in_dim3A_209 : f32 to vector<16xf32>
    %swap3A_211 = arith.constant 480 : index
    %swap3A_212 = tpu.vector_load %arg7[%swap3A_211] {strides = array<i32>} : memref<640xf32, #tpu.memory_space<vmem>>, vector<16xf32>,
    %swap3A_213 = vector.shape_cast %swap3A_212 : vector<16xf32> to vector<16xf32>
    %swap3A_214 = vector.shape_cast %broadcast_in_dim3A_210 : vector<16xf32> to vector<16xf32>
    tpu.vector_store %arg7[%swap3A_211], %swap3A_214 {strides = array<i32>} : memref<640xf32, #tpu.memory_space<vmem>>, vector<16xf32>,
    %broadcast_in_dim3A_215 = arith.constant 0.000000e+00 : f32
    %broadcast_in_dim3A_216 = vector.broadcast %broadcast_in_dim3A_215 : f32 to vector<16xf32>
    %swap3A_217 = arith.constant 496 : index
    %swap3A_218 = tpu.vector_load %arg7[%swap3A_217] {strides = array<i32>} : memref<640xf32, #tpu.memory_space<vmem>>, vector<16xf32>,
    %swap3A_219 = vector.shape_cast %swap3A_218 : vector<16xf32> to vector<16xf32>
    %swap3A_220 = vector.shape_cast %broadcast_in_dim3A_216 : vector<16xf32> to vector<16xf32>
    tpu.vector_store %arg7[%swap3A_217], %swap3A_220 {strides = array<i32>} : memref<640xf32, #tpu.memory_space<vmem>>, vector<16xf32>,
    %broadcast_in_dim3A_221 = arith.constant 0.000000e+00 : f32
    %broadcast_in_dim3A_222 = vector.broadcast %broadcast_in_dim3A_221 : f32 to vector<16xf32>
    %swap3A_223 = arith.constant 512 : index
    %swap3A_224 = tpu.vector_load %arg7[%swap3A_223] {strides = array<i32>} : memref<640xf32, #tpu.memory_space<vmem>>, vector<16xf32>,
    %swap3A_225 = vector.shape_cast %swap3A_224 : vector<16xf32> to vector<16xf32>
    %swap3A_226 = vector.shape_cast %broadcast_in_dim3A_222 : vector<16xf32> to vector<16xf32>
    tpu.vector_store %arg7[%swap3A_223], %swap3A_226 {strides = array<i32>} : memref<640xf32, #tpu.memory_space<vmem>>, vector<16xf32>,
    %broadcast_in_dim3A_227 = arith.constant 0.000000e+00 : f32
    %broadcast_in_dim3A_228 = vector.broadcast %broadcast_in_dim3A_227 : f32 to vector<16xf32>
    %swap3A_229 = arith.constant 528 : index
    %swap3A_230 = tpu.vector_load %arg7[%swap3A_229] {strides = array<i32>} : memref<640xf32, #tpu.memory_space<vmem>>, vector<16xf32>,
    %swap3A_231 = vector.shape_cast %swap3A_230 : vector<16xf32> to vector<16xf32>
    %swap3A_232 = vector.shape_cast %broadcast_in_dim3A_228 : vector<16xf32> to vector<16xf32>
    tpu.vector_store %arg7[%swap3A_229], %swap3A_232 {strides = array<i32>} : memref<640xf32, #tpu.memory_space<vmem>>, vector<16xf32>,
    %broadcast_in_dim3A_233 = arith.constant 0.000000e+00 : f32
    %broadcast_in_dim3A_234 = vector.broadcast %broadcast_in_dim3A_233 : f32 to vector<16xf32>
    %swap3A_235 = arith.constant 544 : index
    %swap3A_236 = tpu.vector_load %arg7[%swap3A_235] {strides = array<i32>} : memref<640xf32, #tpu.memory_space<vmem>>, vector<16xf32>,
    %swap3A_237 = vector.shape_cast %swap3A_236 : vector<16xf32> to vector<16xf32>
    %swap3A_238 = vector.shape_cast %broadcast_in_dim3A_234 : vector<16xf32> to vector<16xf32>
    tpu.vector_store %arg7[%swap3A_235], %swap3A_238 {strides = array<i32>} : memref<640xf32, #tpu.memory_space<vmem>>, vector<16xf32>,
    %broadcast_in_dim3A_239 = arith.constant 0.000000e+00 : f32
    %broadcast_in_dim3A_240 = vector.broadcast %broadcast_in_dim3A_239 : f32 to vector<16xf32>
    %swap3A_241 = arith.constant 560 : index
    %swap3A_242 = tpu.vector_load %arg7[%swap3A_241] {strides = array<i32>} : memref<640xf32, #tpu.memory_space<vmem>>, vector<16xf32>,
    %swap3A_243 = vector.shape_cast %swap3A_242 : vector<16xf32> to vector<16xf32>
    %swap3A_244 = vector.shape_cast %broadcast_in_dim3A_240 : vector<16xf32> to vector<16xf32>
    tpu.vector_store %arg7[%swap3A_241], %swap3A_244 {strides = array<i32>} : memref<640xf32, #tpu.memory_space<vmem>>, vector<16xf32>,
    %broadcast_in_dim3A_245 = arith.constant 0.000000e+00 : f32
    %broadcast_in_dim3A_246 = vector.broadcast %broadcast_in_dim3A_245 : f32 to vector<16xf32>
    %swap3A_247 = arith.constant 576 : index
    %swap3A_248 = tpu.vector_load %arg7[%swap3A_247] {strides = array<i32>} : memref<640xf32, #tpu.memory_space<vmem>>, vector<16xf32>,
    %swap3A_249 = vector.shape_cast %swap3A_248 : vector<16xf32> to vector<16xf32>
    %swap3A_250 = vector.shape_cast %broadcast_in_dim3A_246 : vector<16xf32> to vector<16xf32>
    tpu.vector_store %arg7[%swap3A_247], %swap3A_250 {strides = array<i32>} : memref<640xf32, #tpu.memory_space<vmem>>, vector<16xf32>,
    %broadcast_in_dim3A_251 = arith.constant 0.000000e+00 : f32
    %broadcast_in_dim3A_252 = vector.broadcast %broadcast_in_dim3A_251 : f32 to vector<16xf32>
    %swap3A_253 = arith.constant 592 : index
    %swap3A_254 = tpu.vector_load %arg7[%swap3A_253] {strides = array<i32>} : memref<640xf32, #tpu.memory_space<vmem>>, vector<16xf32>,
    %swap3A_255 = vector.shape_cast %swap3A_254 : vector<16xf32> to vector<16xf32>
    %swap3A_256 = vector.shape_cast %broadcast_in_dim3A_252 : vector<16xf32> to vector<16xf32>
    tpu.vector_store %arg7[%swap3A_253], %swap3A_256 {strides = array<i32>} : memref<640xf32, #tpu.memory_space<vmem>>, vector<16xf32>,
    %broadcast_in_dim3A_257 = arith.constant 0.000000e+00 : f32
    %broadcast_in_dim3A_258 = vector.broadcast %broadcast_in_dim3A_257 : f32 to vector<16xf32>
    %swap3A_259 = arith.constant 608 : index
    %swap3A_260 = tpu.vector_load %arg7[%swap3A_259] {strides = array<i32>} : memref<640xf32, #tpu.memory_space<vmem>>, vector<16xf32>,
    %swap3A_261 = vector.shape_cast %swap3A_260 : vector<16xf32> to vector<16xf32>
    %swap3A_262 = vector.shape_cast %broadcast_in_dim3A_258 : vector<16xf32> to vector<16xf32>
    tpu.vector_store %arg7[%swap3A_259], %swap3A_262 {strides = array<i32>} : memref<640xf32, #tpu.memory_space<vmem>>, vector<16xf32>,
    %broadcast_in_dim3A_263 = arith.constant 0.000000e+00 : f32
    %broadcast_in_dim3A_264 = vector.broadcast %broadcast_in_dim3A_263 : f32 to vector<16xf32>
    %swap3A_265 = arith.constant 624 : index
    %swap3A_266 = tpu.vector_load %arg7[%swap3A_265] {strides = array<i32>} : memref<640xf32, #tpu.memory_space<vmem>>, vector<16xf32>,
    %swap3A_267 = vector.shape_cast %swap3A_266 : vector<16xf32> to vector<16xf32>
    %swap3A_268 = vector.shape_cast %broadcast_in_dim3A_264 : vector<16xf32> to vector<16xf32>
    tpu.vector_store %arg7[%swap3A_265], %swap3A_268 {strides = array<i32>} : memref<640xf32, #tpu.memory_space<vmem>>, vector<16xf32>,
    %mul3A_269 = arith.constant 640 : i32
    %mul3A_270 = arith.muli %arg1, %mul3A_269 : i32
    "tpu.region"() ({
      %run_scoped3A = tpu.sem_alloc : memref<!tpu.dma_semaphore, #tpu.memory_space<semaphore_mem>>
      %dma_start3A = tpu.memref_slice %arg8[%mul3A_270] : memref<10240xf32, #tpu.memory_space<vmem_shared>> -> memref<640xf32, #tpu.memory_space<vmem_shared>>
      %dma_start3A_378 = tpu.memref_slice %arg8[%mul3A_270] : memref<10240xf32, #tpu.memory_space<vmem_shared>> -> memref<640xf32, #tpu.memory_space<vmem_shared>>
      tpu.enqueue_dma source(%arg7 : memref<640xf32, #tpu.memory_space<vmem>>) target(%dma_start3A_378 : memref<640xf32, #tpu.memory_space<vmem_shared>>) target_semaphore(%run_scoped3A : memref<!tpu.dma_semaphore, #tpu.memory_space<semaphore_mem>>)
      %dma_wait3A_379 = tpu.memref_slice %arg8[%mul3A_270] : memref<10240xf32, #tpu.memory_space<vmem_shared>> -> memref<640xf32, #tpu.memory_space<vmem_shared>>
      %dma_wait3A_380 = tpu.memref_slice %arg8[%mul3A_270] : memref<10240xf32, #tpu.memory_space<vmem_shared>> -> memref<640xf32, #tpu.memory_space<vmem_shared>>
      tpu.wait_dma2 semaphore(%run_scoped3A : memref<!tpu.dma_semaphore, #tpu.memory_space<semaphore_mem>>) src(%arg7 : memref<640xf32, #tpu.memory_space<vmem>>) dst(%dma_wait3A_380 : memref<640xf32, #tpu.memory_space<vmem_shared>>)
      tpu.yield
    }) : () -> ()
    %barrier3A = arith.constant 0 : index
    tpu.barrier barrier_id(%barrier3A)
    "tpu.region"() ({
      %run_scoped3A = tpu.sem_alloc : memref<!tpu.dma_semaphore, #tpu.memory_space<semaphore_mem>>
      %dma_start3A = arith.constant 0 : i32
      %dma_start3A_378 = arith.constant 0 : i32
      %dma_start3A_379 = tpu.memref_slice %arg2[%add3A, %dma_start3A, %dma_start3A_378] : memref<32x125x80xi32, #tpu.memory_space<hbm>> -> memref<1x125x80xi32, #tpu.memory_space<hbm>>
      %dma_start3A_380 = tpu.memref_squeeze %dma_start3A_379 : memref<1x125x80xi32, #tpu.memory_space<hbm>> -> memref<125x80xi32, #tpu.memory_space<hbm>>
      %dma_start3A_381 = arith.constant 0 : i32
      %dma_start3A_382 = arith.constant 0 : i32
      %dma_start3A_383 = tpu.memref_slice %arg2[%add3A, %dma_start3A_381, %dma_start3A_382] : memref<32x125x80xi32, #tpu.memory_space<hbm>> -> memref<1x125x80xi32, #tpu.memory_space<hbm>>
      %dma_start3A_384 = tpu.memref_squeeze %dma_start3A_383 : memref<1x125x80xi32, #tpu.memory_space<hbm>> -> memref<125x80xi32, #tpu.memory_space<hbm>>
      tpu.enqueue_dma source(%dma_start3A_384 : memref<125x80xi32, #tpu.memory_space<hbm>>) target(%arg5 : memref<125x80xi32, #tpu.memory_space<vmem>>) target_semaphore(%run_scoped3A : memref<!tpu.dma_semaphore, #tpu.memory_space<semaphore_mem>>)
      %dma_wait3A_385 = arith.constant 0 : i32
      %dma_wait3A_386 = arith.constant 0 : i32
      %dma_wait3A_387 = tpu.memref_slice %arg2[%add3A, %dma_wait3A_385, %dma_wait3A_386] : memref<32x125x80xi32, #tpu.memory_space<hbm>> -> memref<1x125x80xi32, #tpu.memory_space<hbm>>
      %dma_wait3A_388 = tpu.memref_squeeze %dma_wait3A_387 : memref<1x125x80xi32, #tpu.memory_space<hbm>> -> memref<125x80xi32, #tpu.memory_space<hbm>>
      %dma_wait3A_389 = arith.constant 0 : i32
      %dma_wait3A_390 = arith.constant 0 : i32
      %dma_wait3A_391 = tpu.memref_slice %arg2[%add3A, %dma_wait3A_389, %dma_wait3A_390] : memref<32x125x80xi32, #tpu.memory_space<hbm>> -> memref<1x125x80xi32, #tpu.memory_space<hbm>>
      %dma_wait3A_392 = tpu.memref_squeeze %dma_wait3A_391 : memref<1x125x80xi32, #tpu.memory_space<hbm>> -> memref<125x80xi32, #tpu.memory_space<hbm>>
      tpu.wait_dma2 semaphore(%run_scoped3A : memref<!tpu.dma_semaphore, #tpu.memory_space<semaphore_mem>>) src(%dma_wait3A_392 : memref<125x80xi32, #tpu.memory_space<hbm>>) dst(%arg5 : memref<125x80xi32, #tpu.memory_space<vmem>>)
      tpu.yield
    }) : () -> ()
    %scan3A = arith.constant 0 : i32
    %scan3A_271 = arith.constant 125 : i32
    %scan3A_272 = arith.addi %scan3A, %scan3A_271 : i32
    %scan3A_273 = arith.constant 1 : i32
    scf.for %scan3A_378 = %scan3A to %scan3A_272 step %scan3A_273  : i32 {
      %dma_start3A = arith.constant 0 : i32
      %dma_start3A_379 = tpu.memref_slice %arg5[%scan3A_378, %dma_start3A] : memref<125x80xi32, #tpu.memory_space<vmem>> -> memref<1x80xi32, #tpu.memory_space<vmem>>
      %dma_start3A_380 = tpu.memref_squeeze %dma_start3A_379 : memref<1x80xi32, #tpu.memory_space<vmem>> -> memref<80xi32, #tpu.memory_space<vmem>>
      %dma_start3A_381 = arith.constant 0 : i32
      %dma_start3A_382 = tpu.memref_slice %arg8[%dma_start3A_381] : memref<10240xf32, #tpu.memory_space<vmem_shared>> -> memref<10240xf32, #tpu.memory_space<vmem_shared>>
      tpu.enqueue_indirect_dma source(%arg6 : memref<80xf32, #tpu.memory_space<vmem>>) target(%dma_start3A_382 : memref<10240xf32, #tpu.memory_space<vmem_shared>>) offsets(%dma_start3A_380 : memref<80xi32, #tpu.memory_space<vmem>>) semaphore(%arg9 : memref<!tpu.dma_semaphore, #tpu.memory_space<semaphore_mem>>) {add = true}
      %ge3A = arith.constant 16 : i32
      %ge3A_383 = arith.cmpi sge, %scan3A_378, %ge3A : i32
      %convert_element_type3A_384 = arith.extui %ge3A_383 : i1 to i32
      %cond3A_385 = arith.constant 0 : i32
      %cond3A_386 = arith.cmpi ne, %convert_element_type3A_384, %cond3A_385 : i32
      scf.if %cond3A_386 {
        %sub3A = arith.constant 16 : i32
        %sub3A_387 = arith.subi %scan3A_378, %sub3A : i32
        %dma_wait3A_388 = arith.constant 0 : i32
        %dma_wait3A_389 = tpu.memref_slice %arg5[%sub3A_387, %dma_wait3A_388] : memref<125x80xi32, #tpu.memory_space<vmem>> -> memref<1x80xi32, #tpu.memory_space<vmem>>
        %dma_wait3A_390 = tpu.memref_squeeze %dma_wait3A_389 : memref<1x80xi32, #tpu.memory_space<vmem>> -> memref<80xi32, #tpu.memory_space<vmem>>
        %dma_wait3A_391 = arith.constant 0 : i32
        %dma_wait3A_392 = tpu.memref_slice %arg8[%dma_wait3A_391] : memref<10240xf32, #tpu.memory_space<vmem_shared>> -> memref<10240xf32, #tpu.memory_space<vmem_shared>>
        tpu.wait_indirect_dma semaphore(%arg9 : memref<!tpu.dma_semaphore, #tpu.memory_space<semaphore_mem>>) src(%arg6 : memref<80xf32, #tpu.memory_space<vmem>>) dst(%dma_wait3A_392 : memref<10240xf32, #tpu.memory_space<vmem_shared>>)
      } else {
      }
    }
    %scan3A_274 = arith.constant 125 : i32
    %dma_wait3A = arith.constant 109 : i32
    %dma_wait3A_275 = arith.constant 0 : i32
    %dma_wait3A_276 = tpu.memref_slice %arg5[%dma_wait3A, %dma_wait3A_275] : memref<125x80xi32, #tpu.memory_space<vmem>> -> memref<1x80xi32, #tpu.memory_space<vmem>>
    %dma_wait3A_277 = tpu.memref_squeeze %dma_wait3A_276 : memref<1x80xi32, #tpu.memory_space<vmem>> -> memref<80xi32, #tpu.memory_space<vmem>>
    %dma_wait3A_278 = arith.constant 0 : i32
    %dma_wait3A_279 = tpu.memref_slice %arg8[%dma_wait3A_278] : memref<10240xf32, #tpu.memory_space<vmem_shared>> -> memref<10240xf32, #tpu.memory_space<vmem_shared>>
    tpu.wait_indirect_dma semaphore(%arg9 : memref<!tpu.dma_semaphore, #tpu.memory_space<semaphore_mem>>) src(%arg6 : memref<80xf32, #tpu.memory_space<vmem>>) dst(%dma_wait3A_279 : memref<10240xf32, #tpu.memory_space<vmem_shared>>)
    %dma_wait3A_280 = arith.constant 110 : i32
    %dma_wait3A_281 = arith.constant 0 : i32
    %dma_wait3A_282 = tpu.memref_slice %arg5[%dma_wait3A_280, %dma_wait3A_281] : memref<125x80xi32, #tpu.memory_space<vmem>> -> memref<1x80xi32, #tpu.memory_space<vmem>>
    %dma_wait3A_283 = tpu.memref_squeeze %dma_wait3A_282 : memref<1x80xi32, #tpu.memory_space<vmem>> -> memref<80xi32, #tpu.memory_space<vmem>>
    %dma_wait3A_284 = arith.constant 0 : i32
    %dma_wait3A_285 = tpu.memref_slice %arg8[%dma_wait3A_284] : memref<10240xf32, #tpu.memory_space<vmem_shared>> -> memref<10240xf32, #tpu.memory_space<vmem_shared>>
    tpu.wait_indirect_dma semaphore(%arg9 : memref<!tpu.dma_semaphore, #tpu.memory_space<semaphore_mem>>) src(%arg6 : memref<80xf32, #tpu.memory_space<vmem>>) dst(%dma_wait3A_285 : memref<10240xf32, #tpu.memory_space<vmem_shared>>)
    %dma_wait3A_286 = arith.constant 111 : i32
    %dma_wait3A_287 = arith.constant 0 : i32
    %dma_wait3A_288 = tpu.memref_slice %arg5[%dma_wait3A_286, %dma_wait3A_287] : memref<125x80xi32, #tpu.memory_space<vmem>> -> memref<1x80xi32, #tpu.memory_space<vmem>>
    %dma_wait3A_289 = tpu.memref_squeeze %dma_wait3A_288 : memref<1x80xi32, #tpu.memory_space<vmem>> -> memref<80xi32, #tpu.memory_space<vmem>>
    %dma_wait3A_290 = arith.constant 0 : i32
    %dma_wait3A_291 = tpu.memref_slice %arg8[%dma_wait3A_290] : memref<10240xf32, #tpu.memory_space<vmem_shared>> -> memref<10240xf32, #tpu.memory_space<vmem_shared>>
    tpu.wait_indirect_dma semaphore(%arg9 : memref<!tpu.dma_semaphore, #tpu.memory_space<semaphore_mem>>) src(%arg6 : memref<80xf32, #tpu.memory_space<vmem>>) dst(%dma_wait3A_291 : memref<10240xf32, #tpu.memory_space<vmem_shared>>)
    %dma_wait3A_292 = arith.constant 112 : i32
    %dma_wait3A_293 = arith.constant 0 : i32
    %dma_wait3A_294 = tpu.memref_slice %arg5[%dma_wait3A_292, %dma_wait3A_293] : memref<125x80xi32, #tpu.memory_space<vmem>> -> memref<1x80xi32, #tpu.memory_space<vmem>>
    %dma_wait3A_295 = tpu.memref_squeeze %dma_wait3A_294 : memref<1x80xi32, #tpu.memory_space<vmem>> -> memref<80xi32, #tpu.memory_space<vmem>>
    %dma_wait3A_296 = arith.constant 0 : i32
    %dma_wait3A_297 = tpu.memref_slice %arg8[%dma_wait3A_296] : memref<10240xf32, #tpu.memory_space<vmem_shared>> -> memref<10240xf32, #tpu.memory_space<vmem_shared>>
    tpu.wait_indirect_dma semaphore(%arg9 : memref<!tpu.dma_semaphore, #tpu.memory_space<semaphore_mem>>) src(%arg6 : memref<80xf32, #tpu.memory_space<vmem>>) dst(%dma_wait3A_297 : memref<10240xf32, #tpu.memory_space<vmem_shared>>)
    %dma_wait3A_298 = arith.constant 113 : i32
    %dma_wait3A_299 = arith.constant 0 : i32
    %dma_wait3A_300 = tpu.memref_slice %arg5[%dma_wait3A_298, %dma_wait3A_299] : memref<125x80xi32, #tpu.memory_space<vmem>> -> memref<1x80xi32, #tpu.memory_space<vmem>>
    %dma_wait3A_301 = tpu.memref_squeeze %dma_wait3A_300 : memref<1x80xi32, #tpu.memory_space<vmem>> -> memref<80xi32, #tpu.memory_space<vmem>>
    %dma_wait3A_302 = arith.constant 0 : i32
    %dma_wait3A_303 = tpu.memref_slice %arg8[%dma_wait3A_302] : memref<10240xf32, #tpu.memory_space<vmem_shared>> -> memref<10240xf32, #tpu.memory_space<vmem_shared>>
    tpu.wait_indirect_dma semaphore(%arg9 : memref<!tpu.dma_semaphore, #tpu.memory_space<semaphore_mem>>) src(%arg6 : memref<80xf32, #tpu.memory_space<vmem>>) dst(%dma_wait3A_303 : memref<10240xf32, #tpu.memory_space<vmem_shared>>)
    %dma_wait3A_304 = arith.constant 114 : i32
    %dma_wait3A_305 = arith.constant 0 : i32
    %dma_wait3A_306 = tpu.memref_slice %arg5[%dma_wait3A_304, %dma_wait3A_305] : memref<125x80xi32, #tpu.memory_space<vmem>> -> memref<1x80xi32, #tpu.memory_space<vmem>>
    %dma_wait3A_307 = tpu.memref_squeeze %dma_wait3A_306 : memref<1x80xi32, #tpu.memory_space<vmem>> -> memref<80xi32, #tpu.memory_space<vmem>>
    %dma_wait3A_308 = arith.constant 0 : i32
    %dma_wait3A_309 = tpu.memref_slice %arg8[%dma_wait3A_308] : memref<10240xf32, #tpu.memory_space<vmem_shared>> -> memref<10240xf32, #tpu.memory_space<vmem_shared>>
    tpu.wait_indirect_dma semaphore(%arg9 : memref<!tpu.dma_semaphore, #tpu.memory_space<semaphore_mem>>) src(%arg6 : memref<80xf32, #tpu.memory_space<vmem>>) dst(%dma_wait3A_309 : memref<10240xf32, #tpu.memory_space<vmem_shared>>)
    %dma_wait3A_310 = arith.constant 115 : i32
    %dma_wait3A_311 = arith.constant 0 : i32
    %dma_wait3A_312 = tpu.memref_slice %arg5[%dma_wait3A_310, %dma_wait3A_311] : memref<125x80xi32, #tpu.memory_space<vmem>> -> memref<1x80xi32, #tpu.memory_space<vmem>>
    %dma_wait3A_313 = tpu.memref_squeeze %dma_wait3A_312 : memref<1x80xi32, #tpu.memory_space<vmem>> -> memref<80xi32, #tpu.memory_space<vmem>>
    %dma_wait3A_314 = arith.constant 0 : i32
    %dma_wait3A_315 = tpu.memref_slice %arg8[%dma_wait3A_314] : memref<10240xf32, #tpu.memory_space<vmem_shared>> -> memref<10240xf32, #tpu.memory_space<vmem_shared>>
    tpu.wait_indirect_dma semaphore(%arg9 : memref<!tpu.dma_semaphore, #tpu.memory_space<semaphore_mem>>) src(%arg6 : memref<80xf32, #tpu.memory_space<vmem>>) dst(%dma_wait3A_315 : memref<10240xf32, #tpu.memory_space<vmem_shared>>)
    %dma_wait3A_316 = arith.constant 116 : i32
    %dma_wait3A_317 = arith.constant 0 : i32
    %dma_wait3A_318 = tpu.memref_slice %arg5[%dma_wait3A_316, %dma_wait3A_317] : memref<125x80xi32, #tpu.memory_space<vmem>> -> memref<1x80xi32, #tpu.memory_space<vmem>>
    %dma_wait3A_319 = tpu.memref_squeeze %dma_wait3A_318 : memref<1x80xi32, #tpu.memory_space<vmem>> -> memref<80xi32, #tpu.memory_space<vmem>>
    %dma_wait3A_320 = arith.constant 0 : i32
    %dma_wait3A_321 = tpu.memref_slice %arg8[%dma_wait3A_320] : memref<10240xf32, #tpu.memory_space<vmem_shared>> -> memref<10240xf32, #tpu.memory_space<vmem_shared>>
    tpu.wait_indirect_dma semaphore(%arg9 : memref<!tpu.dma_semaphore, #tpu.memory_space<semaphore_mem>>) src(%arg6 : memref<80xf32, #tpu.memory_space<vmem>>) dst(%dma_wait3A_321 : memref<10240xf32, #tpu.memory_space<vmem_shared>>)
    %dma_wait3A_322 = arith.constant 117 : i32
    %dma_wait3A_323 = arith.constant 0 : i32
    %dma_wait3A_324 = tpu.memref_slice %arg5[%dma_wait3A_322, %dma_wait3A_323] : memref<125x80xi32, #tpu.memory_space<vmem>> -> memref<1x80xi32, #tpu.memory_space<vmem>>
    %dma_wait3A_325 = tpu.memref_squeeze %dma_wait3A_324 : memref<1x80xi32, #tpu.memory_space<vmem>> -> memref<80xi32, #tpu.memory_space<vmem>>
    %dma_wait3A_326 = arith.constant 0 : i32
    %dma_wait3A_327 = tpu.memref_slice %arg8[%dma_wait3A_326] : memref<10240xf32, #tpu.memory_space<vmem_shared>> -> memref<10240xf32, #tpu.memory_space<vmem_shared>>
    tpu.wait_indirect_dma semaphore(%arg9 : memref<!tpu.dma_semaphore, #tpu.memory_space<semaphore_mem>>) src(%arg6 : memref<80xf32, #tpu.memory_space<vmem>>) dst(%dma_wait3A_327 : memref<10240xf32, #tpu.memory_space<vmem_shared>>)
    %dma_wait3A_328 = arith.constant 118 : i32
    %dma_wait3A_329 = arith.constant 0 : i32
    %dma_wait3A_330 = tpu.memref_slice %arg5[%dma_wait3A_328, %dma_wait3A_329] : memref<125x80xi32, #tpu.memory_space<vmem>> -> memref<1x80xi32, #tpu.memory_space<vmem>>
    %dma_wait3A_331 = tpu.memref_squeeze %dma_wait3A_330 : memref<1x80xi32, #tpu.memory_space<vmem>> -> memref<80xi32, #tpu.memory_space<vmem>>
    %dma_wait3A_332 = arith.constant 0 : i32
    %dma_wait3A_333 = tpu.memref_slice %arg8[%dma_wait3A_332] : memref<10240xf32, #tpu.memory_space<vmem_shared>> -> memref<10240xf32, #tpu.memory_space<vmem_shared>>
    tpu.wait_indirect_dma semaphore(%arg9 : memref<!tpu.dma_semaphore, #tpu.memory_space<semaphore_mem>>) src(%arg6 : memref<80xf32, #tpu.memory_space<vmem>>) dst(%dma_wait3A_333 : memref<10240xf32, #tpu.memory_space<vmem_shared>>)
    %dma_wait3A_334 = arith.constant 119 : i32
    %dma_wait3A_335 = arith.constant 0 : i32
    %dma_wait3A_336 = tpu.memref_slice %arg5[%dma_wait3A_334, %dma_wait3A_335] : memref<125x80xi32, #tpu.memory_space<vmem>> -> memref<1x80xi32, #tpu.memory_space<vmem>>
    %dma_wait3A_337 = tpu.memref_squeeze %dma_wait3A_336 : memref<1x80xi32, #tpu.memory_space<vmem>> -> memref<80xi32, #tpu.memory_space<vmem>>
    %dma_wait3A_338 = arith.constant 0 : i32
    %dma_wait3A_339 = tpu.memref_slice %arg8[%dma_wait3A_338] : memref<10240xf32, #tpu.memory_space<vmem_shared>> -> memref<10240xf32, #tpu.memory_space<vmem_shared>>
    tpu.wait_indirect_dma semaphore(%arg9 : memref<!tpu.dma_semaphore, #tpu.memory_space<semaphore_mem>>) src(%arg6 : memref<80xf32, #tpu.memory_space<vmem>>) dst(%dma_wait3A_339 : memref<10240xf32, #tpu.memory_space<vmem_shared>>)
    %dma_wait3A_340 = arith.constant 120 : i32
    %dma_wait3A_341 = arith.constant 0 : i32
    %dma_wait3A_342 = tpu.memref_slice %arg5[%dma_wait3A_340, %dma_wait3A_341] : memref<125x80xi32, #tpu.memory_space<vmem>> -> memref<1x80xi32, #tpu.memory_space<vmem>>
    %dma_wait3A_343 = tpu.memref_squeeze %dma_wait3A_342 : memref<1x80xi32, #tpu.memory_space<vmem>> -> memref<80xi32, #tpu.memory_space<vmem>>
    %dma_wait3A_344 = arith.constant 0 : i32
    %dma_wait3A_345 = tpu.memref_slice %arg8[%dma_wait3A_344] : memref<10240xf32, #tpu.memory_space<vmem_shared>> -> memref<10240xf32, #tpu.memory_space<vmem_shared>>
    tpu.wait_indirect_dma semaphore(%arg9 : memref<!tpu.dma_semaphore, #tpu.memory_space<semaphore_mem>>) src(%arg6 : memref<80xf32, #tpu.memory_space<vmem>>) dst(%dma_wait3A_345 : memref<10240xf32, #tpu.memory_space<vmem_shared>>)
    %dma_wait3A_346 = arith.constant 121 : i32
    %dma_wait3A_347 = arith.constant 0 : i32
    %dma_wait3A_348 = tpu.memref_slice %arg5[%dma_wait3A_346, %dma_wait3A_347] : memref<125x80xi32, #tpu.memory_space<vmem>> -> memref<1x80xi32, #tpu.memory_space<vmem>>
    %dma_wait3A_349 = tpu.memref_squeeze %dma_wait3A_348 : memref<1x80xi32, #tpu.memory_space<vmem>> -> memref<80xi32, #tpu.memory_space<vmem>>
    %dma_wait3A_350 = arith.constant 0 : i32
    %dma_wait3A_351 = tpu.memref_slice %arg8[%dma_wait3A_350] : memref<10240xf32, #tpu.memory_space<vmem_shared>> -> memref<10240xf32, #tpu.memory_space<vmem_shared>>
    tpu.wait_indirect_dma semaphore(%arg9 : memref<!tpu.dma_semaphore, #tpu.memory_space<semaphore_mem>>) src(%arg6 : memref<80xf32, #tpu.memory_space<vmem>>) dst(%dma_wait3A_351 : memref<10240xf32, #tpu.memory_space<vmem_shared>>)
    %dma_wait3A_352 = arith.constant 122 : i32
    %dma_wait3A_353 = arith.constant 0 : i32
    %dma_wait3A_354 = tpu.memref_slice %arg5[%dma_wait3A_352, %dma_wait3A_353] : memref<125x80xi32, #tpu.memory_space<vmem>> -> memref<1x80xi32, #tpu.memory_space<vmem>>
    %dma_wait3A_355 = tpu.memref_squeeze %dma_wait3A_354 : memref<1x80xi32, #tpu.memory_space<vmem>> -> memref<80xi32, #tpu.memory_space<vmem>>
    %dma_wait3A_356 = arith.constant 0 : i32
    %dma_wait3A_357 = tpu.memref_slice %arg8[%dma_wait3A_356] : memref<10240xf32, #tpu.memory_space<vmem_shared>> -> memref<10240xf32, #tpu.memory_space<vmem_shared>>
    tpu.wait_indirect_dma semaphore(%arg9 : memref<!tpu.dma_semaphore, #tpu.memory_space<semaphore_mem>>) src(%arg6 : memref<80xf32, #tpu.memory_space<vmem>>) dst(%dma_wait3A_357 : memref<10240xf32, #tpu.memory_space<vmem_shared>>)
    %dma_wait3A_358 = arith.constant 123 : i32
    %dma_wait3A_359 = arith.constant 0 : i32
    %dma_wait3A_360 = tpu.memref_slice %arg5[%dma_wait3A_358, %dma_wait3A_359] : memref<125x80xi32, #tpu.memory_space<vmem>> -> memref<1x80xi32, #tpu.memory_space<vmem>>
    %dma_wait3A_361 = tpu.memref_squeeze %dma_wait3A_360 : memref<1x80xi32, #tpu.memory_space<vmem>> -> memref<80xi32, #tpu.memory_space<vmem>>
    %dma_wait3A_362 = arith.constant 0 : i32
    %dma_wait3A_363 = tpu.memref_slice %arg8[%dma_wait3A_362] : memref<10240xf32, #tpu.memory_space<vmem_shared>> -> memref<10240xf32, #tpu.memory_space<vmem_shared>>
    tpu.wait_indirect_dma semaphore(%arg9 : memref<!tpu.dma_semaphore, #tpu.memory_space<semaphore_mem>>) src(%arg6 : memref<80xf32, #tpu.memory_space<vmem>>) dst(%dma_wait3A_363 : memref<10240xf32, #tpu.memory_space<vmem_shared>>)
    %dma_wait3A_364 = arith.constant 124 : i32
    %dma_wait3A_365 = arith.constant 0 : i32
    %dma_wait3A_366 = tpu.memref_slice %arg5[%dma_wait3A_364, %dma_wait3A_365] : memref<125x80xi32, #tpu.memory_space<vmem>> -> memref<1x80xi32, #tpu.memory_space<vmem>>
    %dma_wait3A_367 = tpu.memref_squeeze %dma_wait3A_366 : memref<1x80xi32, #tpu.memory_space<vmem>> -> memref<80xi32, #tpu.memory_space<vmem>>
    %dma_wait3A_368 = arith.constant 0 : i32
    %dma_wait3A_369 = tpu.memref_slice %arg8[%dma_wait3A_368] : memref<10240xf32, #tpu.memory_space<vmem_shared>> -> memref<10240xf32, #tpu.memory_space<vmem_shared>>
    tpu.wait_indirect_dma semaphore(%arg9 : memref<!tpu.dma_semaphore, #tpu.memory_space<semaphore_mem>>) src(%arg6 : memref<80xf32, #tpu.memory_space<vmem>>) dst(%dma_wait3A_369 : memref<10240xf32, #tpu.memory_space<vmem_shared>>)
    %barrier3A_370 = arith.constant 0 : index
    tpu.barrier barrier_id(%barrier3A_370)
    %eq3A = arith.constant 0 : i32
    %eq3A_371 = arith.cmpi eq, %arg0, %eq3A : i32
    %convert_element_type3A = arith.extui %eq3A_371 : i1 to i32
    %cond3A = arith.constant 0 : i32
    %cond3A_372 = arith.cmpi ne, %convert_element_type3A, %cond3A : i32
    scf.if %cond3A_372 {
      %mul3A_378 = arith.constant 640 : i32
      %mul3A_379 = arith.muli %arg1, %mul3A_378 : i32
      %mul3A_380 = arith.constant 640 : i32
      %mul3A_381 = arith.muli %arg1, %mul3A_380 : i32
      "tpu.region"() ({
        %run_scoped3A = tpu.sem_alloc : memref<!tpu.dma_semaphore, #tpu.memory_space<semaphore_mem>>
        %dma_start3A = tpu.memref_slice %arg3[%mul3A_381] : memref<10240xf32, #tpu.memory_space<hbm>> -> memref<640xf32, #tpu.memory_space<hbm>>
        %dma_start3A_382 = tpu.memref_slice %arg8[%mul3A_379] : memref<10240xf32, #tpu.memory_space<vmem_shared>> -> memref<640xf32, #tpu.memory_space<vmem_shared>>
        tpu.enqueue_dma source(%dma_start3A_382 : memref<640xf32, #tpu.memory_space<vmem_shared>>) target(%dma_start3A : memref<640xf32, #tpu.memory_space<hbm>>) target_semaphore(%run_scoped3A : memref<!tpu.dma_semaphore, #tpu.memory_space<semaphore_mem>>)
        %dma_wait3A_383 = tpu.memref_slice %arg3[%mul3A_381] : memref<10240xf32, #tpu.memory_space<hbm>> -> memref<640xf32, #tpu.memory_space<hbm>>
        %dma_wait3A_384 = tpu.memref_slice %arg8[%mul3A_379] : memref<10240xf32, #tpu.memory_space<vmem_shared>> -> memref<640xf32, #tpu.memory_space<vmem_shared>>
        tpu.wait_dma2 semaphore(%run_scoped3A : memref<!tpu.dma_semaphore, #tpu.memory_space<semaphore_mem>>) src(%dma_wait3A_384 : memref<640xf32, #tpu.memory_space<vmem_shared>>) dst(%dma_wait3A_383 : memref<640xf32, #tpu.memory_space<hbm>>)
        tpu.yield
      }) : () -> ()
    } else {
    }
    %eq3A_373 = arith.constant 1 : i32
    %eq3A_374 = arith.cmpi eq, %arg0, %eq3A_373 : i32
    %convert_element_type3A_375 = arith.extui %eq3A_374 : i1 to i32
    %cond3A_376 = arith.constant 0 : i32
    %cond3A_377 = arith.cmpi ne, %convert_element_type3A_375, %cond3A_376 : i32
    scf.if %cond3A_377 {
      %mul3A_378 = arith.constant 640 : i32
      %mul3A_379 = arith.muli %arg1, %mul3A_378 : i32
      %mul3A_380 = arith.constant 640 : i32
      %mul3A_381 = arith.muli %arg1, %mul3A_380 : i32
      "tpu.region"() ({
        %run_scoped3A = tpu.sem_alloc : memref<!tpu.dma_semaphore, #tpu.memory_space<semaphore_mem>>
        %dma_start3A = tpu.memref_slice %arg4[%mul3A_381] : memref<10240xf32, #tpu.memory_space<hbm>> -> memref<640xf32, #tpu.memory_space<hbm>>
        %dma_start3A_382 = tpu.memref_slice %arg8[%mul3A_379] : memref<10240xf32, #tpu.memory_space<vmem_shared>> -> memref<640xf32, #tpu.memory_space<vmem_shared>>
        tpu.enqueue_dma source(%dma_start3A_382 : memref<640xf32, #tpu.memory_space<vmem_shared>>) target(%dma_start3A : memref<640xf32, #tpu.memory_space<hbm>>) target_semaphore(%run_scoped3A : memref<!tpu.dma_semaphore, #tpu.memory_space<semaphore_mem>>)
        %dma_wait3A_383 = tpu.memref_slice %arg4[%mul3A_381] : memref<10240xf32, #tpu.memory_space<hbm>> -> memref<640xf32, #tpu.memory_space<hbm>>
        %dma_wait3A_384 = tpu.memref_slice %arg8[%mul3A_379] : memref<10240xf32, #tpu.memory_space<vmem_shared>> -> memref<640xf32, #tpu.memory_space<vmem_shared>>
        tpu.wait_dma2 semaphore(%run_scoped3A : memref<!tpu.dma_semaphore, #tpu.memory_space<semaphore_mem>>) src(%dma_wait3A_384 : memref<640xf32, #tpu.memory_space<vmem_shared>>) dst(%dma_wait3A_383 : memref<640xf32, #tpu.memory_space<hbm>>)
        tpu.yield
      }) : () -> ()
    } else {
    }
    return
  }
}

#map = affine_map<(d0, d1) -> (0, 0)>
#map1 = affine_map<(d0, d1) -> (0, 0, 0)>
module attributes {stable_mosaic.version = 14 : i64} {
  func.func @_agg_kernel(%arg0: i32, %arg1: i32, %arg2: memref<10000x128xf32, #tpu.memory_space<hbm>>, %arg3: memref<32x125x80xi32, #tpu.memory_space<hbm>>, %arg4: memref<32x125x80xi32, #tpu.memory_space<hbm>>, %arg5: memref<2x10000x128xf32, #tpu.memory_space<hbm>>, %arg6: memref<125x80xi32, #tpu.memory_space<vmem>>, %arg7: memref<125x80xi32, #tpu.memory_space<vmem>>, %arg8: memref<80x128xf32, #tpu.memory_space<vmem>>, %arg9: memref<80x128xf32, #tpu.memory_space<vmem>>, %arg10: memref<80x128xf32, #tpu.memory_space<vmem>>, %arg11: memref<10000x128xf32, #tpu.memory_space<vmem_shared>>, %arg12: memref<!tpu.dma_semaphore, #tpu.memory_space<semaphore_mem>>, %arg13: memref<!tpu.dma_semaphore, #tpu.memory_space<semaphore_mem>>, %arg14: memref<!tpu.dma_semaphore, #tpu.memory_space<semaphore_mem>>, %arg15: memref<!tpu.dma_semaphore, #tpu.memory_space<semaphore_mem>>, %arg16: memref<!tpu.dma_semaphore, #tpu.memory_space<semaphore_mem>>, %arg17: memref<!tpu.dma_semaphore, #tpu.memory_space<semaphore_mem>>) attributes {dimension_semantics = [#tpu.dimension_semantics<core_parallel>, #tpu.dimension_semantics<subcore_parallel>], iteration_bounds = array<i64: 2, 16>, scalar_prefetch = 0 : i64, scratch_operands = 12 : i64, tpu.core_type = #tpu.core_type<sc_vector_subcore>, window_params = [{transform_indices = #map}, {transform_indices = #map1}, {transform_indices = #map1}, {transform_indices = #map1}]} {
    %mul3A = arith.constant 2 : i32
    %mul3A_0 = arith.muli %arg1, %mul3A : i32
    %add3A = arith.addi %mul3A_0, %arg0 : i32
    %lt3A = arith.constant 15 : i32
    %lt3A_1 = arith.cmpi slt, %arg1, %lt3A : i32
    %convert_element_type3A = arith.extui %lt3A_1 : i1 to i32
    %cond3A = arith.constant 0 : i32
    %cond3A_2 = arith.cmpi ne, %convert_element_type3A, %cond3A : i32
    scf.if %cond3A_2 {
      %mul3A_133 = arith.constant 640 : i32
      %mul3A_134 = arith.muli %arg1, %mul3A_133 : i32
      %mul3A_135 = arith.constant 640 : i32
      %mul3A_136 = arith.muli %arg1, %mul3A_135 : i32
      "tpu.region"() ({
        %run_scoped3A_137 = tpu.sem_alloc : memref<!tpu.dma_semaphore, #tpu.memory_space<semaphore_mem>>
        %dma_start3A_138 = arith.constant 0 : i32
        %dma_start3A_139 = tpu.memref_slice %arg11[%mul3A_136, %dma_start3A_138] : memref<10000x128xf32, #tpu.memory_space<vmem_shared>> -> memref<640x128xf32, #tpu.memory_space<vmem_shared>>
        %dma_start3A_140 = arith.constant 0 : i32
        %dma_start3A_141 = tpu.memref_slice %arg2[%mul3A_134, %dma_start3A_140] : memref<10000x128xf32, #tpu.memory_space<hbm>> -> memref<640x128xf32, #tpu.memory_space<hbm>>
        tpu.enqueue_dma source(%dma_start3A_141 : memref<640x128xf32, #tpu.memory_space<hbm>>) target(%dma_start3A_139 : memref<640x128xf32, #tpu.memory_space<vmem_shared>>) target_semaphore(%run_scoped3A_137 : memref<!tpu.dma_semaphore, #tpu.memory_space<semaphore_mem>>)
        %dma_wait3A_142 = arith.constant 0 : i32
        %dma_wait3A_143 = tpu.memref_slice %arg11[%mul3A_136, %dma_wait3A_142] : memref<10000x128xf32, #tpu.memory_space<vmem_shared>> -> memref<640x128xf32, #tpu.memory_space<vmem_shared>>
        %dma_wait3A_144 = arith.constant 0 : i32
        %dma_wait3A_145 = tpu.memref_slice %arg2[%mul3A_134, %dma_wait3A_144] : memref<10000x128xf32, #tpu.memory_space<hbm>> -> memref<640x128xf32, #tpu.memory_space<hbm>>
        tpu.wait_dma2 semaphore(%run_scoped3A_137 : memref<!tpu.dma_semaphore, #tpu.memory_space<semaphore_mem>>) src(%dma_wait3A_145 : memref<640x128xf32, #tpu.memory_space<hbm>>) dst(%dma_wait3A_143 : memref<640x128xf32, #tpu.memory_space<vmem_shared>>)
        tpu.yield
      }) : () -> ()
    } else {
    }
    %eq3A = arith.constant 15 : i32
    %eq3A_3 = arith.cmpi eq, %arg1, %eq3A : i32
    %convert_element_type3A_4 = arith.extui %eq3A_3 : i1 to i32
    %cond3A_5 = arith.constant 0 : i32
    %cond3A_6 = arith.cmpi ne, %convert_element_type3A_4, %cond3A_5 : i32
    scf.if %cond3A_6 {
      "tpu.region"() ({
        %run_scoped3A_133 = tpu.sem_alloc : memref<!tpu.dma_semaphore, #tpu.memory_space<semaphore_mem>>
        %dma_start3A_134 = arith.constant 9600 : i32
        %dma_start3A_135 = arith.constant 0 : i32
        %dma_start3A_136 = tpu.memref_slice %arg11[%dma_start3A_134, %dma_start3A_135] : memref<10000x128xf32, #tpu.memory_space<vmem_shared>> -> memref<400x128xf32, #tpu.memory_space<vmem_shared>>
        %dma_start3A_137 = arith.constant 9600 : i32
        %dma_start3A_138 = arith.constant 0 : i32
        %dma_start3A_139 = tpu.memref_slice %arg2[%dma_start3A_137, %dma_start3A_138] : memref<10000x128xf32, #tpu.memory_space<hbm>> -> memref<400x128xf32, #tpu.memory_space<hbm>>
        tpu.enqueue_dma source(%dma_start3A_139 : memref<400x128xf32, #tpu.memory_space<hbm>>) target(%dma_start3A_136 : memref<400x128xf32, #tpu.memory_space<vmem_shared>>) target_semaphore(%run_scoped3A_133 : memref<!tpu.dma_semaphore, #tpu.memory_space<semaphore_mem>>)
        %dma_wait3A_140 = arith.constant 9600 : i32
        %dma_wait3A_141 = arith.constant 0 : i32
        %dma_wait3A_142 = tpu.memref_slice %arg11[%dma_wait3A_140, %dma_wait3A_141] : memref<10000x128xf32, #tpu.memory_space<vmem_shared>> -> memref<400x128xf32, #tpu.memory_space<vmem_shared>>
        %dma_wait3A_143 = arith.constant 9600 : i32
        %dma_wait3A_144 = arith.constant 0 : i32
        %dma_wait3A_145 = tpu.memref_slice %arg2[%dma_wait3A_143, %dma_wait3A_144] : memref<10000x128xf32, #tpu.memory_space<hbm>> -> memref<400x128xf32, #tpu.memory_space<hbm>>
        tpu.wait_dma2 semaphore(%run_scoped3A_133 : memref<!tpu.dma_semaphore, #tpu.memory_space<semaphore_mem>>) src(%dma_wait3A_145 : memref<400x128xf32, #tpu.memory_space<hbm>>) dst(%dma_wait3A_142 : memref<400x128xf32, #tpu.memory_space<vmem_shared>>)
        tpu.yield
      }) : () -> ()
    } else {
    }
    %barrier3A = arith.constant 0 : index
    tpu.barrier barrier_id(%barrier3A)
    "tpu.region"() ({
      %run_scoped3A_133 = tpu.sem_alloc : memref<!tpu.dma_semaphore, #tpu.memory_space<semaphore_mem>>
      %dma_start3A_134 = arith.constant 0 : i32
      %dma_start3A_135 = arith.constant 0 : i32
      %dma_start3A_136 = tpu.memref_slice %arg3[%add3A, %dma_start3A_134, %dma_start3A_135] : memref<32x125x80xi32, #tpu.memory_space<hbm>> -> memref<1x125x80xi32, #tpu.memory_space<hbm>>
      %dma_start3A_137 = tpu.memref_squeeze %dma_start3A_136 : memref<1x125x80xi32, #tpu.memory_space<hbm>> -> memref<125x80xi32, #tpu.memory_space<hbm>>
      %dma_start3A_138 = arith.constant 0 : i32
      %dma_start3A_139 = arith.constant 0 : i32
      %dma_start3A_140 = tpu.memref_slice %arg3[%add3A, %dma_start3A_138, %dma_start3A_139] : memref<32x125x80xi32, #tpu.memory_space<hbm>> -> memref<1x125x80xi32, #tpu.memory_space<hbm>>
      %dma_start3A_141 = tpu.memref_squeeze %dma_start3A_140 : memref<1x125x80xi32, #tpu.memory_space<hbm>> -> memref<125x80xi32, #tpu.memory_space<hbm>>
      tpu.enqueue_dma source(%dma_start3A_141 : memref<125x80xi32, #tpu.memory_space<hbm>>) target(%arg6 : memref<125x80xi32, #tpu.memory_space<vmem>>) target_semaphore(%run_scoped3A_133 : memref<!tpu.dma_semaphore, #tpu.memory_space<semaphore_mem>>)
      %dma_wait3A_142 = arith.constant 0 : i32
      %dma_wait3A_143 = arith.constant 0 : i32
      %dma_wait3A_144 = tpu.memref_slice %arg3[%add3A, %dma_wait3A_142, %dma_wait3A_143] : memref<32x125x80xi32, #tpu.memory_space<hbm>> -> memref<1x125x80xi32, #tpu.memory_space<hbm>>
      %dma_wait3A_145 = tpu.memref_squeeze %dma_wait3A_144 : memref<1x125x80xi32, #tpu.memory_space<hbm>> -> memref<125x80xi32, #tpu.memory_space<hbm>>
      %dma_wait3A_146 = arith.constant 0 : i32
      %dma_wait3A_147 = arith.constant 0 : i32
      %dma_wait3A_148 = tpu.memref_slice %arg3[%add3A, %dma_wait3A_146, %dma_wait3A_147] : memref<32x125x80xi32, #tpu.memory_space<hbm>> -> memref<1x125x80xi32, #tpu.memory_space<hbm>>
      %dma_wait3A_149 = tpu.memref_squeeze %dma_wait3A_148 : memref<1x125x80xi32, #tpu.memory_space<hbm>> -> memref<125x80xi32, #tpu.memory_space<hbm>>
      tpu.wait_dma2 semaphore(%run_scoped3A_133 : memref<!tpu.dma_semaphore, #tpu.memory_space<semaphore_mem>>) src(%dma_wait3A_149 : memref<125x80xi32, #tpu.memory_space<hbm>>) dst(%arg6 : memref<125x80xi32, #tpu.memory_space<vmem>>)
      tpu.yield
    }) : () -> ()
    "tpu.region"() ({
      %run_scoped3A_133 = tpu.sem_alloc : memref<!tpu.dma_semaphore, #tpu.memory_space<semaphore_mem>>
      %dma_start3A_134 = arith.constant 0 : i32
      %dma_start3A_135 = arith.constant 0 : i32
      %dma_start3A_136 = tpu.memref_slice %arg4[%add3A, %dma_start3A_134, %dma_start3A_135] : memref<32x125x80xi32, #tpu.memory_space<hbm>> -> memref<1x125x80xi32, #tpu.memory_space<hbm>>
      %dma_start3A_137 = tpu.memref_squeeze %dma_start3A_136 : memref<1x125x80xi32, #tpu.memory_space<hbm>> -> memref<125x80xi32, #tpu.memory_space<hbm>>
      %dma_start3A_138 = arith.constant 0 : i32
      %dma_start3A_139 = arith.constant 0 : i32
      %dma_start3A_140 = tpu.memref_slice %arg4[%add3A, %dma_start3A_138, %dma_start3A_139] : memref<32x125x80xi32, #tpu.memory_space<hbm>> -> memref<1x125x80xi32, #tpu.memory_space<hbm>>
      %dma_start3A_141 = tpu.memref_squeeze %dma_start3A_140 : memref<1x125x80xi32, #tpu.memory_space<hbm>> -> memref<125x80xi32, #tpu.memory_space<hbm>>
      tpu.enqueue_dma source(%dma_start3A_141 : memref<125x80xi32, #tpu.memory_space<hbm>>) target(%arg7 : memref<125x80xi32, #tpu.memory_space<vmem>>) target_semaphore(%run_scoped3A_133 : memref<!tpu.dma_semaphore, #tpu.memory_space<semaphore_mem>>)
      %dma_wait3A_142 = arith.constant 0 : i32
      %dma_wait3A_143 = arith.constant 0 : i32
      %dma_wait3A_144 = tpu.memref_slice %arg4[%add3A, %dma_wait3A_142, %dma_wait3A_143] : memref<32x125x80xi32, #tpu.memory_space<hbm>> -> memref<1x125x80xi32, #tpu.memory_space<hbm>>
      %dma_wait3A_145 = tpu.memref_squeeze %dma_wait3A_144 : memref<1x125x80xi32, #tpu.memory_space<hbm>> -> memref<125x80xi32, #tpu.memory_space<hbm>>
      %dma_wait3A_146 = arith.constant 0 : i32
      %dma_wait3A_147 = arith.constant 0 : i32
      %dma_wait3A_148 = tpu.memref_slice %arg4[%add3A, %dma_wait3A_146, %dma_wait3A_147] : memref<32x125x80xi32, #tpu.memory_space<hbm>> -> memref<1x125x80xi32, #tpu.memory_space<hbm>>
      %dma_wait3A_149 = tpu.memref_squeeze %dma_wait3A_148 : memref<1x125x80xi32, #tpu.memory_space<hbm>> -> memref<125x80xi32, #tpu.memory_space<hbm>>
      tpu.wait_dma2 semaphore(%run_scoped3A_133 : memref<!tpu.dma_semaphore, #tpu.memory_space<semaphore_mem>>) src(%dma_wait3A_149 : memref<125x80xi32, #tpu.memory_space<hbm>>) dst(%arg7 : memref<125x80xi32, #tpu.memory_space<vmem>>)
      tpu.yield
    }) : () -> ()
    %dma_start3A = arith.constant 0 : i32
    %dma_start3A_7 = arith.constant 0 : i32
    %dma_start3A_8 = tpu.memref_slice %arg6[%dma_start3A, %dma_start3A_7] : memref<125x80xi32, #tpu.memory_space<vmem>> -> memref<1x80xi32, #tpu.memory_space<vmem>>
    %dma_start3A_9 = tpu.memref_squeeze %dma_start3A_8 : memref<1x80xi32, #tpu.memory_space<vmem>> -> memref<80xi32, #tpu.memory_space<vmem>>
    %dma_start3A_10 = arith.constant 0 : i32
    %dma_start3A_11 = arith.constant 0 : i32
    %dma_start3A_12 = tpu.memref_slice %arg2[%dma_start3A_10, %dma_start3A_11] : memref<10000x128xf32, #tpu.memory_space<hbm>> -> memref<10000x128xf32, #tpu.memory_space<hbm>>
    tpu.enqueue_indirect_dma source(%dma_start3A_12 : memref<10000x128xf32, #tpu.memory_space<hbm>>) target(%arg8 : memref<80x128xf32, #tpu.memory_space<vmem>>) offsets(%dma_start3A_9 : memref<80xi32, #tpu.memory_space<vmem>>) semaphore(%arg15 : memref<!tpu.dma_semaphore, #tpu.memory_space<semaphore_mem>>)
    %dma_start3A_13 = arith.constant 1 : i32
    %dma_start3A_14 = arith.constant 0 : i32
    %dma_start3A_15 = tpu.memref_slice %arg6[%dma_start3A_13, %dma_start3A_14] : memref<125x80xi32, #tpu.memory_space<vmem>> -> memref<1x80xi32, #tpu.memory_space<vmem>>
    %dma_start3A_16 = tpu.memref_squeeze %dma_start3A_15 : memref<1x80xi32, #tpu.memory_space<vmem>> -> memref<80xi32, #tpu.memory_space<vmem>>
    %dma_start3A_17 = arith.constant 0 : i32
    %dma_start3A_18 = arith.constant 0 : i32
    %dma_start3A_19 = tpu.memref_slice %arg2[%dma_start3A_17, %dma_start3A_18] : memref<10000x128xf32, #tpu.memory_space<hbm>> -> memref<10000x128xf32, #tpu.memory_space<hbm>>
    tpu.enqueue_indirect_dma source(%dma_start3A_19 : memref<10000x128xf32, #tpu.memory_space<hbm>>) target(%arg9 : memref<80x128xf32, #tpu.memory_space<vmem>>) offsets(%dma_start3A_16 : memref<80xi32, #tpu.memory_space<vmem>>) semaphore(%arg16 : memref<!tpu.dma_semaphore, #tpu.memory_space<semaphore_mem>>)
    %dma_start3A_20 = arith.constant 2 : i32
    %dma_start3A_21 = arith.constant 0 : i32
    %dma_start3A_22 = tpu.memref_slice %arg6[%dma_start3A_20, %dma_start3A_21] : memref<125x80xi32, #tpu.memory_space<vmem>> -> memref<1x80xi32, #tpu.memory_space<vmem>>
    %dma_start3A_23 = tpu.memref_squeeze %dma_start3A_22 : memref<1x80xi32, #tpu.memory_space<vmem>> -> memref<80xi32, #tpu.memory_space<vmem>>
    %dma_start3A_24 = arith.constant 0 : i32
    %dma_start3A_25 = arith.constant 0 : i32
    %dma_start3A_26 = tpu.memref_slice %arg2[%dma_start3A_24, %dma_start3A_25] : memref<10000x128xf32, #tpu.memory_space<hbm>> -> memref<10000x128xf32, #tpu.memory_space<hbm>>
    tpu.enqueue_indirect_dma source(%dma_start3A_26 : memref<10000x128xf32, #tpu.memory_space<hbm>>) target(%arg10 : memref<80x128xf32, #tpu.memory_space<vmem>>) offsets(%dma_start3A_23 : memref<80xi32, #tpu.memory_space<vmem>>) semaphore(%arg17 : memref<!tpu.dma_semaphore, #tpu.memory_space<semaphore_mem>>)
    %dma_wait3A = arith.constant 0 : i32
    %dma_wait3A_27 = arith.constant 0 : i32
    %dma_wait3A_28 = tpu.memref_slice %arg6[%dma_wait3A, %dma_wait3A_27] : memref<125x80xi32, #tpu.memory_space<vmem>> -> memref<1x80xi32, #tpu.memory_space<vmem>>
    %dma_wait3A_29 = tpu.memref_squeeze %dma_wait3A_28 : memref<1x80xi32, #tpu.memory_space<vmem>> -> memref<80xi32, #tpu.memory_space<vmem>>
    %dma_wait3A_30 = arith.constant 0 : i32
    %dma_wait3A_31 = arith.constant 0 : i32
    %dma_wait3A_32 = tpu.memref_slice %arg2[%dma_wait3A_30, %dma_wait3A_31] : memref<10000x128xf32, #tpu.memory_space<hbm>> -> memref<10000x128xf32, #tpu.memory_space<hbm>>
    tpu.wait_indirect_dma semaphore(%arg15 : memref<!tpu.dma_semaphore, #tpu.memory_space<semaphore_mem>>) src(%dma_wait3A_32 : memref<10000x128xf32, #tpu.memory_space<hbm>>) dst(%arg8 : memref<80x128xf32, #tpu.memory_space<vmem>>)
    %dma_start3A_33 = arith.constant 0 : i32
    %dma_start3A_34 = arith.constant 0 : i32
    %dma_start3A_35 = tpu.memref_slice %arg7[%dma_start3A_33, %dma_start3A_34] : memref<125x80xi32, #tpu.memory_space<vmem>> -> memref<1x80xi32, #tpu.memory_space<vmem>>
    %dma_start3A_36 = tpu.memref_squeeze %dma_start3A_35 : memref<1x80xi32, #tpu.memory_space<vmem>> -> memref<80xi32, #tpu.memory_space<vmem>>
    %dma_start3A_37 = arith.constant 0 : i32
    %dma_start3A_38 = arith.constant 0 : i32
    %dma_start3A_39 = tpu.memref_slice %arg11[%dma_start3A_37, %dma_start3A_38] : memref<10000x128xf32, #tpu.memory_space<vmem_shared>> -> memref<10000x128xf32, #tpu.memory_space<vmem_shared>>
    tpu.enqueue_indirect_dma source(%arg8 : memref<80x128xf32, #tpu.memory_space<vmem>>) target(%dma_start3A_39 : memref<10000x128xf32, #tpu.memory_space<vmem_shared>>) offsets(%dma_start3A_36 : memref<80xi32, #tpu.memory_space<vmem>>) semaphore(%arg12 : memref<!tpu.dma_semaphore, #tpu.memory_space<semaphore_mem>>) {add = true}
    %scan3A = arith.constant 1 : i32
    %scan3A_40 = arith.constant 40 : i32
    %scan3A_41 = arith.addi %scan3A, %scan3A_40 : i32
    %scan3A_42 = arith.constant 1 : i32
    scf.for %scan3A_133 = %scan3A to %scan3A_41 step %scan3A_42  : i32 {
      %mul3A_134 = arith.constant 3 : i32
      %mul3A_135 = arith.muli %scan3A_133, %mul3A_134 : i32
      %add3A_136 = arith.constant 0 : i32
      %add3A_137 = arith.addi %mul3A_135, %add3A_136 : i32
      %sub3A = arith.constant 3 : i32
      %sub3A_138 = arith.subi %add3A_137, %sub3A : i32
      %dma_wait3A_139 = arith.constant 0 : i32
      %dma_wait3A_140 = tpu.memref_slice %arg7[%sub3A_138, %dma_wait3A_139] : memref<125x80xi32, #tpu.memory_space<vmem>> -> memref<1x80xi32, #tpu.memory_space<vmem>>
      %dma_wait3A_141 = tpu.memref_squeeze %dma_wait3A_140 : memref<1x80xi32, #tpu.memory_space<vmem>> -> memref<80xi32, #tpu.memory_space<vmem>>
      %dma_wait3A_142 = arith.constant 0 : i32
      %dma_wait3A_143 = arith.constant 0 : i32
      %dma_wait3A_144 = tpu.memref_slice %arg11[%dma_wait3A_142, %dma_wait3A_143] : memref<10000x128xf32, #tpu.memory_space<vmem_shared>> -> memref<10000x128xf32, #tpu.memory_space<vmem_shared>>
      tpu.wait_indirect_dma semaphore(%arg12 : memref<!tpu.dma_semaphore, #tpu.memory_space<semaphore_mem>>) src(%arg8 : memref<80x128xf32, #tpu.memory_space<vmem>>) dst(%dma_wait3A_144 : memref<10000x128xf32, #tpu.memory_space<vmem_shared>>)
      %dma_start3A_145 = arith.constant 0 : i32
      %dma_start3A_146 = tpu.memref_slice %arg6[%add3A_137, %dma_start3A_145] : memref<125x80xi32, #tpu.memory_space<vmem>> -> memref<1x80xi32, #tpu.memory_space<vmem>>
      %dma_start3A_147 = tpu.memref_squeeze %dma_start3A_146 : memref<1x80xi32, #tpu.memory_space<vmem>> -> memref<80xi32, #tpu.memory_space<vmem>>
      %dma_start3A_148 = arith.constant 0 : i32
      %dma_start3A_149 = arith.constant 0 : i32
      %dma_start3A_150 = tpu.memref_slice %arg2[%dma_start3A_148, %dma_start3A_149] : memref<10000x128xf32, #tpu.memory_space<hbm>> -> memref<10000x128xf32, #tpu.memory_space<hbm>>
      tpu.enqueue_indirect_dma source(%dma_start3A_150 : memref<10000x128xf32, #tpu.memory_space<hbm>>) target(%arg8 : memref<80x128xf32, #tpu.memory_space<vmem>>) offsets(%dma_start3A_147 : memref<80xi32, #tpu.memory_space<vmem>>) semaphore(%arg15 : memref<!tpu.dma_semaphore, #tpu.memory_space<semaphore_mem>>)
      %sub3A_151 = arith.constant 2 : i32
      %sub3A_152 = arith.subi %add3A_137, %sub3A_151 : i32
      %dma_wait3A_153 = arith.constant 0 : i32
      %dma_wait3A_154 = tpu.memref_slice %arg6[%sub3A_152, %dma_wait3A_153] : memref<125x80xi32, #tpu.memory_space<vmem>> -> memref<1x80xi32, #tpu.memory_space<vmem>>
      %dma_wait3A_155 = tpu.memref_squeeze %dma_wait3A_154 : memref<1x80xi32, #tpu.memory_space<vmem>> -> memref<80xi32, #tpu.memory_space<vmem>>
      %dma_wait3A_156 = arith.constant 0 : i32
      %dma_wait3A_157 = arith.constant 0 : i32
      %dma_wait3A_158 = tpu.memref_slice %arg2[%dma_wait3A_156, %dma_wait3A_157] : memref<10000x128xf32, #tpu.memory_space<hbm>> -> memref<10000x128xf32, #tpu.memory_space<hbm>>
      tpu.wait_indirect_dma semaphore(%arg16 : memref<!tpu.dma_semaphore, #tpu.memory_space<semaphore_mem>>) src(%dma_wait3A_158 : memref<10000x128xf32, #tpu.memory_space<hbm>>) dst(%arg9 : memref<80x128xf32, #tpu.memory_space<vmem>>)
      %dma_start3A_159 = arith.constant 0 : i32
      %dma_start3A_160 = tpu.memref_slice %arg7[%sub3A_152, %dma_start3A_159] : memref<125x80xi32, #tpu.memory_space<vmem>> -> memref<1x80xi32, #tpu.memory_space<vmem>>
      %dma_start3A_161 = tpu.memref_squeeze %dma_start3A_160 : memref<1x80xi32, #tpu.memory_space<vmem>> -> memref<80xi32, #tpu.memory_space<vmem>>
      %dma_start3A_162 = arith.constant 0 : i32
      %dma_start3A_163 = arith.constant 0 : i32
      %dma_start3A_164 = tpu.memref_slice %arg11[%dma_start3A_162, %dma_start3A_163] : memref<10000x128xf32, #tpu.memory_space<vmem_shared>> -> memref<10000x128xf32, #tpu.memory_space<vmem_shared>>
      tpu.enqueue_indirect_dma source(%arg9 : memref<80x128xf32, #tpu.memory_space<vmem>>) target(%dma_start3A_164 : memref<10000x128xf32, #tpu.memory_space<vmem_shared>>) offsets(%dma_start3A_161 : memref<80xi32, #tpu.memory_space<vmem>>) semaphore(%arg13 : memref<!tpu.dma_semaphore, #tpu.memory_space<semaphore_mem>>) {add = true}
      %mul3A_165 = arith.constant 3 : i32
      %mul3A_166 = arith.muli %scan3A_133, %mul3A_165 : i32
      %add3A_167 = arith.constant 1 : i32
      %add3A_168 = arith.addi %mul3A_166, %add3A_167 : i32
      %sub3A_169 = arith.constant 3 : i32
      %sub3A_170 = arith.subi %add3A_168, %sub3A_169 : i32
      %dma_wait3A_171 = arith.constant 0 : i32
      %dma_wait3A_172 = tpu.memref_slice %arg7[%sub3A_170, %dma_wait3A_171] : memref<125x80xi32, #tpu.memory_space<vmem>> -> memref<1x80xi32, #tpu.memory_space<vmem>>
      %dma_wait3A_173 = tpu.memref_squeeze %dma_wait3A_172 : memref<1x80xi32, #tpu.memory_space<vmem>> -> memref<80xi32, #tpu.memory_space<vmem>>
      %dma_wait3A_174 = arith.constant 0 : i32
      %dma_wait3A_175 = arith.constant 0 : i32
      %dma_wait3A_176 = tpu.memref_slice %arg11[%dma_wait3A_174, %dma_wait3A_175] : memref<10000x128xf32, #tpu.memory_space<vmem_shared>> -> memref<10000x128xf32, #tpu.memory_space<vmem_shared>>
      tpu.wait_indirect_dma semaphore(%arg13 : memref<!tpu.dma_semaphore, #tpu.memory_space<semaphore_mem>>) src(%arg9 : memref<80x128xf32, #tpu.memory_space<vmem>>) dst(%dma_wait3A_176 : memref<10000x128xf32, #tpu.memory_space<vmem_shared>>)
      %dma_start3A_177 = arith.constant 0 : i32
      %dma_start3A_178 = tpu.memref_slice %arg6[%add3A_168, %dma_start3A_177] : memref<125x80xi32, #tpu.memory_space<vmem>> -> memref<1x80xi32, #tpu.memory_space<vmem>>
      %dma_start3A_179 = tpu.memref_squeeze %dma_start3A_178 : memref<1x80xi32, #tpu.memory_space<vmem>> -> memref<80xi32, #tpu.memory_space<vmem>>
      %dma_start3A_180 = arith.constant 0 : i32
      %dma_start3A_181 = arith.constant 0 : i32
      %dma_start3A_182 = tpu.memref_slice %arg2[%dma_start3A_180, %dma_start3A_181] : memref<10000x128xf32, #tpu.memory_space<hbm>> -> memref<10000x128xf32, #tpu.memory_space<hbm>>
      tpu.enqueue_indirect_dma source(%dma_start3A_182 : memref<10000x128xf32, #tpu.memory_space<hbm>>) target(%arg9 : memref<80x128xf32, #tpu.memory_space<vmem>>) offsets(%dma_start3A_179 : memref<80xi32, #tpu.memory_space<vmem>>) semaphore(%arg16 : memref<!tpu.dma_semaphore, #tpu.memory_space<semaphore_mem>>)
      %sub3A_183 = arith.constant 2 : i32
      %sub3A_184 = arith.subi %add3A_168, %sub3A_183 : i32
      %dma_wait3A_185 = arith.constant 0 : i32
      %dma_wait3A_186 = tpu.memref_slice %arg6[%sub3A_184, %dma_wait3A_185] : memref<125x80xi32, #tpu.memory_space<vmem>> -> memref<1x80xi32, #tpu.memory_space<vmem>>
      %dma_wait3A_187 = tpu.memref_squeeze %dma_wait3A_186 : memref<1x80xi32, #tpu.memory_space<vmem>> -> memref<80xi32, #tpu.memory_space<vmem>>
      %dma_wait3A_188 = arith.constant 0 : i32
      %dma_wait3A_189 = arith.constant 0 : i32
      %dma_wait3A_190 = tpu.memref_slice %arg2[%dma_wait3A_188, %dma_wait3A_189] : memref<10000x128xf32, #tpu.memory_space<hbm>> -> memref<10000x128xf32, #tpu.memory_space<hbm>>
      tpu.wait_indirect_dma semaphore(%arg17 : memref<!tpu.dma_semaphore, #tpu.memory_space<semaphore_mem>>) src(%dma_wait3A_190 : memref<10000x128xf32, #tpu.memory_space<hbm>>) dst(%arg10 : memref<80x128xf32, #tpu.memory_space<vmem>>)
      %dma_start3A_191 = arith.constant 0 : i32
      %dma_start3A_192 = tpu.memref_slice %arg7[%sub3A_184, %dma_start3A_191] : memref<125x80xi32, #tpu.memory_space<vmem>> -> memref<1x80xi32, #tpu.memory_space<vmem>>
      %dma_start3A_193 = tpu.memref_squeeze %dma_start3A_192 : memref<1x80xi32, #tpu.memory_space<vmem>> -> memref<80xi32, #tpu.memory_space<vmem>>
      %dma_start3A_194 = arith.constant 0 : i32
      %dma_start3A_195 = arith.constant 0 : i32
      %dma_start3A_196 = tpu.memref_slice %arg11[%dma_start3A_194, %dma_start3A_195] : memref<10000x128xf32, #tpu.memory_space<vmem_shared>> -> memref<10000x128xf32, #tpu.memory_space<vmem_shared>>
      tpu.enqueue_indirect_dma source(%arg10 : memref<80x128xf32, #tpu.memory_space<vmem>>) target(%dma_start3A_196 : memref<10000x128xf32, #tpu.memory_space<vmem_shared>>) offsets(%dma_start3A_193 : memref<80xi32, #tpu.memory_space<vmem>>) semaphore(%arg14 : memref<!tpu.dma_semaphore, #tpu.memory_space<semaphore_mem>>) {add = true}
      %mul3A_197 = arith.constant 3 : i32
      %mul3A_198 = arith.muli %scan3A_133, %mul3A_197 : i32
      %add3A_199 = arith.constant 2 : i32
      %add3A_200 = arith.addi %mul3A_198, %add3A_199 : i32
      %sub3A_201 = arith.constant 3 : i32
      %sub3A_202 = arith.subi %add3A_200, %sub3A_201 : i32
      %dma_wait3A_203 = arith.constant 0 : i32
      %dma_wait3A_204 = tpu.memref_slice %arg7[%sub3A_202, %dma_wait3A_203] : memref<125x80xi32, #tpu.memory_space<vmem>> -> memref<1x80xi32, #tpu.memory_space<vmem>>
      %dma_wait3A_205 = tpu.memref_squeeze %dma_wait3A_204 : memref<1x80xi32, #tpu.memory_space<vmem>> -> memref<80xi32, #tpu.memory_space<vmem>>
      %dma_wait3A_206 = arith.constant 0 : i32
      %dma_wait3A_207 = arith.constant 0 : i32
      %dma_wait3A_208 = tpu.memref_slice %arg11[%dma_wait3A_206, %dma_wait3A_207] : memref<10000x128xf32, #tpu.memory_space<vmem_shared>> -> memref<10000x128xf32, #tpu.memory_space<vmem_shared>>
      tpu.wait_indirect_dma semaphore(%arg14 : memref<!tpu.dma_semaphore, #tpu.memory_space<semaphore_mem>>) src(%arg10 : memref<80x128xf32, #tpu.memory_space<vmem>>) dst(%dma_wait3A_208 : memref<10000x128xf32, #tpu.memory_space<vmem_shared>>)
      %dma_start3A_209 = arith.constant 0 : i32
      %dma_start3A_210 = tpu.memref_slice %arg6[%add3A_200, %dma_start3A_209] : memref<125x80xi32, #tpu.memory_space<vmem>> -> memref<1x80xi32, #tpu.memory_space<vmem>>
      %dma_start3A_211 = tpu.memref_squeeze %dma_start3A_210 : memref<1x80xi32, #tpu.memory_space<vmem>> -> memref<80xi32, #tpu.memory_space<vmem>>
      %dma_start3A_212 = arith.constant 0 : i32
      %dma_start3A_213 = arith.constant 0 : i32
      %dma_start3A_214 = tpu.memref_slice %arg2[%dma_start3A_212, %dma_start3A_213] : memref<10000x128xf32, #tpu.memory_space<hbm>> -> memref<10000x128xf32, #tpu.memory_space<hbm>>
      tpu.enqueue_indirect_dma source(%dma_start3A_214 : memref<10000x128xf32, #tpu.memory_space<hbm>>) target(%arg10 : memref<80x128xf32, #tpu.memory_space<vmem>>) offsets(%dma_start3A_211 : memref<80xi32, #tpu.memory_space<vmem>>) semaphore(%arg17 : memref<!tpu.dma_semaphore, #tpu.memory_space<semaphore_mem>>)
      %sub3A_215 = arith.constant 2 : i32
      %sub3A_216 = arith.subi %add3A_200, %sub3A_215 : i32
      %dma_wait3A_217 = arith.constant 0 : i32
      %dma_wait3A_218 = tpu.memref_slice %arg6[%sub3A_216, %dma_wait3A_217] : memref<125x80xi32, #tpu.memory_space<vmem>> -> memref<1x80xi32, #tpu.memory_space<vmem>>
      %dma_wait3A_219 = tpu.memref_squeeze %dma_wait3A_218 : memref<1x80xi32, #tpu.memory_space<vmem>> -> memref<80xi32, #tpu.memory_space<vmem>>
      %dma_wait3A_220 = arith.constant 0 : i32
      %dma_wait3A_221 = arith.constant 0 : i32
      %dma_wait3A_222 = tpu.memref_slice %arg2[%dma_wait3A_220, %dma_wait3A_221] : memref<10000x128xf32, #tpu.memory_space<hbm>> -> memref<10000x128xf32, #tpu.memory_space<hbm>>
      tpu.wait_indirect_dma semaphore(%arg15 : memref<!tpu.dma_semaphore, #tpu.memory_space<semaphore_mem>>) src(%dma_wait3A_222 : memref<10000x128xf32, #tpu.memory_space<hbm>>) dst(%arg8 : memref<80x128xf32, #tpu.memory_space<vmem>>)
      %dma_start3A_223 = arith.constant 0 : i32
      %dma_start3A_224 = tpu.memref_slice %arg7[%sub3A_216, %dma_start3A_223] : memref<125x80xi32, #tpu.memory_space<vmem>> -> memref<1x80xi32, #tpu.memory_space<vmem>>
      %dma_start3A_225 = tpu.memref_squeeze %dma_start3A_224 : memref<1x80xi32, #tpu.memory_space<vmem>> -> memref<80xi32, #tpu.memory_space<vmem>>
      %dma_start3A_226 = arith.constant 0 : i32
      %dma_start3A_227 = arith.constant 0 : i32
      %dma_start3A_228 = tpu.memref_slice %arg11[%dma_start3A_226, %dma_start3A_227] : memref<10000x128xf32, #tpu.memory_space<vmem_shared>> -> memref<10000x128xf32, #tpu.memory_space<vmem_shared>>
      tpu.enqueue_indirect_dma source(%arg8 : memref<80x128xf32, #tpu.memory_space<vmem>>) target(%dma_start3A_228 : memref<10000x128xf32, #tpu.memory_space<vmem_shared>>) offsets(%dma_start3A_225 : memref<80xi32, #tpu.memory_space<vmem>>) semaphore(%arg12 : memref<!tpu.dma_semaphore, #tpu.memory_space<semaphore_mem>>) {add = true}
    }
    %scan3A_43 = arith.constant 40 : i32
    %dma_wait3A_44 = arith.constant 121 : i32
    %dma_wait3A_45 = arith.constant 0 : i32
    %dma_wait3A_46 = tpu.memref_slice %arg6[%dma_wait3A_44, %dma_wait3A_45] : memref<125x80xi32, #tpu.memory_space<vmem>> -> memref<1x80xi32, #tpu.memory_space<vmem>>
    %dma_wait3A_47 = tpu.memref_squeeze %dma_wait3A_46 : memref<1x80xi32, #tpu.memory_space<vmem>> -> memref<80xi32, #tpu.memory_space<vmem>>
    %dma_wait3A_48 = arith.constant 0 : i32
    %dma_wait3A_49 = arith.constant 0 : i32
    %dma_wait3A_50 = tpu.memref_slice %arg2[%dma_wait3A_48, %dma_wait3A_49] : memref<10000x128xf32, #tpu.memory_space<hbm>> -> memref<10000x128xf32, #tpu.memory_space<hbm>>
    tpu.wait_indirect_dma semaphore(%arg16 : memref<!tpu.dma_semaphore, #tpu.memory_space<semaphore_mem>>) src(%dma_wait3A_50 : memref<10000x128xf32, #tpu.memory_space<hbm>>) dst(%arg9 : memref<80x128xf32, #tpu.memory_space<vmem>>)
    %dma_start3A_51 = arith.constant 121 : i32
    %dma_start3A_52 = arith.constant 0 : i32
    %dma_start3A_53 = tpu.memref_slice %arg7[%dma_start3A_51, %dma_start3A_52] : memref<125x80xi32, #tpu.memory_space<vmem>> -> memref<1x80xi32, #tpu.memory_space<vmem>>
    %dma_start3A_54 = tpu.memref_squeeze %dma_start3A_53 : memref<1x80xi32, #tpu.memory_space<vmem>> -> memref<80xi32, #tpu.memory_space<vmem>>
    %dma_start3A_55 = arith.constant 0 : i32
    %dma_start3A_56 = arith.constant 0 : i32
    %dma_start3A_57 = tpu.memref_slice %arg11[%dma_start3A_55, %dma_start3A_56] : memref<10000x128xf32, #tpu.memory_space<vmem_shared>> -> memref<10000x128xf32, #tpu.memory_space<vmem_shared>>
    tpu.enqueue_indirect_dma source(%arg9 : memref<80x128xf32, #tpu.memory_space<vmem>>) target(%dma_start3A_57 : memref<10000x128xf32, #tpu.memory_space<vmem_shared>>) offsets(%dma_start3A_54 : memref<80xi32, #tpu.memory_space<vmem>>) semaphore(%arg13 : memref<!tpu.dma_semaphore, #tpu.memory_space<semaphore_mem>>) {add = true}
    %dma_wait3A_58 = arith.constant 122 : i32
    %dma_wait3A_59 = arith.constant 0 : i32
    %dma_wait3A_60 = tpu.memref_slice %arg6[%dma_wait3A_58, %dma_wait3A_59] : memref<125x80xi32, #tpu.memory_space<vmem>> -> memref<1x80xi32, #tpu.memory_space<vmem>>
    %dma_wait3A_61 = tpu.memref_squeeze %dma_wait3A_60 : memref<1x80xi32, #tpu.memory_space<vmem>> -> memref<80xi32, #tpu.memory_space<vmem>>
    %dma_wait3A_62 = arith.constant 0 : i32
    %dma_wait3A_63 = arith.constant 0 : i32
    %dma_wait3A_64 = tpu.memref_slice %arg2[%dma_wait3A_62, %dma_wait3A_63] : memref<10000x128xf32, #tpu.memory_space<hbm>> -> memref<10000x128xf32, #tpu.memory_space<hbm>>
    tpu.wait_indirect_dma semaphore(%arg17 : memref<!tpu.dma_semaphore, #tpu.memory_space<semaphore_mem>>) src(%dma_wait3A_64 : memref<10000x128xf32, #tpu.memory_space<hbm>>) dst(%arg10 : memref<80x128xf32, #tpu.memory_space<vmem>>)
    %dma_start3A_65 = arith.constant 122 : i32
    %dma_start3A_66 = arith.constant 0 : i32
    %dma_start3A_67 = tpu.memref_slice %arg7[%dma_start3A_65, %dma_start3A_66] : memref<125x80xi32, #tpu.memory_space<vmem>> -> memref<1x80xi32, #tpu.memory_space<vmem>>
    %dma_start3A_68 = tpu.memref_squeeze %dma_start3A_67 : memref<1x80xi32, #tpu.memory_space<vmem>> -> memref<80xi32, #tpu.memory_space<vmem>>
    %dma_start3A_69 = arith.constant 0 : i32
    %dma_start3A_70 = arith.constant 0 : i32
    %dma_start3A_71 = tpu.memref_slice %arg11[%dma_start3A_69, %dma_start3A_70] : memref<10000x128xf32, #tpu.memory_space<vmem_shared>> -> memref<10000x128xf32, #tpu.memory_space<vmem_shared>>
    tpu.enqueue_indirect_dma source(%arg10 : memref<80x128xf32, #tpu.memory_space<vmem>>) target(%dma_start3A_71 : memref<10000x128xf32, #tpu.memory_space<vmem_shared>>) offsets(%dma_start3A_68 : memref<80xi32, #tpu.memory_space<vmem>>) semaphore(%arg14 : memref<!tpu.dma_semaphore, #tpu.memory_space<semaphore_mem>>) {add = true}
    %dma_wait3A_72 = arith.constant 120 : i32
    %dma_wait3A_73 = arith.constant 0 : i32
    %dma_wait3A_74 = tpu.memref_slice %arg7[%dma_wait3A_72, %dma_wait3A_73] : memref<125x80xi32, #tpu.memory_space<vmem>> -> memref<1x80xi32, #tpu.memory_space<vmem>>
    %dma_wait3A_75 = tpu.memref_squeeze %dma_wait3A_74 : memref<1x80xi32, #tpu.memory_space<vmem>> -> memref<80xi32, #tpu.memory_space<vmem>>
    %dma_wait3A_76 = arith.constant 0 : i32
    %dma_wait3A_77 = arith.constant 0 : i32
    %dma_wait3A_78 = tpu.memref_slice %arg11[%dma_wait3A_76, %dma_wait3A_77] : memref<10000x128xf32, #tpu.memory_space<vmem_shared>> -> memref<10000x128xf32, #tpu.memory_space<vmem_shared>>
    tpu.wait_indirect_dma semaphore(%arg12 : memref<!tpu.dma_semaphore, #tpu.memory_space<semaphore_mem>>) src(%arg8 : memref<80x128xf32, #tpu.memory_space<vmem>>) dst(%dma_wait3A_78 : memref<10000x128xf32, #tpu.memory_space<vmem_shared>>)
    %run_scoped3A = arith.constant 123 : i32
    "tpu.region"() ({
      %run_scoped3A_133 = tpu.sem_alloc : memref<!tpu.dma_semaphore, #tpu.memory_space<semaphore_mem>>
      %dma_start3A_134 = arith.constant 0 : i32
      %dma_start3A_135 = tpu.memref_slice %arg6[%run_scoped3A, %dma_start3A_134] : memref<125x80xi32, #tpu.memory_space<vmem>> -> memref<1x80xi32, #tpu.memory_space<vmem>>
      %dma_start3A_136 = tpu.memref_squeeze %dma_start3A_135 : memref<1x80xi32, #tpu.memory_space<vmem>> -> memref<80xi32, #tpu.memory_space<vmem>>
      %dma_start3A_137 = arith.constant 0 : i32
      %dma_start3A_138 = arith.constant 0 : i32
      %dma_start3A_139 = tpu.memref_slice %arg2[%dma_start3A_137, %dma_start3A_138] : memref<10000x128xf32, #tpu.memory_space<hbm>> -> memref<10000x128xf32, #tpu.memory_space<hbm>>
      tpu.enqueue_indirect_dma source(%dma_start3A_139 : memref<10000x128xf32, #tpu.memory_space<hbm>>) target(%arg8 : memref<80x128xf32, #tpu.memory_space<vmem>>) offsets(%dma_start3A_136 : memref<80xi32, #tpu.memory_space<vmem>>) semaphore(%run_scoped3A_133 : memref<!tpu.dma_semaphore, #tpu.memory_space<semaphore_mem>>)
      %dma_wait3A_140 = arith.constant 0 : i32
      %dma_wait3A_141 = tpu.memref_slice %arg6[%run_scoped3A, %dma_wait3A_140] : memref<125x80xi32, #tpu.memory_space<vmem>> -> memref<1x80xi32, #tpu.memory_space<vmem>>
      %dma_wait3A_142 = tpu.memref_squeeze %dma_wait3A_141 : memref<1x80xi32, #tpu.memory_space<vmem>> -> memref<80xi32, #tpu.memory_space<vmem>>
      %dma_wait3A_143 = arith.constant 0 : i32
      %dma_wait3A_144 = arith.constant 0 : i32
      %dma_wait3A_145 = tpu.memref_slice %arg2[%dma_wait3A_143, %dma_wait3A_144] : memref<10000x128xf32, #tpu.memory_space<hbm>> -> memref<10000x128xf32, #tpu.memory_space<hbm>>
      tpu.wait_indirect_dma semaphore(%run_scoped3A_133 : memref<!tpu.dma_semaphore, #tpu.memory_space<semaphore_mem>>) src(%dma_wait3A_145 : memref<10000x128xf32, #tpu.memory_space<hbm>>) dst(%arg8 : memref<80x128xf32, #tpu.memory_space<vmem>>)
      tpu.yield
    }) : () -> ()
    %dma_start3A_79 = arith.constant 123 : i32
    %dma_start3A_80 = arith.constant 0 : i32
    %dma_start3A_81 = tpu.memref_slice %arg7[%dma_start3A_79, %dma_start3A_80] : memref<125x80xi32, #tpu.memory_space<vmem>> -> memref<1x80xi32, #tpu.memory_space<vmem>>
    %dma_start3A_82 = tpu.memref_squeeze %dma_start3A_81 : memref<1x80xi32, #tpu.memory_space<vmem>> -> memref<80xi32, #tpu.memory_space<vmem>>
    %dma_start3A_83 = arith.constant 0 : i32
    %dma_start3A_84 = arith.constant 0 : i32
    %dma_start3A_85 = tpu.memref_slice %arg11[%dma_start3A_83, %dma_start3A_84] : memref<10000x128xf32, #tpu.memory_space<vmem_shared>> -> memref<10000x128xf32, #tpu.memory_space<vmem_shared>>
    tpu.enqueue_indirect_dma source(%arg8 : memref<80x128xf32, #tpu.memory_space<vmem>>) target(%dma_start3A_85 : memref<10000x128xf32, #tpu.memory_space<vmem_shared>>) offsets(%dma_start3A_82 : memref<80xi32, #tpu.memory_space<vmem>>) semaphore(%arg12 : memref<!tpu.dma_semaphore, #tpu.memory_space<semaphore_mem>>) {add = true}
    %dma_wait3A_86 = arith.constant 121 : i32
    %dma_wait3A_87 = arith.constant 0 : i32
    %dma_wait3A_88 = tpu.memref_slice %arg7[%dma_wait3A_86, %dma_wait3A_87] : memref<125x80xi32, #tpu.memory_space<vmem>> -> memref<1x80xi32, #tpu.memory_space<vmem>>
    %dma_wait3A_89 = tpu.memref_squeeze %dma_wait3A_88 : memref<1x80xi32, #tpu.memory_space<vmem>> -> memref<80xi32, #tpu.memory_space<vmem>>
    %dma_wait3A_90 = arith.constant 0 : i32
    %dma_wait3A_91 = arith.constant 0 : i32
    %dma_wait3A_92 = tpu.memref_slice %arg11[%dma_wait3A_90, %dma_wait3A_91] : memref<10000x128xf32, #tpu.memory_space<vmem_shared>> -> memref<10000x128xf32, #tpu.memory_space<vmem_shared>>
    tpu.wait_indirect_dma semaphore(%arg13 : memref<!tpu.dma_semaphore, #tpu.memory_space<semaphore_mem>>) src(%arg9 : memref<80x128xf32, #tpu.memory_space<vmem>>) dst(%dma_wait3A_92 : memref<10000x128xf32, #tpu.memory_space<vmem_shared>>)
    %run_scoped3A_93 = arith.constant 124 : i32
    "tpu.region"() ({
      %run_scoped3A_133 = tpu.sem_alloc : memref<!tpu.dma_semaphore, #tpu.memory_space<semaphore_mem>>
      %dma_start3A_134 = arith.constant 0 : i32
      %dma_start3A_135 = tpu.memref_slice %arg6[%run_scoped3A_93, %dma_start3A_134] : memref<125x80xi32, #tpu.memory_space<vmem>> -> memref<1x80xi32, #tpu.memory_space<vmem>>
      %dma_start3A_136 = tpu.memref_squeeze %dma_start3A_135 : memref<1x80xi32, #tpu.memory_space<vmem>> -> memref<80xi32, #tpu.memory_space<vmem>>
      %dma_start3A_137 = arith.constant 0 : i32
      %dma_start3A_138 = arith.constant 0 : i32
      %dma_start3A_139 = tpu.memref_slice %arg2[%dma_start3A_137, %dma_start3A_138] : memref<10000x128xf32, #tpu.memory_space<hbm>> -> memref<10000x128xf32, #tpu.memory_space<hbm>>
      tpu.enqueue_indirect_dma source(%dma_start3A_139 : memref<10000x128xf32, #tpu.memory_space<hbm>>) target(%arg9 : memref<80x128xf32, #tpu.memory_space<vmem>>) offsets(%dma_start3A_136 : memref<80xi32, #tpu.memory_space<vmem>>) semaphore(%run_scoped3A_133 : memref<!tpu.dma_semaphore, #tpu.memory_space<semaphore_mem>>)
      %dma_wait3A_140 = arith.constant 0 : i32
      %dma_wait3A_141 = tpu.memref_slice %arg6[%run_scoped3A_93, %dma_wait3A_140] : memref<125x80xi32, #tpu.memory_space<vmem>> -> memref<1x80xi32, #tpu.memory_space<vmem>>
      %dma_wait3A_142 = tpu.memref_squeeze %dma_wait3A_141 : memref<1x80xi32, #tpu.memory_space<vmem>> -> memref<80xi32, #tpu.memory_space<vmem>>
      %dma_wait3A_143 = arith.constant 0 : i32
      %dma_wait3A_144 = arith.constant 0 : i32
      %dma_wait3A_145 = tpu.memref_slice %arg2[%dma_wait3A_143, %dma_wait3A_144] : memref<10000x128xf32, #tpu.memory_space<hbm>> -> memref<10000x128xf32, #tpu.memory_space<hbm>>
      tpu.wait_indirect_dma semaphore(%run_scoped3A_133 : memref<!tpu.dma_semaphore, #tpu.memory_space<semaphore_mem>>) src(%dma_wait3A_145 : memref<10000x128xf32, #tpu.memory_space<hbm>>) dst(%arg9 : memref<80x128xf32, #tpu.memory_space<vmem>>)
      tpu.yield
    }) : () -> ()
    %dma_start3A_94 = arith.constant 124 : i32
    %dma_start3A_95 = arith.constant 0 : i32
    %dma_start3A_96 = tpu.memref_slice %arg7[%dma_start3A_94, %dma_start3A_95] : memref<125x80xi32, #tpu.memory_space<vmem>> -> memref<1x80xi32, #tpu.memory_space<vmem>>
    %dma_start3A_97 = tpu.memref_squeeze %dma_start3A_96 : memref<1x80xi32, #tpu.memory_space<vmem>> -> memref<80xi32, #tpu.memory_space<vmem>>
    %dma_start3A_98 = arith.constant 0 : i32
    %dma_start3A_99 = arith.constant 0 : i32
    %dma_start3A_100 = tpu.memref_slice %arg11[%dma_start3A_98, %dma_start3A_99] : memref<10000x128xf32, #tpu.memory_space<vmem_shared>> -> memref<10000x128xf32, #tpu.memory_space<vmem_shared>>
    tpu.enqueue_indirect_dma source(%arg9 : memref<80x128xf32, #tpu.memory_space<vmem>>) target(%dma_start3A_100 : memref<10000x128xf32, #tpu.memory_space<vmem_shared>>) offsets(%dma_start3A_97 : memref<80xi32, #tpu.memory_space<vmem>>) semaphore(%arg13 : memref<!tpu.dma_semaphore, #tpu.memory_space<semaphore_mem>>) {add = true}
    %dma_wait3A_101 = arith.constant 122 : i32
    %dma_wait3A_102 = arith.constant 0 : i32
    %dma_wait3A_103 = tpu.memref_slice %arg7[%dma_wait3A_101, %dma_wait3A_102] : memref<125x80xi32, #tpu.memory_space<vmem>> -> memref<1x80xi32, #tpu.memory_space<vmem>>
    %dma_wait3A_104 = tpu.memref_squeeze %dma_wait3A_103 : memref<1x80xi32, #tpu.memory_space<vmem>> -> memref<80xi32, #tpu.memory_space<vmem>>
    %dma_wait3A_105 = arith.constant 0 : i32
    %dma_wait3A_106 = arith.constant 0 : i32
    %dma_wait3A_107 = tpu.memref_slice %arg11[%dma_wait3A_105, %dma_wait3A_106] : memref<10000x128xf32, #tpu.memory_space<vmem_shared>> -> memref<10000x128xf32, #tpu.memory_space<vmem_shared>>
    tpu.wait_indirect_dma semaphore(%arg14 : memref<!tpu.dma_semaphore, #tpu.memory_space<semaphore_mem>>) src(%arg10 : memref<80x128xf32, #tpu.memory_space<vmem>>) dst(%dma_wait3A_107 : memref<10000x128xf32, #tpu.memory_space<vmem_shared>>)
    %dma_wait3A_108 = arith.constant 123 : i32
    %dma_wait3A_109 = arith.constant 0 : i32
    %dma_wait3A_110 = tpu.memref_slice %arg7[%dma_wait3A_108, %dma_wait3A_109] : memref<125x80xi32, #tpu.memory_space<vmem>> -> memref<1x80xi32, #tpu.memory_space<vmem>>
    %dma_wait3A_111 = tpu.memref_squeeze %dma_wait3A_110 : memref<1x80xi32, #tpu.memory_space<vmem>> -> memref<80xi32, #tpu.memory_space<vmem>>
    %dma_wait3A_112 = arith.constant 0 : i32
    %dma_wait3A_113 = arith.constant 0 : i32
    %dma_wait3A_114 = tpu.memref_slice %arg11[%dma_wait3A_112, %dma_wait3A_113] : memref<10000x128xf32, #tpu.memory_space<vmem_shared>> -> memref<10000x128xf32, #tpu.memory_space<vmem_shared>>
    tpu.wait_indirect_dma semaphore(%arg12 : memref<!tpu.dma_semaphore, #tpu.memory_space<semaphore_mem>>) src(%arg8 : memref<80x128xf32, #tpu.memory_space<vmem>>) dst(%dma_wait3A_114 : memref<10000x128xf32, #tpu.memory_space<vmem_shared>>)
    %dma_wait3A_115 = arith.constant 124 : i32
    %dma_wait3A_116 = arith.constant 0 : i32
    %dma_wait3A_117 = tpu.memref_slice %arg7[%dma_wait3A_115, %dma_wait3A_116] : memref<125x80xi32, #tpu.memory_space<vmem>> -> memref<1x80xi32, #tpu.memory_space<vmem>>
    %dma_wait3A_118 = tpu.memref_squeeze %dma_wait3A_117 : memref<1x80xi32, #tpu.memory_space<vmem>> -> memref<80xi32, #tpu.memory_space<vmem>>
    %dma_wait3A_119 = arith.constant 0 : i32
    %dma_wait3A_120 = arith.constant 0 : i32
    %dma_wait3A_121 = tpu.memref_slice %arg11[%dma_wait3A_119, %dma_wait3A_120] : memref<10000x128xf32, #tpu.memory_space<vmem_shared>> -> memref<10000x128xf32, #tpu.memory_space<vmem_shared>>
    tpu.wait_indirect_dma semaphore(%arg13 : memref<!tpu.dma_semaphore, #tpu.memory_space<semaphore_mem>>) src(%arg9 : memref<80x128xf32, #tpu.memory_space<vmem>>) dst(%dma_wait3A_121 : memref<10000x128xf32, #tpu.memory_space<vmem_shared>>)
    %barrier3A_122 = arith.constant 0 : index
    tpu.barrier barrier_id(%barrier3A_122)
    %lt3A_123 = arith.constant 15 : i32
    %lt3A_124 = arith.cmpi slt, %arg1, %lt3A_123 : i32
    %convert_element_type3A_125 = arith.extui %lt3A_124 : i1 to i32
    %cond3A_126 = arith.constant 0 : i32
    %cond3A_127 = arith.cmpi ne, %convert_element_type3A_125, %cond3A_126 : i32
    scf.if %cond3A_127 {
      %mul3A_133 = arith.constant 640 : i32
      %mul3A_134 = arith.muli %arg1, %mul3A_133 : i32
      %mul3A_135 = arith.constant 640 : i32
      %mul3A_136 = arith.muli %arg1, %mul3A_135 : i32
      "tpu.region"() ({
        %run_scoped3A_137 = tpu.sem_alloc : memref<!tpu.dma_semaphore, #tpu.memory_space<semaphore_mem>>
        %dma_start3A_138 = arith.constant 0 : i32
        %dma_start3A_139 = tpu.memref_slice %arg5[%arg0, %mul3A_136, %dma_start3A_138] : memref<2x10000x128xf32, #tpu.memory_space<hbm>> -> memref<1x640x128xf32, #tpu.memory_space<hbm>>
        %dma_start3A_140 = tpu.memref_squeeze %dma_start3A_139 : memref<1x640x128xf32, #tpu.memory_space<hbm>> -> memref<640x128xf32, #tpu.memory_space<hbm>>
        %dma_start3A_141 = arith.constant 0 : i32
        %dma_start3A_142 = tpu.memref_slice %arg11[%mul3A_134, %dma_start3A_141] : memref<10000x128xf32, #tpu.memory_space<vmem_shared>> -> memref<640x128xf32, #tpu.memory_space<vmem_shared>>
        tpu.enqueue_dma source(%dma_start3A_142 : memref<640x128xf32, #tpu.memory_space<vmem_shared>>) target(%dma_start3A_140 : memref<640x128xf32, #tpu.memory_space<hbm>>) target_semaphore(%run_scoped3A_137 : memref<!tpu.dma_semaphore, #tpu.memory_space<semaphore_mem>>)
        %dma_wait3A_143 = arith.constant 0 : i32
        %dma_wait3A_144 = tpu.memref_slice %arg5[%arg0, %mul3A_136, %dma_wait3A_143] : memref<2x10000x128xf32, #tpu.memory_space<hbm>> -> memref<1x640x128xf32, #tpu.memory_space<hbm>>
        %dma_wait3A_145 = tpu.memref_squeeze %dma_wait3A_144 : memref<1x640x128xf32, #tpu.memory_space<hbm>> -> memref<640x128xf32, #tpu.memory_space<hbm>>
        %dma_wait3A_146 = arith.constant 0 : i32
        %dma_wait3A_147 = tpu.memref_slice %arg11[%mul3A_134, %dma_wait3A_146] : memref<10000x128xf32, #tpu.memory_space<vmem_shared>> -> memref<640x128xf32, #tpu.memory_space<vmem_shared>>
        tpu.wait_dma2 semaphore(%run_scoped3A_137 : memref<!tpu.dma_semaphore, #tpu.memory_space<semaphore_mem>>) src(%dma_wait3A_147 : memref<640x128xf32, #tpu.memory_space<vmem_shared>>) dst(%dma_wait3A_145 : memref<640x128xf32, #tpu.memory_space<hbm>>)
        tpu.yield
      }) : () -> ()
    } else {
    }
    %eq3A_128 = arith.constant 15 : i32
    %eq3A_129 = arith.cmpi eq, %arg1, %eq3A_128 : i32
    %convert_element_type3A_130 = arith.extui %eq3A_129 : i1 to i32
    %cond3A_131 = arith.constant 0 : i32
    %cond3A_132 = arith.cmpi ne, %convert_element_type3A_130, %cond3A_131 : i32
    scf.if %cond3A_132 {
      "tpu.region"() ({
        %run_scoped3A_133 = tpu.sem_alloc : memref<!tpu.dma_semaphore, #tpu.memory_space<semaphore_mem>>
        %dma_start3A_134 = arith.constant 9600 : i32
        %dma_start3A_135 = arith.constant 0 : i32
        %dma_start3A_136 = tpu.memref_slice %arg5[%arg0, %dma_start3A_134, %dma_start3A_135] : memref<2x10000x128xf32, #tpu.memory_space<hbm>> -> memref<1x400x128xf32, #tpu.memory_space<hbm>>
        %dma_start3A_137 = tpu.memref_squeeze %dma_start3A_136 : memref<1x400x128xf32, #tpu.memory_space<hbm>> -> memref<400x128xf32, #tpu.memory_space<hbm>>
        %dma_start3A_138 = arith.constant 9600 : i32
        %dma_start3A_139 = arith.constant 0 : i32
        %dma_start3A_140 = tpu.memref_slice %arg11[%dma_start3A_138, %dma_start3A_139] : memref<10000x128xf32, #tpu.memory_space<vmem_shared>> -> memref<400x128xf32, #tpu.memory_space<vmem_shared>>
        tpu.enqueue_dma source(%dma_start3A_140 : memref<400x128xf32, #tpu.memory_space<vmem_shared>>) target(%dma_start3A_137 : memref<400x128xf32, #tpu.memory_space<hbm>>) target_semaphore(%run_scoped3A_133 : memref<!tpu.dma_semaphore, #tpu.memory_space<semaphore_mem>>)
        %dma_wait3A_141 = arith.constant 9600 : i32
        %dma_wait3A_142 = arith.constant 0 : i32
        %dma_wait3A_143 = tpu.memref_slice %arg5[%arg0, %dma_wait3A_141, %dma_wait3A_142] : memref<2x10000x128xf32, #tpu.memory_space<hbm>> -> memref<1x400x128xf32, #tpu.memory_space<hbm>>
        %dma_wait3A_144 = tpu.memref_squeeze %dma_wait3A_143 : memref<1x400x128xf32, #tpu.memory_space<hbm>> -> memref<400x128xf32, #tpu.memory_space<hbm>>
        %dma_wait3A_145 = arith.constant 9600 : i32
        %dma_wait3A_146 = arith.constant 0 : i32
        %dma_wait3A_147 = tpu.memref_slice %arg11[%dma_wait3A_145, %dma_wait3A_146] : memref<10000x128xf32, #tpu.memory_space<vmem_shared>> -> memref<400x128xf32, #tpu.memory_space<vmem_shared>>
        tpu.wait_dma2 semaphore(%run_scoped3A_133 : memref<!tpu.dma_semaphore, #tpu.memory_space<semaphore_mem>>) src(%dma_wait3A_147 : memref<400x128xf32, #tpu.memory_space<vmem_shared>>) dst(%dma_wait3A_144 : memref<400x128xf32, #tpu.memory_space<hbm>>)
        tpu.yield
      }) : () -> ()
    } else {
    }
    return
  }
}

#map = affine_map<(d0, d1) -> (0, 0)>
#map1 = affine_map<(d0, d1) -> (0, 0, 0)>
module attributes {stable_mosaic.version = 14 : i64} {
  func.func @_agg_kernel(%arg0: i32, %arg1: i32, %arg2: memref<10000x128xf32, #tpu.memory_space<hbm>>, %arg3: memref<32x125x80xi32, #tpu.memory_space<hbm>>, %arg4: memref<32x125x80xi32, #tpu.memory_space<hbm>>, %arg5: memref<2x10000x128xf32, #tpu.memory_space<hbm>>, %arg6: memref<125x80xi32, #tpu.memory_space<vmem>>, %arg7: memref<125x80xi32, #tpu.memory_space<vmem>>, %arg8: memref<80x128xf32, #tpu.memory_space<vmem>>, %arg9: memref<80x128xf32, #tpu.memory_space<vmem>>, %arg10: memref<80x128xf32, #tpu.memory_space<vmem>>, %arg11: memref<10000x128xf32, #tpu.memory_space<vmem_shared>>, %arg12: memref<!tpu.dma_semaphore, #tpu.memory_space<semaphore_mem>>, %arg13: memref<!tpu.dma_semaphore, #tpu.memory_space<semaphore_mem>>, %arg14: memref<!tpu.dma_semaphore, #tpu.memory_space<semaphore_mem>>, %arg15: memref<!tpu.dma_semaphore, #tpu.memory_space<semaphore_mem>>, %arg16: memref<!tpu.dma_semaphore, #tpu.memory_space<semaphore_mem>>, %arg17: memref<!tpu.dma_semaphore, #tpu.memory_space<semaphore_mem>>) attributes {dimension_semantics = [#tpu.dimension_semantics<core_parallel>, #tpu.dimension_semantics<subcore_parallel>], iteration_bounds = array<i64: 2, 16>, scalar_prefetch = 0 : i64, scratch_operands = 12 : i64, tpu.core_type = #tpu.core_type<sc_vector_subcore>, window_params = [{transform_indices = #map}, {transform_indices = #map1}, {transform_indices = #map1}, {transform_indices = #map1}]} {
    %mul3A = arith.constant 2 : i32
    %mul3A_0 = arith.muli %arg1, %mul3A : i32
    %add3A = arith.addi %mul3A_0, %arg0 : i32
    %lt3A = arith.constant 15 : i32
    %lt3A_1 = arith.cmpi slt, %arg1, %lt3A : i32
    %convert_element_type3A = arith.extui %lt3A_1 : i1 to i32
    %cond3A = arith.constant 0 : i32
    %cond3A_2 = arith.cmpi ne, %convert_element_type3A, %cond3A : i32
    scf.if %cond3A_2 {
      %mul3A_133 = arith.constant 640 : i32
      %mul3A_134 = arith.muli %arg1, %mul3A_133 : i32
      %mul3A_135 = arith.constant 640 : i32
      %mul3A_136 = arith.muli %arg1, %mul3A_135 : i32
      "tpu.region"() ({
        %run_scoped3A_137 = tpu.sem_alloc : memref<!tpu.dma_semaphore, #tpu.memory_space<semaphore_mem>>
        %dma_start3A_138 = arith.constant 0 : i32
        %dma_start3A_139 = tpu.memref_slice %arg11[%mul3A_136, %dma_start3A_138] : memref<10000x128xf32, #tpu.memory_space<vmem_shared>> -> memref<640x128xf32, #tpu.memory_space<vmem_shared>>
        %dma_start3A_140 = arith.constant 0 : i32
        %dma_start3A_141 = tpu.memref_slice %arg2[%mul3A_134, %dma_start3A_140] : memref<10000x128xf32, #tpu.memory_space<hbm>> -> memref<640x128xf32, #tpu.memory_space<hbm>>
        tpu.enqueue_dma source(%dma_start3A_141 : memref<640x128xf32, #tpu.memory_space<hbm>>) target(%dma_start3A_139 : memref<640x128xf32, #tpu.memory_space<vmem_shared>>) target_semaphore(%run_scoped3A_137 : memref<!tpu.dma_semaphore, #tpu.memory_space<semaphore_mem>>)
        %dma_wait3A_142 = arith.constant 0 : i32
        %dma_wait3A_143 = tpu.memref_slice %arg11[%mul3A_136, %dma_wait3A_142] : memref<10000x128xf32, #tpu.memory_space<vmem_shared>> -> memref<640x128xf32, #tpu.memory_space<vmem_shared>>
        %dma_wait3A_144 = arith.constant 0 : i32
        %dma_wait3A_145 = tpu.memref_slice %arg2[%mul3A_134, %dma_wait3A_144] : memref<10000x128xf32, #tpu.memory_space<hbm>> -> memref<640x128xf32, #tpu.memory_space<hbm>>
        tpu.wait_dma2 semaphore(%run_scoped3A_137 : memref<!tpu.dma_semaphore, #tpu.memory_space<semaphore_mem>>) src(%dma_wait3A_145 : memref<640x128xf32, #tpu.memory_space<hbm>>) dst(%dma_wait3A_143 : memref<640x128xf32, #tpu.memory_space<vmem_shared>>)
        tpu.yield
      }) : () -> ()
    } else {
    }
    %eq3A = arith.constant 15 : i32
    %eq3A_3 = arith.cmpi eq, %arg1, %eq3A : i32
    %convert_element_type3A_4 = arith.extui %eq3A_3 : i1 to i32
    %cond3A_5 = arith.constant 0 : i32
    %cond3A_6 = arith.cmpi ne, %convert_element_type3A_4, %cond3A_5 : i32
    scf.if %cond3A_6 {
      "tpu.region"() ({
        %run_scoped3A_133 = tpu.sem_alloc : memref<!tpu.dma_semaphore, #tpu.memory_space<semaphore_mem>>
        %dma_start3A_134 = arith.constant 9600 : i32
        %dma_start3A_135 = arith.constant 0 : i32
        %dma_start3A_136 = tpu.memref_slice %arg11[%dma_start3A_134, %dma_start3A_135] : memref<10000x128xf32, #tpu.memory_space<vmem_shared>> -> memref<400x128xf32, #tpu.memory_space<vmem_shared>>
        %dma_start3A_137 = arith.constant 9600 : i32
        %dma_start3A_138 = arith.constant 0 : i32
        %dma_start3A_139 = tpu.memref_slice %arg2[%dma_start3A_137, %dma_start3A_138] : memref<10000x128xf32, #tpu.memory_space<hbm>> -> memref<400x128xf32, #tpu.memory_space<hbm>>
        tpu.enqueue_dma source(%dma_start3A_139 : memref<400x128xf32, #tpu.memory_space<hbm>>) target(%dma_start3A_136 : memref<400x128xf32, #tpu.memory_space<vmem_shared>>) target_semaphore(%run_scoped3A_133 : memref<!tpu.dma_semaphore, #tpu.memory_space<semaphore_mem>>)
        %dma_wait3A_140 = arith.constant 9600 : i32
        %dma_wait3A_141 = arith.constant 0 : i32
        %dma_wait3A_142 = tpu.memref_slice %arg11[%dma_wait3A_140, %dma_wait3A_141] : memref<10000x128xf32, #tpu.memory_space<vmem_shared>> -> memref<400x128xf32, #tpu.memory_space<vmem_shared>>
        %dma_wait3A_143 = arith.constant 9600 : i32
        %dma_wait3A_144 = arith.constant 0 : i32
        %dma_wait3A_145 = tpu.memref_slice %arg2[%dma_wait3A_143, %dma_wait3A_144] : memref<10000x128xf32, #tpu.memory_space<hbm>> -> memref<400x128xf32, #tpu.memory_space<hbm>>
        tpu.wait_dma2 semaphore(%run_scoped3A_133 : memref<!tpu.dma_semaphore, #tpu.memory_space<semaphore_mem>>) src(%dma_wait3A_145 : memref<400x128xf32, #tpu.memory_space<hbm>>) dst(%dma_wait3A_142 : memref<400x128xf32, #tpu.memory_space<vmem_shared>>)
        tpu.yield
      }) : () -> ()
    } else {
    }
    %barrier3A = arith.constant 0 : index
    tpu.barrier barrier_id(%barrier3A)
    "tpu.region"() ({
      %run_scoped3A_133 = tpu.sem_alloc : memref<!tpu.dma_semaphore, #tpu.memory_space<semaphore_mem>>
      %dma_start3A_134 = arith.constant 0 : i32
      %dma_start3A_135 = arith.constant 0 : i32
      %dma_start3A_136 = tpu.memref_slice %arg3[%add3A, %dma_start3A_134, %dma_start3A_135] : memref<32x125x80xi32, #tpu.memory_space<hbm>> -> memref<1x125x80xi32, #tpu.memory_space<hbm>>
      %dma_start3A_137 = tpu.memref_squeeze %dma_start3A_136 : memref<1x125x80xi32, #tpu.memory_space<hbm>> -> memref<125x80xi32, #tpu.memory_space<hbm>>
      %dma_start3A_138 = arith.constant 0 : i32
      %dma_start3A_139 = arith.constant 0 : i32
      %dma_start3A_140 = tpu.memref_slice %arg3[%add3A, %dma_start3A_138, %dma_start3A_139] : memref<32x125x80xi32, #tpu.memory_space<hbm>> -> memref<1x125x80xi32, #tpu.memory_space<hbm>>
      %dma_start3A_141 = tpu.memref_squeeze %dma_start3A_140 : memref<1x125x80xi32, #tpu.memory_space<hbm>> -> memref<125x80xi32, #tpu.memory_space<hbm>>
      tpu.enqueue_dma source(%dma_start3A_141 : memref<125x80xi32, #tpu.memory_space<hbm>>) target(%arg6 : memref<125x80xi32, #tpu.memory_space<vmem>>) target_semaphore(%run_scoped3A_133 : memref<!tpu.dma_semaphore, #tpu.memory_space<semaphore_mem>>)
      %dma_wait3A_142 = arith.constant 0 : i32
      %dma_wait3A_143 = arith.constant 0 : i32
      %dma_wait3A_144 = tpu.memref_slice %arg3[%add3A, %dma_wait3A_142, %dma_wait3A_143] : memref<32x125x80xi32, #tpu.memory_space<hbm>> -> memref<1x125x80xi32, #tpu.memory_space<hbm>>
      %dma_wait3A_145 = tpu.memref_squeeze %dma_wait3A_144 : memref<1x125x80xi32, #tpu.memory_space<hbm>> -> memref<125x80xi32, #tpu.memory_space<hbm>>
      %dma_wait3A_146 = arith.constant 0 : i32
      %dma_wait3A_147 = arith.constant 0 : i32
      %dma_wait3A_148 = tpu.memref_slice %arg3[%add3A, %dma_wait3A_146, %dma_wait3A_147] : memref<32x125x80xi32, #tpu.memory_space<hbm>> -> memref<1x125x80xi32, #tpu.memory_space<hbm>>
      %dma_wait3A_149 = tpu.memref_squeeze %dma_wait3A_148 : memref<1x125x80xi32, #tpu.memory_space<hbm>> -> memref<125x80xi32, #tpu.memory_space<hbm>>
      tpu.wait_dma2 semaphore(%run_scoped3A_133 : memref<!tpu.dma_semaphore, #tpu.memory_space<semaphore_mem>>) src(%dma_wait3A_149 : memref<125x80xi32, #tpu.memory_space<hbm>>) dst(%arg6 : memref<125x80xi32, #tpu.memory_space<vmem>>)
      tpu.yield
    }) : () -> ()
    "tpu.region"() ({
      %run_scoped3A_133 = tpu.sem_alloc : memref<!tpu.dma_semaphore, #tpu.memory_space<semaphore_mem>>
      %dma_start3A_134 = arith.constant 0 : i32
      %dma_start3A_135 = arith.constant 0 : i32
      %dma_start3A_136 = tpu.memref_slice %arg4[%add3A, %dma_start3A_134, %dma_start3A_135] : memref<32x125x80xi32, #tpu.memory_space<hbm>> -> memref<1x125x80xi32, #tpu.memory_space<hbm>>
      %dma_start3A_137 = tpu.memref_squeeze %dma_start3A_136 : memref<1x125x80xi32, #tpu.memory_space<hbm>> -> memref<125x80xi32, #tpu.memory_space<hbm>>
      %dma_start3A_138 = arith.constant 0 : i32
      %dma_start3A_139 = arith.constant 0 : i32
      %dma_start3A_140 = tpu.memref_slice %arg4[%add3A, %dma_start3A_138, %dma_start3A_139] : memref<32x125x80xi32, #tpu.memory_space<hbm>> -> memref<1x125x80xi32, #tpu.memory_space<hbm>>
      %dma_start3A_141 = tpu.memref_squeeze %dma_start3A_140 : memref<1x125x80xi32, #tpu.memory_space<hbm>> -> memref<125x80xi32, #tpu.memory_space<hbm>>
      tpu.enqueue_dma source(%dma_start3A_141 : memref<125x80xi32, #tpu.memory_space<hbm>>) target(%arg7 : memref<125x80xi32, #tpu.memory_space<vmem>>) target_semaphore(%run_scoped3A_133 : memref<!tpu.dma_semaphore, #tpu.memory_space<semaphore_mem>>)
      %dma_wait3A_142 = arith.constant 0 : i32
      %dma_wait3A_143 = arith.constant 0 : i32
      %dma_wait3A_144 = tpu.memref_slice %arg4[%add3A, %dma_wait3A_142, %dma_wait3A_143] : memref<32x125x80xi32, #tpu.memory_space<hbm>> -> memref<1x125x80xi32, #tpu.memory_space<hbm>>
      %dma_wait3A_145 = tpu.memref_squeeze %dma_wait3A_144 : memref<1x125x80xi32, #tpu.memory_space<hbm>> -> memref<125x80xi32, #tpu.memory_space<hbm>>
      %dma_wait3A_146 = arith.constant 0 : i32
      %dma_wait3A_147 = arith.constant 0 : i32
      %dma_wait3A_148 = tpu.memref_slice %arg4[%add3A, %dma_wait3A_146, %dma_wait3A_147] : memref<32x125x80xi32, #tpu.memory_space<hbm>> -> memref<1x125x80xi32, #tpu.memory_space<hbm>>
      %dma_wait3A_149 = tpu.memref_squeeze %dma_wait3A_148 : memref<1x125x80xi32, #tpu.memory_space<hbm>> -> memref<125x80xi32, #tpu.memory_space<hbm>>
      tpu.wait_dma2 semaphore(%run_scoped3A_133 : memref<!tpu.dma_semaphore, #tpu.memory_space<semaphore_mem>>) src(%dma_wait3A_149 : memref<125x80xi32, #tpu.memory_space<hbm>>) dst(%arg7 : memref<125x80xi32, #tpu.memory_space<vmem>>)
      tpu.yield
    }) : () -> ()
    %dma_start3A = arith.constant 0 : i32
    %dma_start3A_7 = arith.constant 0 : i32
    %dma_start3A_8 = tpu.memref_slice %arg6[%dma_start3A, %dma_start3A_7] : memref<125x80xi32, #tpu.memory_space<vmem>> -> memref<1x80xi32, #tpu.memory_space<vmem>>
    %dma_start3A_9 = tpu.memref_squeeze %dma_start3A_8 : memref<1x80xi32, #tpu.memory_space<vmem>> -> memref<80xi32, #tpu.memory_space<vmem>>
    %dma_start3A_10 = arith.constant 0 : i32
    %dma_start3A_11 = arith.constant 0 : i32
    %dma_start3A_12 = tpu.memref_slice %arg2[%dma_start3A_10, %dma_start3A_11] : memref<10000x128xf32, #tpu.memory_space<hbm>> -> memref<10000x128xf32, #tpu.memory_space<hbm>>
    tpu.enqueue_indirect_dma source(%dma_start3A_12 : memref<10000x128xf32, #tpu.memory_space<hbm>>) target(%arg8 : memref<80x128xf32, #tpu.memory_space<vmem>>) offsets(%dma_start3A_9 : memref<80xi32, #tpu.memory_space<vmem>>) semaphore(%arg15 : memref<!tpu.dma_semaphore, #tpu.memory_space<semaphore_mem>>)
    %dma_start3A_13 = arith.constant 1 : i32
    %dma_start3A_14 = arith.constant 0 : i32
    %dma_start3A_15 = tpu.memref_slice %arg6[%dma_start3A_13, %dma_start3A_14] : memref<125x80xi32, #tpu.memory_space<vmem>> -> memref<1x80xi32, #tpu.memory_space<vmem>>
    %dma_start3A_16 = tpu.memref_squeeze %dma_start3A_15 : memref<1x80xi32, #tpu.memory_space<vmem>> -> memref<80xi32, #tpu.memory_space<vmem>>
    %dma_start3A_17 = arith.constant 0 : i32
    %dma_start3A_18 = arith.constant 0 : i32
    %dma_start3A_19 = tpu.memref_slice %arg2[%dma_start3A_17, %dma_start3A_18] : memref<10000x128xf32, #tpu.memory_space<hbm>> -> memref<10000x128xf32, #tpu.memory_space<hbm>>
    tpu.enqueue_indirect_dma source(%dma_start3A_19 : memref<10000x128xf32, #tpu.memory_space<hbm>>) target(%arg9 : memref<80x128xf32, #tpu.memory_space<vmem>>) offsets(%dma_start3A_16 : memref<80xi32, #tpu.memory_space<vmem>>) semaphore(%arg16 : memref<!tpu.dma_semaphore, #tpu.memory_space<semaphore_mem>>)
    %dma_start3A_20 = arith.constant 2 : i32
    %dma_start3A_21 = arith.constant 0 : i32
    %dma_start3A_22 = tpu.memref_slice %arg6[%dma_start3A_20, %dma_start3A_21] : memref<125x80xi32, #tpu.memory_space<vmem>> -> memref<1x80xi32, #tpu.memory_space<vmem>>
    %dma_start3A_23 = tpu.memref_squeeze %dma_start3A_22 : memref<1x80xi32, #tpu.memory_space<vmem>> -> memref<80xi32, #tpu.memory_space<vmem>>
    %dma_start3A_24 = arith.constant 0 : i32
    %dma_start3A_25 = arith.constant 0 : i32
    %dma_start3A_26 = tpu.memref_slice %arg2[%dma_start3A_24, %dma_start3A_25] : memref<10000x128xf32, #tpu.memory_space<hbm>> -> memref<10000x128xf32, #tpu.memory_space<hbm>>
    tpu.enqueue_indirect_dma source(%dma_start3A_26 : memref<10000x128xf32, #tpu.memory_space<hbm>>) target(%arg10 : memref<80x128xf32, #tpu.memory_space<vmem>>) offsets(%dma_start3A_23 : memref<80xi32, #tpu.memory_space<vmem>>) semaphore(%arg17 : memref<!tpu.dma_semaphore, #tpu.memory_space<semaphore_mem>>)
    %dma_wait3A = arith.constant 0 : i32
    %dma_wait3A_27 = arith.constant 0 : i32
    %dma_wait3A_28 = tpu.memref_slice %arg6[%dma_wait3A, %dma_wait3A_27] : memref<125x80xi32, #tpu.memory_space<vmem>> -> memref<1x80xi32, #tpu.memory_space<vmem>>
    %dma_wait3A_29 = tpu.memref_squeeze %dma_wait3A_28 : memref<1x80xi32, #tpu.memory_space<vmem>> -> memref<80xi32, #tpu.memory_space<vmem>>
    %dma_wait3A_30 = arith.constant 0 : i32
    %dma_wait3A_31 = arith.constant 0 : i32
    %dma_wait3A_32 = tpu.memref_slice %arg2[%dma_wait3A_30, %dma_wait3A_31] : memref<10000x128xf32, #tpu.memory_space<hbm>> -> memref<10000x128xf32, #tpu.memory_space<hbm>>
    tpu.wait_indirect_dma semaphore(%arg15 : memref<!tpu.dma_semaphore, #tpu.memory_space<semaphore_mem>>) src(%dma_wait3A_32 : memref<10000x128xf32, #tpu.memory_space<hbm>>) dst(%arg8 : memref<80x128xf32, #tpu.memory_space<vmem>>)
    %dma_start3A_33 = arith.constant 0 : i32
    %dma_start3A_34 = arith.constant 0 : i32
    %dma_start3A_35 = tpu.memref_slice %arg7[%dma_start3A_33, %dma_start3A_34] : memref<125x80xi32, #tpu.memory_space<vmem>> -> memref<1x80xi32, #tpu.memory_space<vmem>>
    %dma_start3A_36 = tpu.memref_squeeze %dma_start3A_35 : memref<1x80xi32, #tpu.memory_space<vmem>> -> memref<80xi32, #tpu.memory_space<vmem>>
    %dma_start3A_37 = arith.constant 0 : i32
    %dma_start3A_38 = arith.constant 0 : i32
    %dma_start3A_39 = tpu.memref_slice %arg11[%dma_start3A_37, %dma_start3A_38] : memref<10000x128xf32, #tpu.memory_space<vmem_shared>> -> memref<10000x128xf32, #tpu.memory_space<vmem_shared>>
    tpu.enqueue_indirect_dma source(%arg8 : memref<80x128xf32, #tpu.memory_space<vmem>>) target(%dma_start3A_39 : memref<10000x128xf32, #tpu.memory_space<vmem_shared>>) offsets(%dma_start3A_36 : memref<80xi32, #tpu.memory_space<vmem>>) semaphore(%arg12 : memref<!tpu.dma_semaphore, #tpu.memory_space<semaphore_mem>>) {add = true}
    %scan3A = arith.constant 1 : i32
    %scan3A_40 = arith.constant 40 : i32
    %scan3A_41 = arith.addi %scan3A, %scan3A_40 : i32
    %scan3A_42 = arith.constant 1 : i32
    scf.for %scan3A_133 = %scan3A to %scan3A_41 step %scan3A_42  : i32 {
      %mul3A_134 = arith.constant 3 : i32
      %mul3A_135 = arith.muli %scan3A_133, %mul3A_134 : i32
      %add3A_136 = arith.constant 0 : i32
      %add3A_137 = arith.addi %mul3A_135, %add3A_136 : i32
      %sub3A = arith.constant 3 : i32
      %sub3A_138 = arith.subi %add3A_137, %sub3A : i32
      %dma_wait3A_139 = arith.constant 0 : i32
      %dma_wait3A_140 = tpu.memref_slice %arg7[%sub3A_138, %dma_wait3A_139] : memref<125x80xi32, #tpu.memory_space<vmem>> -> memref<1x80xi32, #tpu.memory_space<vmem>>
      %dma_wait3A_141 = tpu.memref_squeeze %dma_wait3A_140 : memref<1x80xi32, #tpu.memory_space<vmem>> -> memref<80xi32, #tpu.memory_space<vmem>>
      %dma_wait3A_142 = arith.constant 0 : i32
      %dma_wait3A_143 = arith.constant 0 : i32
      %dma_wait3A_144 = tpu.memref_slice %arg11[%dma_wait3A_142, %dma_wait3A_143] : memref<10000x128xf32, #tpu.memory_space<vmem_shared>> -> memref<10000x128xf32, #tpu.memory_space<vmem_shared>>
      tpu.wait_indirect_dma semaphore(%arg12 : memref<!tpu.dma_semaphore, #tpu.memory_space<semaphore_mem>>) src(%arg8 : memref<80x128xf32, #tpu.memory_space<vmem>>) dst(%dma_wait3A_144 : memref<10000x128xf32, #tpu.memory_space<vmem_shared>>)
      %dma_start3A_145 = arith.constant 0 : i32
      %dma_start3A_146 = tpu.memref_slice %arg6[%add3A_137, %dma_start3A_145] : memref<125x80xi32, #tpu.memory_space<vmem>> -> memref<1x80xi32, #tpu.memory_space<vmem>>
      %dma_start3A_147 = tpu.memref_squeeze %dma_start3A_146 : memref<1x80xi32, #tpu.memory_space<vmem>> -> memref<80xi32, #tpu.memory_space<vmem>>
      %dma_start3A_148 = arith.constant 0 : i32
      %dma_start3A_149 = arith.constant 0 : i32
      %dma_start3A_150 = tpu.memref_slice %arg2[%dma_start3A_148, %dma_start3A_149] : memref<10000x128xf32, #tpu.memory_space<hbm>> -> memref<10000x128xf32, #tpu.memory_space<hbm>>
      tpu.enqueue_indirect_dma source(%dma_start3A_150 : memref<10000x128xf32, #tpu.memory_space<hbm>>) target(%arg8 : memref<80x128xf32, #tpu.memory_space<vmem>>) offsets(%dma_start3A_147 : memref<80xi32, #tpu.memory_space<vmem>>) semaphore(%arg15 : memref<!tpu.dma_semaphore, #tpu.memory_space<semaphore_mem>>)
      %sub3A_151 = arith.constant 2 : i32
      %sub3A_152 = arith.subi %add3A_137, %sub3A_151 : i32
      %dma_wait3A_153 = arith.constant 0 : i32
      %dma_wait3A_154 = tpu.memref_slice %arg6[%sub3A_152, %dma_wait3A_153] : memref<125x80xi32, #tpu.memory_space<vmem>> -> memref<1x80xi32, #tpu.memory_space<vmem>>
      %dma_wait3A_155 = tpu.memref_squeeze %dma_wait3A_154 : memref<1x80xi32, #tpu.memory_space<vmem>> -> memref<80xi32, #tpu.memory_space<vmem>>
      %dma_wait3A_156 = arith.constant 0 : i32
      %dma_wait3A_157 = arith.constant 0 : i32
      %dma_wait3A_158 = tpu.memref_slice %arg2[%dma_wait3A_156, %dma_wait3A_157] : memref<10000x128xf32, #tpu.memory_space<hbm>> -> memref<10000x128xf32, #tpu.memory_space<hbm>>
      tpu.wait_indirect_dma semaphore(%arg16 : memref<!tpu.dma_semaphore, #tpu.memory_space<semaphore_mem>>) src(%dma_wait3A_158 : memref<10000x128xf32, #tpu.memory_space<hbm>>) dst(%arg9 : memref<80x128xf32, #tpu.memory_space<vmem>>)
      %dma_start3A_159 = arith.constant 0 : i32
      %dma_start3A_160 = tpu.memref_slice %arg7[%sub3A_152, %dma_start3A_159] : memref<125x80xi32, #tpu.memory_space<vmem>> -> memref<1x80xi32, #tpu.memory_space<vmem>>
      %dma_start3A_161 = tpu.memref_squeeze %dma_start3A_160 : memref<1x80xi32, #tpu.memory_space<vmem>> -> memref<80xi32, #tpu.memory_space<vmem>>
      %dma_start3A_162 = arith.constant 0 : i32
      %dma_start3A_163 = arith.constant 0 : i32
      %dma_start3A_164 = tpu.memref_slice %arg11[%dma_start3A_162, %dma_start3A_163] : memref<10000x128xf32, #tpu.memory_space<vmem_shared>> -> memref<10000x128xf32, #tpu.memory_space<vmem_shared>>
      tpu.enqueue_indirect_dma source(%arg9 : memref<80x128xf32, #tpu.memory_space<vmem>>) target(%dma_start3A_164 : memref<10000x128xf32, #tpu.memory_space<vmem_shared>>) offsets(%dma_start3A_161 : memref<80xi32, #tpu.memory_space<vmem>>) semaphore(%arg13 : memref<!tpu.dma_semaphore, #tpu.memory_space<semaphore_mem>>) {add = true}
      %mul3A_165 = arith.constant 3 : i32
      %mul3A_166 = arith.muli %scan3A_133, %mul3A_165 : i32
      %add3A_167 = arith.constant 1 : i32
      %add3A_168 = arith.addi %mul3A_166, %add3A_167 : i32
      %sub3A_169 = arith.constant 3 : i32
      %sub3A_170 = arith.subi %add3A_168, %sub3A_169 : i32
      %dma_wait3A_171 = arith.constant 0 : i32
      %dma_wait3A_172 = tpu.memref_slice %arg7[%sub3A_170, %dma_wait3A_171] : memref<125x80xi32, #tpu.memory_space<vmem>> -> memref<1x80xi32, #tpu.memory_space<vmem>>
      %dma_wait3A_173 = tpu.memref_squeeze %dma_wait3A_172 : memref<1x80xi32, #tpu.memory_space<vmem>> -> memref<80xi32, #tpu.memory_space<vmem>>
      %dma_wait3A_174 = arith.constant 0 : i32
      %dma_wait3A_175 = arith.constant 0 : i32
      %dma_wait3A_176 = tpu.memref_slice %arg11[%dma_wait3A_174, %dma_wait3A_175] : memref<10000x128xf32, #tpu.memory_space<vmem_shared>> -> memref<10000x128xf32, #tpu.memory_space<vmem_shared>>
      tpu.wait_indirect_dma semaphore(%arg13 : memref<!tpu.dma_semaphore, #tpu.memory_space<semaphore_mem>>) src(%arg9 : memref<80x128xf32, #tpu.memory_space<vmem>>) dst(%dma_wait3A_176 : memref<10000x128xf32, #tpu.memory_space<vmem_shared>>)
      %dma_start3A_177 = arith.constant 0 : i32
      %dma_start3A_178 = tpu.memref_slice %arg6[%add3A_168, %dma_start3A_177] : memref<125x80xi32, #tpu.memory_space<vmem>> -> memref<1x80xi32, #tpu.memory_space<vmem>>
      %dma_start3A_179 = tpu.memref_squeeze %dma_start3A_178 : memref<1x80xi32, #tpu.memory_space<vmem>> -> memref<80xi32, #tpu.memory_space<vmem>>
      %dma_start3A_180 = arith.constant 0 : i32
      %dma_start3A_181 = arith.constant 0 : i32
      %dma_start3A_182 = tpu.memref_slice %arg2[%dma_start3A_180, %dma_start3A_181] : memref<10000x128xf32, #tpu.memory_space<hbm>> -> memref<10000x128xf32, #tpu.memory_space<hbm>>
      tpu.enqueue_indirect_dma source(%dma_start3A_182 : memref<10000x128xf32, #tpu.memory_space<hbm>>) target(%arg9 : memref<80x128xf32, #tpu.memory_space<vmem>>) offsets(%dma_start3A_179 : memref<80xi32, #tpu.memory_space<vmem>>) semaphore(%arg16 : memref<!tpu.dma_semaphore, #tpu.memory_space<semaphore_mem>>)
      %sub3A_183 = arith.constant 2 : i32
      %sub3A_184 = arith.subi %add3A_168, %sub3A_183 : i32
      %dma_wait3A_185 = arith.constant 0 : i32
      %dma_wait3A_186 = tpu.memref_slice %arg6[%sub3A_184, %dma_wait3A_185] : memref<125x80xi32, #tpu.memory_space<vmem>> -> memref<1x80xi32, #tpu.memory_space<vmem>>
      %dma_wait3A_187 = tpu.memref_squeeze %dma_wait3A_186 : memref<1x80xi32, #tpu.memory_space<vmem>> -> memref<80xi32, #tpu.memory_space<vmem>>
      %dma_wait3A_188 = arith.constant 0 : i32
      %dma_wait3A_189 = arith.constant 0 : i32
      %dma_wait3A_190 = tpu.memref_slice %arg2[%dma_wait3A_188, %dma_wait3A_189] : memref<10000x128xf32, #tpu.memory_space<hbm>> -> memref<10000x128xf32, #tpu.memory_space<hbm>>
      tpu.wait_indirect_dma semaphore(%arg17 : memref<!tpu.dma_semaphore, #tpu.memory_space<semaphore_mem>>) src(%dma_wait3A_190 : memref<10000x128xf32, #tpu.memory_space<hbm>>) dst(%arg10 : memref<80x128xf32, #tpu.memory_space<vmem>>)
      %dma_start3A_191 = arith.constant 0 : i32
      %dma_start3A_192 = tpu.memref_slice %arg7[%sub3A_184, %dma_start3A_191] : memref<125x80xi32, #tpu.memory_space<vmem>> -> memref<1x80xi32, #tpu.memory_space<vmem>>
      %dma_start3A_193 = tpu.memref_squeeze %dma_start3A_192 : memref<1x80xi32, #tpu.memory_space<vmem>> -> memref<80xi32, #tpu.memory_space<vmem>>
      %dma_start3A_194 = arith.constant 0 : i32
      %dma_start3A_195 = arith.constant 0 : i32
      %dma_start3A_196 = tpu.memref_slice %arg11[%dma_start3A_194, %dma_start3A_195] : memref<10000x128xf32, #tpu.memory_space<vmem_shared>> -> memref<10000x128xf32, #tpu.memory_space<vmem_shared>>
      tpu.enqueue_indirect_dma source(%arg10 : memref<80x128xf32, #tpu.memory_space<vmem>>) target(%dma_start3A_196 : memref<10000x128xf32, #tpu.memory_space<vmem_shared>>) offsets(%dma_start3A_193 : memref<80xi32, #tpu.memory_space<vmem>>) semaphore(%arg14 : memref<!tpu.dma_semaphore, #tpu.memory_space<semaphore_mem>>) {add = true}
      %mul3A_197 = arith.constant 3 : i32
      %mul3A_198 = arith.muli %scan3A_133, %mul3A_197 : i32
      %add3A_199 = arith.constant 2 : i32
      %add3A_200 = arith.addi %mul3A_198, %add3A_199 : i32
      %sub3A_201 = arith.constant 3 : i32
      %sub3A_202 = arith.subi %add3A_200, %sub3A_201 : i32
      %dma_wait3A_203 = arith.constant 0 : i32
      %dma_wait3A_204 = tpu.memref_slice %arg7[%sub3A_202, %dma_wait3A_203] : memref<125x80xi32, #tpu.memory_space<vmem>> -> memref<1x80xi32, #tpu.memory_space<vmem>>
      %dma_wait3A_205 = tpu.memref_squeeze %dma_wait3A_204 : memref<1x80xi32, #tpu.memory_space<vmem>> -> memref<80xi32, #tpu.memory_space<vmem>>
      %dma_wait3A_206 = arith.constant 0 : i32
      %dma_wait3A_207 = arith.constant 0 : i32
      %dma_wait3A_208 = tpu.memref_slice %arg11[%dma_wait3A_206, %dma_wait3A_207] : memref<10000x128xf32, #tpu.memory_space<vmem_shared>> -> memref<10000x128xf32, #tpu.memory_space<vmem_shared>>
      tpu.wait_indirect_dma semaphore(%arg14 : memref<!tpu.dma_semaphore, #tpu.memory_space<semaphore_mem>>) src(%arg10 : memref<80x128xf32, #tpu.memory_space<vmem>>) dst(%dma_wait3A_208 : memref<10000x128xf32, #tpu.memory_space<vmem_shared>>)
      %dma_start3A_209 = arith.constant 0 : i32
      %dma_start3A_210 = tpu.memref_slice %arg6[%add3A_200, %dma_start3A_209] : memref<125x80xi32, #tpu.memory_space<vmem>> -> memref<1x80xi32, #tpu.memory_space<vmem>>
      %dma_start3A_211 = tpu.memref_squeeze %dma_start3A_210 : memref<1x80xi32, #tpu.memory_space<vmem>> -> memref<80xi32, #tpu.memory_space<vmem>>
      %dma_start3A_212 = arith.constant 0 : i32
      %dma_start3A_213 = arith.constant 0 : i32
      %dma_start3A_214 = tpu.memref_slice %arg2[%dma_start3A_212, %dma_start3A_213] : memref<10000x128xf32, #tpu.memory_space<hbm>> -> memref<10000x128xf32, #tpu.memory_space<hbm>>
      tpu.enqueue_indirect_dma source(%dma_start3A_214 : memref<10000x128xf32, #tpu.memory_space<hbm>>) target(%arg10 : memref<80x128xf32, #tpu.memory_space<vmem>>) offsets(%dma_start3A_211 : memref<80xi32, #tpu.memory_space<vmem>>) semaphore(%arg17 : memref<!tpu.dma_semaphore, #tpu.memory_space<semaphore_mem>>)
      %sub3A_215 = arith.constant 2 : i32
      %sub3A_216 = arith.subi %add3A_200, %sub3A_215 : i32
      %dma_wait3A_217 = arith.constant 0 : i32
      %dma_wait3A_218 = tpu.memref_slice %arg6[%sub3A_216, %dma_wait3A_217] : memref<125x80xi32, #tpu.memory_space<vmem>> -> memref<1x80xi32, #tpu.memory_space<vmem>>
      %dma_wait3A_219 = tpu.memref_squeeze %dma_wait3A_218 : memref<1x80xi32, #tpu.memory_space<vmem>> -> memref<80xi32, #tpu.memory_space<vmem>>
      %dma_wait3A_220 = arith.constant 0 : i32
      %dma_wait3A_221 = arith.constant 0 : i32
      %dma_wait3A_222 = tpu.memref_slice %arg2[%dma_wait3A_220, %dma_wait3A_221] : memref<10000x128xf32, #tpu.memory_space<hbm>> -> memref<10000x128xf32, #tpu.memory_space<hbm>>
      tpu.wait_indirect_dma semaphore(%arg15 : memref<!tpu.dma_semaphore, #tpu.memory_space<semaphore_mem>>) src(%dma_wait3A_222 : memref<10000x128xf32, #tpu.memory_space<hbm>>) dst(%arg8 : memref<80x128xf32, #tpu.memory_space<vmem>>)
      %dma_start3A_223 = arith.constant 0 : i32
      %dma_start3A_224 = tpu.memref_slice %arg7[%sub3A_216, %dma_start3A_223] : memref<125x80xi32, #tpu.memory_space<vmem>> -> memref<1x80xi32, #tpu.memory_space<vmem>>
      %dma_start3A_225 = tpu.memref_squeeze %dma_start3A_224 : memref<1x80xi32, #tpu.memory_space<vmem>> -> memref<80xi32, #tpu.memory_space<vmem>>
      %dma_start3A_226 = arith.constant 0 : i32
      %dma_start3A_227 = arith.constant 0 : i32
      %dma_start3A_228 = tpu.memref_slice %arg11[%dma_start3A_226, %dma_start3A_227] : memref<10000x128xf32, #tpu.memory_space<vmem_shared>> -> memref<10000x128xf32, #tpu.memory_space<vmem_shared>>
      tpu.enqueue_indirect_dma source(%arg8 : memref<80x128xf32, #tpu.memory_space<vmem>>) target(%dma_start3A_228 : memref<10000x128xf32, #tpu.memory_space<vmem_shared>>) offsets(%dma_start3A_225 : memref<80xi32, #tpu.memory_space<vmem>>) semaphore(%arg12 : memref<!tpu.dma_semaphore, #tpu.memory_space<semaphore_mem>>) {add = true}
    }
    %scan3A_43 = arith.constant 40 : i32
    %dma_wait3A_44 = arith.constant 121 : i32
    %dma_wait3A_45 = arith.constant 0 : i32
    %dma_wait3A_46 = tpu.memref_slice %arg6[%dma_wait3A_44, %dma_wait3A_45] : memref<125x80xi32, #tpu.memory_space<vmem>> -> memref<1x80xi32, #tpu.memory_space<vmem>>
    %dma_wait3A_47 = tpu.memref_squeeze %dma_wait3A_46 : memref<1x80xi32, #tpu.memory_space<vmem>> -> memref<80xi32, #tpu.memory_space<vmem>>
    %dma_wait3A_48 = arith.constant 0 : i32
    %dma_wait3A_49 = arith.constant 0 : i32
    %dma_wait3A_50 = tpu.memref_slice %arg2[%dma_wait3A_48, %dma_wait3A_49] : memref<10000x128xf32, #tpu.memory_space<hbm>> -> memref<10000x128xf32, #tpu.memory_space<hbm>>
    tpu.wait_indirect_dma semaphore(%arg16 : memref<!tpu.dma_semaphore, #tpu.memory_space<semaphore_mem>>) src(%dma_wait3A_50 : memref<10000x128xf32, #tpu.memory_space<hbm>>) dst(%arg9 : memref<80x128xf32, #tpu.memory_space<vmem>>)
    %dma_start3A_51 = arith.constant 121 : i32
    %dma_start3A_52 = arith.constant 0 : i32
    %dma_start3A_53 = tpu.memref_slice %arg7[%dma_start3A_51, %dma_start3A_52] : memref<125x80xi32, #tpu.memory_space<vmem>> -> memref<1x80xi32, #tpu.memory_space<vmem>>
    %dma_start3A_54 = tpu.memref_squeeze %dma_start3A_53 : memref<1x80xi32, #tpu.memory_space<vmem>> -> memref<80xi32, #tpu.memory_space<vmem>>
    %dma_start3A_55 = arith.constant 0 : i32
    %dma_start3A_56 = arith.constant 0 : i32
    %dma_start3A_57 = tpu.memref_slice %arg11[%dma_start3A_55, %dma_start3A_56] : memref<10000x128xf32, #tpu.memory_space<vmem_shared>> -> memref<10000x128xf32, #tpu.memory_space<vmem_shared>>
    tpu.enqueue_indirect_dma source(%arg9 : memref<80x128xf32, #tpu.memory_space<vmem>>) target(%dma_start3A_57 : memref<10000x128xf32, #tpu.memory_space<vmem_shared>>) offsets(%dma_start3A_54 : memref<80xi32, #tpu.memory_space<vmem>>) semaphore(%arg13 : memref<!tpu.dma_semaphore, #tpu.memory_space<semaphore_mem>>) {add = true}
    %dma_wait3A_58 = arith.constant 122 : i32
    %dma_wait3A_59 = arith.constant 0 : i32
    %dma_wait3A_60 = tpu.memref_slice %arg6[%dma_wait3A_58, %dma_wait3A_59] : memref<125x80xi32, #tpu.memory_space<vmem>> -> memref<1x80xi32, #tpu.memory_space<vmem>>
    %dma_wait3A_61 = tpu.memref_squeeze %dma_wait3A_60 : memref<1x80xi32, #tpu.memory_space<vmem>> -> memref<80xi32, #tpu.memory_space<vmem>>
    %dma_wait3A_62 = arith.constant 0 : i32
    %dma_wait3A_63 = arith.constant 0 : i32
    %dma_wait3A_64 = tpu.memref_slice %arg2[%dma_wait3A_62, %dma_wait3A_63] : memref<10000x128xf32, #tpu.memory_space<hbm>> -> memref<10000x128xf32, #tpu.memory_space<hbm>>
    tpu.wait_indirect_dma semaphore(%arg17 : memref<!tpu.dma_semaphore, #tpu.memory_space<semaphore_mem>>) src(%dma_wait3A_64 : memref<10000x128xf32, #tpu.memory_space<hbm>>) dst(%arg10 : memref<80x128xf32, #tpu.memory_space<vmem>>)
    %dma_start3A_65 = arith.constant 122 : i32
    %dma_start3A_66 = arith.constant 0 : i32
    %dma_start3A_67 = tpu.memref_slice %arg7[%dma_start3A_65, %dma_start3A_66] : memref<125x80xi32, #tpu.memory_space<vmem>> -> memref<1x80xi32, #tpu.memory_space<vmem>>
    %dma_start3A_68 = tpu.memref_squeeze %dma_start3A_67 : memref<1x80xi32, #tpu.memory_space<vmem>> -> memref<80xi32, #tpu.memory_space<vmem>>
    %dma_start3A_69 = arith.constant 0 : i32
    %dma_start3A_70 = arith.constant 0 : i32
    %dma_start3A_71 = tpu.memref_slice %arg11[%dma_start3A_69, %dma_start3A_70] : memref<10000x128xf32, #tpu.memory_space<vmem_shared>> -> memref<10000x128xf32, #tpu.memory_space<vmem_shared>>
    tpu.enqueue_indirect_dma source(%arg10 : memref<80x128xf32, #tpu.memory_space<vmem>>) target(%dma_start3A_71 : memref<10000x128xf32, #tpu.memory_space<vmem_shared>>) offsets(%dma_start3A_68 : memref<80xi32, #tpu.memory_space<vmem>>) semaphore(%arg14 : memref<!tpu.dma_semaphore, #tpu.memory_space<semaphore_mem>>) {add = true}
    %dma_wait3A_72 = arith.constant 120 : i32
    %dma_wait3A_73 = arith.constant 0 : i32
    %dma_wait3A_74 = tpu.memref_slice %arg7[%dma_wait3A_72, %dma_wait3A_73] : memref<125x80xi32, #tpu.memory_space<vmem>> -> memref<1x80xi32, #tpu.memory_space<vmem>>
    %dma_wait3A_75 = tpu.memref_squeeze %dma_wait3A_74 : memref<1x80xi32, #tpu.memory_space<vmem>> -> memref<80xi32, #tpu.memory_space<vmem>>
    %dma_wait3A_76 = arith.constant 0 : i32
    %dma_wait3A_77 = arith.constant 0 : i32
    %dma_wait3A_78 = tpu.memref_slice %arg11[%dma_wait3A_76, %dma_wait3A_77] : memref<10000x128xf32, #tpu.memory_space<vmem_shared>> -> memref<10000x128xf32, #tpu.memory_space<vmem_shared>>
    tpu.wait_indirect_dma semaphore(%arg12 : memref<!tpu.dma_semaphore, #tpu.memory_space<semaphore_mem>>) src(%arg8 : memref<80x128xf32, #tpu.memory_space<vmem>>) dst(%dma_wait3A_78 : memref<10000x128xf32, #tpu.memory_space<vmem_shared>>)
    %run_scoped3A = arith.constant 123 : i32
    "tpu.region"() ({
      %run_scoped3A_133 = tpu.sem_alloc : memref<!tpu.dma_semaphore, #tpu.memory_space<semaphore_mem>>
      %dma_start3A_134 = arith.constant 0 : i32
      %dma_start3A_135 = tpu.memref_slice %arg6[%run_scoped3A, %dma_start3A_134] : memref<125x80xi32, #tpu.memory_space<vmem>> -> memref<1x80xi32, #tpu.memory_space<vmem>>
      %dma_start3A_136 = tpu.memref_squeeze %dma_start3A_135 : memref<1x80xi32, #tpu.memory_space<vmem>> -> memref<80xi32, #tpu.memory_space<vmem>>
      %dma_start3A_137 = arith.constant 0 : i32
      %dma_start3A_138 = arith.constant 0 : i32
      %dma_start3A_139 = tpu.memref_slice %arg2[%dma_start3A_137, %dma_start3A_138] : memref<10000x128xf32, #tpu.memory_space<hbm>> -> memref<10000x128xf32, #tpu.memory_space<hbm>>
      tpu.enqueue_indirect_dma source(%dma_start3A_139 : memref<10000x128xf32, #tpu.memory_space<hbm>>) target(%arg8 : memref<80x128xf32, #tpu.memory_space<vmem>>) offsets(%dma_start3A_136 : memref<80xi32, #tpu.memory_space<vmem>>) semaphore(%run_scoped3A_133 : memref<!tpu.dma_semaphore, #tpu.memory_space<semaphore_mem>>)
      %dma_wait3A_140 = arith.constant 0 : i32
      %dma_wait3A_141 = tpu.memref_slice %arg6[%run_scoped3A, %dma_wait3A_140] : memref<125x80xi32, #tpu.memory_space<vmem>> -> memref<1x80xi32, #tpu.memory_space<vmem>>
      %dma_wait3A_142 = tpu.memref_squeeze %dma_wait3A_141 : memref<1x80xi32, #tpu.memory_space<vmem>> -> memref<80xi32, #tpu.memory_space<vmem>>
      %dma_wait3A_143 = arith.constant 0 : i32
      %dma_wait3A_144 = arith.constant 0 : i32
      %dma_wait3A_145 = tpu.memref_slice %arg2[%dma_wait3A_143, %dma_wait3A_144] : memref<10000x128xf32, #tpu.memory_space<hbm>> -> memref<10000x128xf32, #tpu.memory_space<hbm>>
      tpu.wait_indirect_dma semaphore(%run_scoped3A_133 : memref<!tpu.dma_semaphore, #tpu.memory_space<semaphore_mem>>) src(%dma_wait3A_145 : memref<10000x128xf32, #tpu.memory_space<hbm>>) dst(%arg8 : memref<80x128xf32, #tpu.memory_space<vmem>>)
      tpu.yield
    }) : () -> ()
    %dma_start3A_79 = arith.constant 123 : i32
    %dma_start3A_80 = arith.constant 0 : i32
    %dma_start3A_81 = tpu.memref_slice %arg7[%dma_start3A_79, %dma_start3A_80] : memref<125x80xi32, #tpu.memory_space<vmem>> -> memref<1x80xi32, #tpu.memory_space<vmem>>
    %dma_start3A_82 = tpu.memref_squeeze %dma_start3A_81 : memref<1x80xi32, #tpu.memory_space<vmem>> -> memref<80xi32, #tpu.memory_space<vmem>>
    %dma_start3A_83 = arith.constant 0 : i32
    %dma_start3A_84 = arith.constant 0 : i32
    %dma_start3A_85 = tpu.memref_slice %arg11[%dma_start3A_83, %dma_start3A_84] : memref<10000x128xf32, #tpu.memory_space<vmem_shared>> -> memref<10000x128xf32, #tpu.memory_space<vmem_shared>>
    tpu.enqueue_indirect_dma source(%arg8 : memref<80x128xf32, #tpu.memory_space<vmem>>) target(%dma_start3A_85 : memref<10000x128xf32, #tpu.memory_space<vmem_shared>>) offsets(%dma_start3A_82 : memref<80xi32, #tpu.memory_space<vmem>>) semaphore(%arg12 : memref<!tpu.dma_semaphore, #tpu.memory_space<semaphore_mem>>) {add = true}
    %dma_wait3A_86 = arith.constant 121 : i32
    %dma_wait3A_87 = arith.constant 0 : i32
    %dma_wait3A_88 = tpu.memref_slice %arg7[%dma_wait3A_86, %dma_wait3A_87] : memref<125x80xi32, #tpu.memory_space<vmem>> -> memref<1x80xi32, #tpu.memory_space<vmem>>
    %dma_wait3A_89 = tpu.memref_squeeze %dma_wait3A_88 : memref<1x80xi32, #tpu.memory_space<vmem>> -> memref<80xi32, #tpu.memory_space<vmem>>
    %dma_wait3A_90 = arith.constant 0 : i32
    %dma_wait3A_91 = arith.constant 0 : i32
    %dma_wait3A_92 = tpu.memref_slice %arg11[%dma_wait3A_90, %dma_wait3A_91] : memref<10000x128xf32, #tpu.memory_space<vmem_shared>> -> memref<10000x128xf32, #tpu.memory_space<vmem_shared>>
    tpu.wait_indirect_dma semaphore(%arg13 : memref<!tpu.dma_semaphore, #tpu.memory_space<semaphore_mem>>) src(%arg9 : memref<80x128xf32, #tpu.memory_space<vmem>>) dst(%dma_wait3A_92 : memref<10000x128xf32, #tpu.memory_space<vmem_shared>>)
    %run_scoped3A_93 = arith.constant 124 : i32
    "tpu.region"() ({
      %run_scoped3A_133 = tpu.sem_alloc : memref<!tpu.dma_semaphore, #tpu.memory_space<semaphore_mem>>
      %dma_start3A_134 = arith.constant 0 : i32
      %dma_start3A_135 = tpu.memref_slice %arg6[%run_scoped3A_93, %dma_start3A_134] : memref<125x80xi32, #tpu.memory_space<vmem>> -> memref<1x80xi32, #tpu.memory_space<vmem>>
      %dma_start3A_136 = tpu.memref_squeeze %dma_start3A_135 : memref<1x80xi32, #tpu.memory_space<vmem>> -> memref<80xi32, #tpu.memory_space<vmem>>
      %dma_start3A_137 = arith.constant 0 : i32
      %dma_start3A_138 = arith.constant 0 : i32
      %dma_start3A_139 = tpu.memref_slice %arg2[%dma_start3A_137, %dma_start3A_138] : memref<10000x128xf32, #tpu.memory_space<hbm>> -> memref<10000x128xf32, #tpu.memory_space<hbm>>
      tpu.enqueue_indirect_dma source(%dma_start3A_139 : memref<10000x128xf32, #tpu.memory_space<hbm>>) target(%arg9 : memref<80x128xf32, #tpu.memory_space<vmem>>) offsets(%dma_start3A_136 : memref<80xi32, #tpu.memory_space<vmem>>) semaphore(%run_scoped3A_133 : memref<!tpu.dma_semaphore, #tpu.memory_space<semaphore_mem>>)
      %dma_wait3A_140 = arith.constant 0 : i32
      %dma_wait3A_141 = tpu.memref_slice %arg6[%run_scoped3A_93, %dma_wait3A_140] : memref<125x80xi32, #tpu.memory_space<vmem>> -> memref<1x80xi32, #tpu.memory_space<vmem>>
      %dma_wait3A_142 = tpu.memref_squeeze %dma_wait3A_141 : memref<1x80xi32, #tpu.memory_space<vmem>> -> memref<80xi32, #tpu.memory_space<vmem>>
      %dma_wait3A_143 = arith.constant 0 : i32
      %dma_wait3A_144 = arith.constant 0 : i32
      %dma_wait3A_145 = tpu.memref_slice %arg2[%dma_wait3A_143, %dma_wait3A_144] : memref<10000x128xf32, #tpu.memory_space<hbm>> -> memref<10000x128xf32, #tpu.memory_space<hbm>>
      tpu.wait_indirect_dma semaphore(%run_scoped3A_133 : memref<!tpu.dma_semaphore, #tpu.memory_space<semaphore_mem>>) src(%dma_wait3A_145 : memref<10000x128xf32, #tpu.memory_space<hbm>>) dst(%arg9 : memref<80x128xf32, #tpu.memory_space<vmem>>)
      tpu.yield
    }) : () -> ()
    %dma_start3A_94 = arith.constant 124 : i32
    %dma_start3A_95 = arith.constant 0 : i32
    %dma_start3A_96 = tpu.memref_slice %arg7[%dma_start3A_94, %dma_start3A_95] : memref<125x80xi32, #tpu.memory_space<vmem>> -> memref<1x80xi32, #tpu.memory_space<vmem>>
    %dma_start3A_97 = tpu.memref_squeeze %dma_start3A_96 : memref<1x80xi32, #tpu.memory_space<vmem>> -> memref<80xi32, #tpu.memory_space<vmem>>
    %dma_start3A_98 = arith.constant 0 : i32
    %dma_start3A_99 = arith.constant 0 : i32
    %dma_start3A_100 = tpu.memref_slice %arg11[%dma_start3A_98, %dma_start3A_99] : memref<10000x128xf32, #tpu.memory_space<vmem_shared>> -> memref<10000x128xf32, #tpu.memory_space<vmem_shared>>
    tpu.enqueue_indirect_dma source(%arg9 : memref<80x128xf32, #tpu.memory_space<vmem>>) target(%dma_start3A_100 : memref<10000x128xf32, #tpu.memory_space<vmem_shared>>) offsets(%dma_start3A_97 : memref<80xi32, #tpu.memory_space<vmem>>) semaphore(%arg13 : memref<!tpu.dma_semaphore, #tpu.memory_space<semaphore_mem>>) {add = true}
    %dma_wait3A_101 = arith.constant 122 : i32
    %dma_wait3A_102 = arith.constant 0 : i32
    %dma_wait3A_103 = tpu.memref_slice %arg7[%dma_wait3A_101, %dma_wait3A_102] : memref<125x80xi32, #tpu.memory_space<vmem>> -> memref<1x80xi32, #tpu.memory_space<vmem>>
    %dma_wait3A_104 = tpu.memref_squeeze %dma_wait3A_103 : memref<1x80xi32, #tpu.memory_space<vmem>> -> memref<80xi32, #tpu.memory_space<vmem>>
    %dma_wait3A_105 = arith.constant 0 : i32
    %dma_wait3A_106 = arith.constant 0 : i32
    %dma_wait3A_107 = tpu.memref_slice %arg11[%dma_wait3A_105, %dma_wait3A_106] : memref<10000x128xf32, #tpu.memory_space<vmem_shared>> -> memref<10000x128xf32, #tpu.memory_space<vmem_shared>>
    tpu.wait_indirect_dma semaphore(%arg14 : memref<!tpu.dma_semaphore, #tpu.memory_space<semaphore_mem>>) src(%arg10 : memref<80x128xf32, #tpu.memory_space<vmem>>) dst(%dma_wait3A_107 : memref<10000x128xf32, #tpu.memory_space<vmem_shared>>)
    %dma_wait3A_108 = arith.constant 123 : i32
    %dma_wait3A_109 = arith.constant 0 : i32
    %dma_wait3A_110 = tpu.memref_slice %arg7[%dma_wait3A_108, %dma_wait3A_109] : memref<125x80xi32, #tpu.memory_space<vmem>> -> memref<1x80xi32, #tpu.memory_space<vmem>>
    %dma_wait3A_111 = tpu.memref_squeeze %dma_wait3A_110 : memref<1x80xi32, #tpu.memory_space<vmem>> -> memref<80xi32, #tpu.memory_space<vmem>>
    %dma_wait3A_112 = arith.constant 0 : i32
    %dma_wait3A_113 = arith.constant 0 : i32
    %dma_wait3A_114 = tpu.memref_slice %arg11[%dma_wait3A_112, %dma_wait3A_113] : memref<10000x128xf32, #tpu.memory_space<vmem_shared>> -> memref<10000x128xf32, #tpu.memory_space<vmem_shared>>
    tpu.wait_indirect_dma semaphore(%arg12 : memref<!tpu.dma_semaphore, #tpu.memory_space<semaphore_mem>>) src(%arg8 : memref<80x128xf32, #tpu.memory_space<vmem>>) dst(%dma_wait3A_114 : memref<10000x128xf32, #tpu.memory_space<vmem_shared>>)
    %dma_wait3A_115 = arith.constant 124 : i32
    %dma_wait3A_116 = arith.constant 0 : i32
    %dma_wait3A_117 = tpu.memref_slice %arg7[%dma_wait3A_115, %dma_wait3A_116] : memref<125x80xi32, #tpu.memory_space<vmem>> -> memref<1x80xi32, #tpu.memory_space<vmem>>
    %dma_wait3A_118 = tpu.memref_squeeze %dma_wait3A_117 : memref<1x80xi32, #tpu.memory_space<vmem>> -> memref<80xi32, #tpu.memory_space<vmem>>
    %dma_wait3A_119 = arith.constant 0 : i32
    %dma_wait3A_120 = arith.constant 0 : i32
    %dma_wait3A_121 = tpu.memref_slice %arg11[%dma_wait3A_119, %dma_wait3A_120] : memref<10000x128xf32, #tpu.memory_space<vmem_shared>> -> memref<10000x128xf32, #tpu.memory_space<vmem_shared>>
    tpu.wait_indirect_dma semaphore(%arg13 : memref<!tpu.dma_semaphore, #tpu.memory_space<semaphore_mem>>) src(%arg9 : memref<80x128xf32, #tpu.memory_space<vmem>>) dst(%dma_wait3A_121 : memref<10000x128xf32, #tpu.memory_space<vmem_shared>>)
    %barrier3A_122 = arith.constant 0 : index
    tpu.barrier barrier_id(%barrier3A_122)
    %lt3A_123 = arith.constant 15 : i32
    %lt3A_124 = arith.cmpi slt, %arg1, %lt3A_123 : i32
    %convert_element_type3A_125 = arith.extui %lt3A_124 : i1 to i32
    %cond3A_126 = arith.constant 0 : i32
    %cond3A_127 = arith.cmpi ne, %convert_element_type3A_125, %cond3A_126 : i32
    scf.if %cond3A_127 {
      %mul3A_133 = arith.constant 640 : i32
      %mul3A_134 = arith.muli %arg1, %mul3A_133 : i32
      %mul3A_135 = arith.constant 640 : i32
      %mul3A_136 = arith.muli %arg1, %mul3A_135 : i32
      "tpu.region"() ({
        %run_scoped3A_137 = tpu.sem_alloc : memref<!tpu.dma_semaphore, #tpu.memory_space<semaphore_mem>>
        %dma_start3A_138 = arith.constant 0 : i32
        %dma_start3A_139 = tpu.memref_slice %arg5[%arg0, %mul3A_136, %dma_start3A_138] : memref<2x10000x128xf32, #tpu.memory_space<hbm>> -> memref<1x640x128xf32, #tpu.memory_space<hbm>>
        %dma_start3A_140 = tpu.memref_squeeze %dma_start3A_139 : memref<1x640x128xf32, #tpu.memory_space<hbm>> -> memref<640x128xf32, #tpu.memory_space<hbm>>
        %dma_start3A_141 = arith.constant 0 : i32
        %dma_start3A_142 = tpu.memref_slice %arg11[%mul3A_134, %dma_start3A_141] : memref<10000x128xf32, #tpu.memory_space<vmem_shared>> -> memref<640x128xf32, #tpu.memory_space<vmem_shared>>
        tpu.enqueue_dma source(%dma_start3A_142 : memref<640x128xf32, #tpu.memory_space<vmem_shared>>) target(%dma_start3A_140 : memref<640x128xf32, #tpu.memory_space<hbm>>) target_semaphore(%run_scoped3A_137 : memref<!tpu.dma_semaphore, #tpu.memory_space<semaphore_mem>>)
        %dma_wait3A_143 = arith.constant 0 : i32
        %dma_wait3A_144 = tpu.memref_slice %arg5[%arg0, %mul3A_136, %dma_wait3A_143] : memref<2x10000x128xf32, #tpu.memory_space<hbm>> -> memref<1x640x128xf32, #tpu.memory_space<hbm>>
        %dma_wait3A_145 = tpu.memref_squeeze %dma_wait3A_144 : memref<1x640x128xf32, #tpu.memory_space<hbm>> -> memref<640x128xf32, #tpu.memory_space<hbm>>
        %dma_wait3A_146 = arith.constant 0 : i32
        %dma_wait3A_147 = tpu.memref_slice %arg11[%mul3A_134, %dma_wait3A_146] : memref<10000x128xf32, #tpu.memory_space<vmem_shared>> -> memref<640x128xf32, #tpu.memory_space<vmem_shared>>
        tpu.wait_dma2 semaphore(%run_scoped3A_137 : memref<!tpu.dma_semaphore, #tpu.memory_space<semaphore_mem>>) src(%dma_wait3A_147 : memref<640x128xf32, #tpu.memory_space<vmem_shared>>) dst(%dma_wait3A_145 : memref<640x128xf32, #tpu.memory_space<hbm>>)
        tpu.yield
      }) : () -> ()
    } else {
    }
    %eq3A_128 = arith.constant 15 : i32
    %eq3A_129 = arith.cmpi eq, %arg1, %eq3A_128 : i32
    %convert_element_type3A_130 = arith.extui %eq3A_129 : i1 to i32
    %cond3A_131 = arith.constant 0 : i32
    %cond3A_132 = arith.cmpi ne, %convert_element_type3A_130, %cond3A_131 : i32
    scf.if %cond3A_132 {
      "tpu.region"() ({
        %run_scoped3A_133 = tpu.sem_alloc : memref<!tpu.dma_semaphore, #tpu.memory_space<semaphore_mem>>
        %dma_start3A_134 = arith.constant 9600 : i32
        %dma_start3A_135 = arith.constant 0 : i32
        %dma_start3A_136 = tpu.memref_slice %arg5[%arg0, %dma_start3A_134, %dma_start3A_135] : memref<2x10000x128xf32, #tpu.memory_space<hbm>> -> memref<1x400x128xf32, #tpu.memory_space<hbm>>
        %dma_start3A_137 = tpu.memref_squeeze %dma_start3A_136 : memref<1x400x128xf32, #tpu.memory_space<hbm>> -> memref<400x128xf32, #tpu.memory_space<hbm>>
        %dma_start3A_138 = arith.constant 9600 : i32
        %dma_start3A_139 = arith.constant 0 : i32
        %dma_start3A_140 = tpu.memref_slice %arg11[%dma_start3A_138, %dma_start3A_139] : memref<10000x128xf32, #tpu.memory_space<vmem_shared>> -> memref<400x128xf32, #tpu.memory_space<vmem_shared>>
        tpu.enqueue_dma source(%dma_start3A_140 : memref<400x128xf32, #tpu.memory_space<vmem_shared>>) target(%dma_start3A_137 : memref<400x128xf32, #tpu.memory_space<hbm>>) target_semaphore(%run_scoped3A_133 : memref<!tpu.dma_semaphore, #tpu.memory_space<semaphore_mem>>)
        %dma_wait3A_141 = arith.constant 9600 : i32
        %dma_wait3A_142 = arith.constant 0 : i32
        %dma_wait3A_143 = tpu.memref_slice %arg5[%arg0, %dma_wait3A_141, %dma_wait3A_142] : memref<2x10000x128xf32, #tpu.memory_space<hbm>> -> memref<1x400x128xf32, #tpu.memory_space<hbm>>
        %dma_wait3A_144 = tpu.memref_squeeze %dma_wait3A_143 : memref<1x400x128xf32, #tpu.memory_space<hbm>> -> memref<400x128xf32, #tpu.memory_space<hbm>>
        %dma_wait3A_145 = arith.constant 9600 : i32
        %dma_wait3A_146 = arith.constant 0 : i32
        %dma_wait3A_147 = tpu.memref_slice %arg11[%dma_wait3A_145, %dma_wait3A_146] : memref<10000x128xf32, #tpu.memory_space<vmem_shared>> -> memref<400x128xf32, #tpu.memory_space<vmem_shared>>
        tpu.wait_dma2 semaphore(%run_scoped3A_133 : memref<!tpu.dma_semaphore, #tpu.memory_space<semaphore_mem>>) src(%dma_wait3A_147 : memref<400x128xf32, #tpu.memory_space<vmem_shared>>) dst(%dma_wait3A_144 : memref<400x128xf32, #tpu.memory_space<hbm>>)
        tpu.yield
      }) : () -> ()
    } else {
    }
    return
  }
}

module attributes {stable_mosaic.version = 14 : i64} {
  func.func @_l0_body(%arg0: i32, %arg1: memref<1000x1xf32, #tpu.memory_space<vmem>>, %arg2: memref<1000x1xf32, #tpu.memory_space<vmem>>, %arg3: memref<1x128xf32, #tpu.memory_space<vmem>>, %arg4: memref<1x128xf32, #tpu.memory_space<vmem>>, %arg5: memref<128x128xf32, #tpu.memory_space<vmem>>, %arg6: memref<1x128xf32, #tpu.memory_space<vmem>>, %arg7: memref<1000x128xf32, #tpu.memory_space<vmem>>) attributes {dimension_semantics = [#tpu.dimension_semantics<arbitrary>], iteration_bounds = array<i64: 10>, scalar_prefetch = 0 : i64, scratch_operands = 0 : i64, tpu.core_type = #tpu.core_type<tc>, window_params = [{transform_indices = @transform_0, window_bounds = array<i64: 1000, 1>}, {transform_indices = @transform_1, window_bounds = array<i64: 1000, 1>}, {pipeline_mode = #tpu.pipeline_mode<synchronous>, transform_indices = @transform_2, window_bounds = array<i64: 1, 128>}, {pipeline_mode = #tpu.pipeline_mode<synchronous>, transform_indices = @transform_3, window_bounds = array<i64: 1, 128>}, {pipeline_mode = #tpu.pipeline_mode<synchronous>, transform_indices = @transform_4, window_bounds = array<i64: 128, 128>}, {pipeline_mode = #tpu.pipeline_mode<synchronous>, transform_indices = @transform_5, window_bounds = array<i64: 1, 128>}, {transform_indices = @transform_6, window_bounds = array<i64: 1000, 128>}]} {
    %get3A = arith.constant 0 : index
    %get3A_0 = arith.constant 0 : index
    %get3A_1 = vector.load %arg1[%get3A, %get3A_0] : memref<1000x1xf32, #tpu.memory_space<vmem>>, vector<1000x1xf32>
    %get3A_2 = arith.constant 0 : index
    %get3A_3 = arith.constant 0 : index
    %get3A_4 = vector.load %arg2[%get3A_2, %get3A_3] : memref<1000x1xf32, #tpu.memory_space<vmem>>, vector<1000x1xf32>
    %add3A = arith.addf %get3A_1, %get3A_4 : vector<1000x1xf32>
    %add3A_5 = arith.constant 1.000000e+00 : f32
    %add3A_6 = vector.broadcast %add3A_5 : f32 to vector<1000x1xf32>
    %add3A_7 = arith.addf %add3A_6, %add3A : vector<1000x1xf32>
    %get3A_8 = arith.constant 0 : index
    %get3A_9 = arith.constant 0 : index
    %get3A_10 = vector.load %arg3[%get3A_8, %get3A_9] : memref<1x128xf32, #tpu.memory_space<vmem>>, vector<1x128xf32>
    %mul3A = vector.broadcast %add3A_7 : vector<1000x1xf32> to vector<1000x128xf32>
    %mul3A_11 = vector.broadcast %get3A_10 : vector<1x128xf32> to vector<1000x128xf32>
    %mul3A_12 = arith.mulf %mul3A, %mul3A_11 : vector<1000x128xf32>
    %get3A_13 = arith.constant 0 : index
    %get3A_14 = arith.constant 0 : index
    %get3A_15 = vector.load %arg4[%get3A_13, %get3A_14] : memref<1x128xf32, #tpu.memory_space<vmem>>, vector<1x128xf32>
    %add3A_16 = vector.broadcast %get3A_15 : vector<1x128xf32> to vector<1000x128xf32>
    %add3A_17 = arith.addf %mul3A_12, %add3A_16 : vector<1000x128xf32>
    %integer_pow3A = arith.mulf %add3A_17, %add3A_17 : vector<1000x128xf32>
    %integer_pow3A_18 = arith.mulf %add3A_17, %integer_pow3A : vector<1000x128xf32>
    %mul3A_19 = arith.constant 4.471500e-02 : f32
    %mul3A_20 = vector.broadcast %mul3A_19 : f32 to vector<1000x128xf32>
    %mul3A_21 = arith.mulf %mul3A_20, %integer_pow3A_18 : vector<1000x128xf32>
    %add3A_22 = arith.addf %add3A_17, %mul3A_21 : vector<1000x128xf32>
    %mul3A_23 = arith.constant 0.797884583 : f32
    %mul3A_24 = vector.broadcast %mul3A_23 : f32 to vector<1000x128xf32>
    %mul3A_25 = arith.mulf %mul3A_24, %add3A_22 : vector<1000x128xf32>
    %tanh3A = math.tanh %mul3A_25 : vector<1000x128xf32>
    %add3A_26 = arith.constant 1.000000e+00 : f32
    %add3A_27 = vector.broadcast %add3A_26 : f32 to vector<1000x128xf32>
    %add3A_28 = arith.addf %add3A_27, %tanh3A : vector<1000x128xf32>
    %mul3A_29 = arith.constant 5.000000e-01 : f32
    %mul3A_30 = vector.broadcast %mul3A_29 : f32 to vector<1000x128xf32>
    %mul3A_31 = arith.mulf %mul3A_30, %add3A_28 : vector<1000x128xf32>
    %mul3A_32 = arith.mulf %add3A_17, %mul3A_31 : vector<1000x128xf32>
    %get3A_33 = arith.constant 0 : index
    %get3A_34 = arith.constant 0 : index
    %get3A_35 = vector.load %arg5[%get3A_33, %get3A_34] : memref<128x128xf32, #tpu.memory_space<vmem>>, vector<128x128xf32>
    %dot_general3A = arith.constant dense<0.000000e+00> : vector<1000x128xf32>
    %dot_general3A_36 = tpu.matmul %mul3A_32, %get3A_35, %dot_general3A {dimension_numbers = #tpu.dot_dimension_numbers<[1], [0], [0], [1], [0, 0, 1, 1], [], []>, transpose_lhs_hint = false} : vector<1000x128xf32>, vector<128x128xf32>, vector<1000x128xf32> -> vector<1000x128xf32>
    %get3A_37 = arith.constant 0 : index
    %get3A_38 = arith.constant 0 : index
    %get3A_39 = vector.load %arg6[%get3A_37, %get3A_38] : memref<1x128xf32, #tpu.memory_space<vmem>>, vector<1x128xf32>
    %add3A_40 = vector.broadcast %get3A_39 : vector<1x128xf32> to vector<1000x128xf32>
    %add3A_41 = arith.addf %dot_general3A_36, %add3A_40 : vector<1000x128xf32>
    %integer_pow3A_42 = arith.mulf %add3A_41, %add3A_41 : vector<1000x128xf32>
    %integer_pow3A_43 = arith.mulf %add3A_41, %integer_pow3A_42 : vector<1000x128xf32>
    %mul3A_44 = arith.constant 4.471500e-02 : f32
    %mul3A_45 = vector.broadcast %mul3A_44 : f32 to vector<1000x128xf32>
    %mul3A_46 = arith.mulf %mul3A_45, %integer_pow3A_43 : vector<1000x128xf32>
    %add3A_47 = arith.addf %add3A_41, %mul3A_46 : vector<1000x128xf32>
    %mul3A_48 = arith.constant 0.797884583 : f32
    %mul3A_49 = vector.broadcast %mul3A_48 : f32 to vector<1000x128xf32>
    %mul3A_50 = arith.mulf %mul3A_49, %add3A_47 : vector<1000x128xf32>
    %tanh3A_51 = math.tanh %mul3A_50 : vector<1000x128xf32>
    %add3A_52 = arith.constant 1.000000e+00 : f32
    %add3A_53 = vector.broadcast %add3A_52 : f32 to vector<1000x128xf32>
    %add3A_54 = arith.addf %add3A_53, %tanh3A_51 : vector<1000x128xf32>
    %mul3A_55 = arith.constant 5.000000e-01 : f32
    %mul3A_56 = vector.broadcast %mul3A_55 : f32 to vector<1000x128xf32>
    %mul3A_57 = arith.mulf %mul3A_56, %add3A_54 : vector<1000x128xf32>
    %mul3A_58 = arith.mulf %add3A_41, %mul3A_57 : vector<1000x128xf32>
    %swap3A = arith.constant 0 : index
    %swap3A_59 = arith.constant 0 : index
    %swap3A_60 = vector.load %arg7[%swap3A, %swap3A_59] : memref<1000x128xf32, #tpu.memory_space<vmem>>, vector<1000x128xf32>
    tpu.vector_store %arg7[%swap3A, %swap3A_59], %mul3A_58 {strides = array<i32>} : memref<1000x128xf32, #tpu.memory_space<vmem>>, vector<1000x128xf32>,
    return
  }
  func.func @transform_0(%arg0: i32) -> (i32, i32) {
    %c0_i32 = arith.constant 0 : i32
    %c0_i32_0 = arith.constant 0 : i32
    return %arg0, %c0_i32 : i32, i32
  }
  func.func @transform_1(%arg0: i32) -> (i32, i32) {
    %c0_i32 = arith.constant 0 : i32
    %c0_i32_0 = arith.constant 0 : i32
    return %arg0, %c0_i32 : i32, i32
  }
  func.func @transform_2(%arg0: i32) -> (i32, i32) {
    %c0_i32 = arith.constant 0 : i32
    %c0_i32_0 = arith.constant 0 : i32
    %c0_i32_1 = arith.constant 0 : i32
    return %c0_i32, %c0_i32_0 : i32, i32
  }
  func.func @transform_3(%arg0: i32) -> (i32, i32) {
    %c0_i32 = arith.constant 0 : i32
    %c0_i32_0 = arith.constant 0 : i32
    %c0_i32_1 = arith.constant 0 : i32
    return %c0_i32, %c0_i32_0 : i32, i32
  }
  func.func @transform_4(%arg0: i32) -> (i32, i32) {
    %c0_i32 = arith.constant 0 : i32
    %c0_i32_0 = arith.constant 0 : i32
    %c0_i32_1 = arith.constant 0 : i32
    return %c0_i32, %c0_i32_0 : i32, i32
  }
  func.func @transform_5(%arg0: i32) -> (i32, i32) {
    %c0_i32 = arith.constant 0 : i32
    %c0_i32_0 = arith.constant 0 : i32
    %c0_i32_1 = arith.constant 0 : i32
    return %c0_i32, %c0_i32_0 : i32, i32
  }
  func.func @transform_6(%arg0: i32) -> (i32, i32) {
    %c0_i32 = arith.constant 0 : i32
    %c0_i32_0 = arith.constant 0 : i32
    return %arg0, %c0_i32 : i32, i32
  }
}

module attributes {stable_mosaic.version = 14 : i64} {
  func.func @_mlp_body(%arg0: i32, %arg1: memref<2000x128xf32, #tpu.memory_space<vmem>>, %arg2: memref<2x2000x128xf32, #tpu.memory_space<vmem>>, %arg3: memref<128x128xf32, #tpu.memory_space<vmem>>, %arg4: memref<1x128xf32, #tpu.memory_space<vmem>>, %arg5: memref<128x128xf32, #tpu.memory_space<vmem>>, %arg6: memref<1x128xf32, #tpu.memory_space<vmem>>, %arg7: memref<2000x128xf32, #tpu.memory_space<vmem>>) attributes {dimension_semantics = [#tpu.dimension_semantics<arbitrary>], iteration_bounds = array<i64: 5>, scalar_prefetch = 0 : i64, scratch_operands = 0 : i64, tpu.core_type = #tpu.core_type<tc>, window_params = [{transform_indices = @transform_0, window_bounds = array<i64: 2000, 128>}, {transform_indices = @transform_1, window_bounds = array<i64: 2, 2000, 128>}, {pipeline_mode = #tpu.pipeline_mode<synchronous>, transform_indices = @transform_2, window_bounds = array<i64: 128, 128>}, {pipeline_mode = #tpu.pipeline_mode<synchronous>, transform_indices = @transform_3, window_bounds = array<i64: 1, 128>}, {pipeline_mode = #tpu.pipeline_mode<synchronous>, transform_indices = @transform_4, window_bounds = array<i64: 128, 128>}, {pipeline_mode = #tpu.pipeline_mode<synchronous>, transform_indices = @transform_5, window_bounds = array<i64: 1, 128>}, {transform_indices = @transform_6, window_bounds = array<i64: 2000, 128>}]} {
    %get3A = arith.constant 0 : index
    %get3A_0 = arith.constant 0 : index
    %get3A_1 = arith.constant 0 : index
    %get3A_2 = vector.load %arg2[%get3A, %get3A_0, %get3A_1] : memref<2x2000x128xf32, #tpu.memory_space<vmem>>, vector<1x2000x128xf32>
    %get3A_3 = vector.shape_cast %get3A_2 : vector<1x2000x128xf32> to vector<2000x128xf32>
    %get3A_4 = arith.constant 1 : index
    %get3A_5 = arith.constant 0 : index
    %get3A_6 = arith.constant 0 : index
    %get3A_7 = vector.load %arg2[%get3A_4, %get3A_5, %get3A_6] : memref<2x2000x128xf32, #tpu.memory_space<vmem>>, vector<1x2000x128xf32>
    %get3A_8 = vector.shape_cast %get3A_7 : vector<1x2000x128xf32> to vector<2000x128xf32>
    %add3A = arith.addf %get3A_3, %get3A_8 : vector<2000x128xf32>
    %get3A_9 = arith.constant 0 : index
    %get3A_10 = arith.constant 0 : index
    %get3A_11 = vector.load %arg1[%get3A_9, %get3A_10] : memref<2000x128xf32, #tpu.memory_space<vmem>>, vector<2000x128xf32>
    %sub3A = arith.subf %add3A, %get3A_11 : vector<2000x128xf32>
    %get3A_12 = arith.constant 0 : index
    %get3A_13 = arith.constant 0 : index
    %get3A_14 = vector.load %arg3[%get3A_12, %get3A_13] : memref<128x128xf32, #tpu.memory_space<vmem>>, vector<128x128xf32>
    %dot_general3A = arith.constant dense<0.000000e+00> : vector<2000x128xf32>
    %dot_general3A_15 = tpu.matmul %sub3A, %get3A_14, %dot_general3A {dimension_numbers = #tpu.dot_dimension_numbers<[1], [0], [0], [1], [0, 0, 1, 1], [], []>, transpose_lhs_hint = false} : vector<2000x128xf32>, vector<128x128xf32>, vector<2000x128xf32> -> vector<2000x128xf32>
    %get3A_16 = arith.constant 0 : index
    %get3A_17 = arith.constant 0 : index
    %get3A_18 = vector.load %arg4[%get3A_16, %get3A_17] : memref<1x128xf32, #tpu.memory_space<vmem>>, vector<1x128xf32>
    %add3A_19 = vector.broadcast %get3A_18 : vector<1x128xf32> to vector<2000x128xf32>
    %add3A_20 = arith.addf %dot_general3A_15, %add3A_19 : vector<2000x128xf32>
    %integer_pow3A = arith.mulf %add3A_20, %add3A_20 : vector<2000x128xf32>
    %integer_pow3A_21 = arith.mulf %add3A_20, %integer_pow3A : vector<2000x128xf32>
    %mul3A = arith.constant 4.471500e-02 : f32
    %mul3A_22 = vector.broadcast %mul3A : f32 to vector<2000x128xf32>
    %mul3A_23 = arith.mulf %mul3A_22, %integer_pow3A_21 : vector<2000x128xf32>
    %add3A_24 = arith.addf %add3A_20, %mul3A_23 : vector<2000x128xf32>
    %mul3A_25 = arith.constant 0.797884583 : f32
    %mul3A_26 = vector.broadcast %mul3A_25 : f32 to vector<2000x128xf32>
    %mul3A_27 = arith.mulf %mul3A_26, %add3A_24 : vector<2000x128xf32>
    %tanh3A = math.tanh %mul3A_27 : vector<2000x128xf32>
    %add3A_28 = arith.constant 1.000000e+00 : f32
    %add3A_29 = vector.broadcast %add3A_28 : f32 to vector<2000x128xf32>
    %add3A_30 = arith.addf %add3A_29, %tanh3A : vector<2000x128xf32>
    %mul3A_31 = arith.constant 5.000000e-01 : f32
    %mul3A_32 = vector.broadcast %mul3A_31 : f32 to vector<2000x128xf32>
    %mul3A_33 = arith.mulf %mul3A_32, %add3A_30 : vector<2000x128xf32>
    %mul3A_34 = arith.mulf %add3A_20, %mul3A_33 : vector<2000x128xf32>
    %get3A_35 = arith.constant 0 : index
    %get3A_36 = arith.constant 0 : index
    %get3A_37 = vector.load %arg5[%get3A_35, %get3A_36] : memref<128x128xf32, #tpu.memory_space<vmem>>, vector<128x128xf32>
    %dot_general3A_38 = arith.constant dense<0.000000e+00> : vector<2000x128xf32>
    %dot_general3A_39 = tpu.matmul %mul3A_34, %get3A_37, %dot_general3A_38 {dimension_numbers = #tpu.dot_dimension_numbers<[1], [0], [0], [1], [0, 0, 1, 1], [], []>, transpose_lhs_hint = false} : vector<2000x128xf32>, vector<128x128xf32>, vector<2000x128xf32> -> vector<2000x128xf32>
    %get3A_40 = arith.constant 0 : index
    %get3A_41 = arith.constant 0 : index
    %get3A_42 = vector.load %arg6[%get3A_40, %get3A_41] : memref<1x128xf32, #tpu.memory_space<vmem>>, vector<1x128xf32>
    %add3A_43 = vector.broadcast %get3A_42 : vector<1x128xf32> to vector<2000x128xf32>
    %add3A_44 = arith.addf %dot_general3A_39, %add3A_43 : vector<2000x128xf32>
    %integer_pow3A_45 = arith.mulf %add3A_44, %add3A_44 : vector<2000x128xf32>
    %integer_pow3A_46 = arith.mulf %add3A_44, %integer_pow3A_45 : vector<2000x128xf32>
    %mul3A_47 = arith.constant 4.471500e-02 : f32
    %mul3A_48 = vector.broadcast %mul3A_47 : f32 to vector<2000x128xf32>
    %mul3A_49 = arith.mulf %mul3A_48, %integer_pow3A_46 : vector<2000x128xf32>
    %add3A_50 = arith.addf %add3A_44, %mul3A_49 : vector<2000x128xf32>
    %mul3A_51 = arith.constant 0.797884583 : f32
    %mul3A_52 = vector.broadcast %mul3A_51 : f32 to vector<2000x128xf32>
    %mul3A_53 = arith.mulf %mul3A_52, %add3A_50 : vector<2000x128xf32>
    %tanh3A_54 = math.tanh %mul3A_53 : vector<2000x128xf32>
    %add3A_55 = arith.constant 1.000000e+00 : f32
    %add3A_56 = vector.broadcast %add3A_55 : f32 to vector<2000x128xf32>
    %add3A_57 = arith.addf %add3A_56, %tanh3A_54 : vector<2000x128xf32>
    %mul3A_58 = arith.constant 5.000000e-01 : f32
    %mul3A_59 = vector.broadcast %mul3A_58 : f32 to vector<2000x128xf32>
    %mul3A_60 = arith.mulf %mul3A_59, %add3A_57 : vector<2000x128xf32>
    %mul3A_61 = arith.mulf %add3A_44, %mul3A_60 : vector<2000x128xf32>
    %swap3A = arith.constant 0 : index
    %swap3A_62 = arith.constant 0 : index
    %swap3A_63 = vector.load %arg7[%swap3A, %swap3A_62] : memref<2000x128xf32, #tpu.memory_space<vmem>>, vector<2000x128xf32>
    tpu.vector_store %arg7[%swap3A, %swap3A_62], %mul3A_61 {strides = array<i32>} : memref<2000x128xf32, #tpu.memory_space<vmem>>, vector<2000x128xf32>,
    return
  }
  func.func @transform_0(%arg0: i32) -> (i32, i32) {
    %c0_i32 = arith.constant 0 : i32
    %c0_i32_0 = arith.constant 0 : i32
    return %arg0, %c0_i32 : i32, i32
  }
  func.func @transform_1(%arg0: i32) -> (i32, i32, i32) {
    %c0_i32 = arith.constant 0 : i32
    %c0_i32_0 = arith.constant 0 : i32
    %c0_i32_1 = arith.constant 0 : i32
    return %c0_i32, %arg0, %c0_i32_0 : i32, i32, i32
  }
  func.func @transform_2(%arg0: i32) -> (i32, i32) {
    %c0_i32 = arith.constant 0 : i32
    %c0_i32_0 = arith.constant 0 : i32
    %c0_i32_1 = arith.constant 0 : i32
    return %c0_i32, %c0_i32_0 : i32, i32
  }
  func.func @transform_3(%arg0: i32) -> (i32, i32) {
    %c0_i32 = arith.constant 0 : i32
    %c0_i32_0 = arith.constant 0 : i32
    %c0_i32_1 = arith.constant 0 : i32
    return %c0_i32, %c0_i32_0 : i32, i32
  }
  func.func @transform_4(%arg0: i32) -> (i32, i32) {
    %c0_i32 = arith.constant 0 : i32
    %c0_i32_0 = arith.constant 0 : i32
    %c0_i32_1 = arith.constant 0 : i32
    return %c0_i32, %c0_i32_0 : i32, i32
  }
  func.func @transform_5(%arg0: i32) -> (i32, i32) {
    %c0_i32 = arith.constant 0 : i32
    %c0_i32_0 = arith.constant 0 : i32
    %c0_i32_1 = arith.constant 0 : i32
    return %c0_i32, %c0_i32_0 : i32, i32
  }
  func.func @transform_6(%arg0: i32) -> (i32, i32) {
    %c0_i32 = arith.constant 0 : i32
    %c0_i32_0 = arith.constant 0 : i32
    return %arg0, %c0_i32 : i32, i32
  }
}

module attributes {stable_mosaic.version = 14 : i64} {
  func.func @_fcpool_body(%arg0: i32, %arg1: memref<2000x128xf32, #tpu.memory_space<vmem>>, %arg2: memref<2x2000x128xf32, #tpu.memory_space<vmem>>, %arg3: memref<128x128xf32, #tpu.memory_space<vmem>>, %arg4: memref<1x128xf32, #tpu.memory_space<vmem>>, %arg5: memref<128x128xf32, #tpu.memory_space<vmem>>, %arg6: memref<1x128xf32, #tpu.memory_space<vmem>>, %arg7: memref<2000x1xi32, #tpu.memory_space<vmem>>, %arg8: memref<128x128xf32, #tpu.memory_space<vmem>>, %arg9: memref<1x128xf32, #tpu.memory_space<vmem>>, %arg10: memref<128x1xf32, #tpu.memory_space<vmem>>, %arg11: memref<1x1xf32, #tpu.memory_space<vmem>>, %arg12: memref<256x128xf32, #tpu.memory_space<vmem>>, %arg13: memref<256x1xf32, #tpu.memory_space<vmem>>) attributes {dimension_semantics = [#tpu.dimension_semantics<arbitrary>], iteration_bounds = array<i64: 5>, scalar_prefetch = 0 : i64, scratch_operands = 0 : i64, tpu.core_type = #tpu.core_type<tc>, window_params = [{transform_indices = @transform_0, window_bounds = array<i64: 2000, 128>}, {transform_indices = @transform_1, window_bounds = array<i64: 2, 2000, 128>}, {pipeline_mode = #tpu.pipeline_mode<synchronous>, transform_indices = @transform_2, window_bounds = array<i64: 128, 128>}, {pipeline_mode = #tpu.pipeline_mode<synchronous>, transform_indices = @transform_3, window_bounds = array<i64: 1, 128>}, {pipeline_mode = #tpu.pipeline_mode<synchronous>, transform_indices = @transform_4, window_bounds = array<i64: 128, 128>}, {pipeline_mode = #tpu.pipeline_mode<synchronous>, transform_indices = @transform_5, window_bounds = array<i64: 1, 128>}, {transform_indices = @transform_6, window_bounds = array<i64: 2000, 1>}, {pipeline_mode = #tpu.pipeline_mode<synchronous>, transform_indices = @transform_7, window_bounds = array<i64: 128, 128>}, {pipeline_mode = #tpu.pipeline_mode<synchronous>, transform_indices = @transform_8, window_bounds = array<i64: 1, 128>}, {pipeline_mode = #tpu.pipeline_mode<synchronous>, transform_indices = @transform_9, window_bounds = array<i64: 128, 1>}, {pipeline_mode = #tpu.pipeline_mode<synchronous>, transform_indices = @transform_10, window_bounds = array<i64: 1, 1>}, {pipeline_mode = #tpu.pipeline_mode<synchronous>, transform_indices = @transform_11, window_bounds = array<i64: 256, 128>}, {pipeline_mode = #tpu.pipeline_mode<synchronous>, transform_indices = @transform_12, window_bounds = array<i64: 256, 1>}]} {
    %get3A = arith.constant 0 : index
    %get3A_0 = arith.constant 0 : index
    %get3A_1 = arith.constant 0 : index
    %get3A_2 = vector.load %arg2[%get3A, %get3A_0, %get3A_1] : memref<2x2000x128xf32, #tpu.memory_space<vmem>>, vector<1x2000x128xf32>
    %get3A_3 = vector.shape_cast %get3A_2 : vector<1x2000x128xf32> to vector<2000x128xf32>
    %get3A_4 = arith.constant 1 : index
    %get3A_5 = arith.constant 0 : index
    %get3A_6 = arith.constant 0 : index
    %get3A_7 = vector.load %arg2[%get3A_4, %get3A_5, %get3A_6] : memref<2x2000x128xf32, #tpu.memory_space<vmem>>, vector<1x2000x128xf32>
    %get3A_8 = vector.shape_cast %get3A_7 : vector<1x2000x128xf32> to vector<2000x128xf32>
    %add3A = arith.addf %get3A_3, %get3A_8 : vector<2000x128xf32>
    %get3A_9 = arith.constant 0 : index
    %get3A_10 = arith.constant 0 : index
    %get3A_11 = vector.load %arg1[%get3A_9, %get3A_10] : memref<2000x128xf32, #tpu.memory_space<vmem>>, vector<2000x128xf32>
    %sub3A = arith.subf %add3A, %get3A_11 : vector<2000x128xf32>
    %get3A_12 = arith.constant 0 : index
    %get3A_13 = arith.constant 0 : index
    %get3A_14 = vector.load %arg3[%get3A_12, %get3A_13] : memref<128x128xf32, #tpu.memory_space<vmem>>, vector<128x128xf32>
    %dot_general3A = arith.constant dense<0.000000e+00> : vector<2000x128xf32>
    %dot_general3A_15 = tpu.matmul %sub3A, %get3A_14, %dot_general3A {dimension_numbers = #tpu.dot_dimension_numbers<[1], [0], [0], [1], [0, 0, 1, 1], [], []>, transpose_lhs_hint = false} : vector<2000x128xf32>, vector<128x128xf32>, vector<2000x128xf32> -> vector<2000x128xf32>
    %get3A_16 = arith.constant 0 : index
    %get3A_17 = arith.constant 0 : index
    %get3A_18 = vector.load %arg4[%get3A_16, %get3A_17] : memref<1x128xf32, #tpu.memory_space<vmem>>, vector<1x128xf32>
    %add3A_19 = vector.broadcast %get3A_18 : vector<1x128xf32> to vector<2000x128xf32>
    %add3A_20 = arith.addf %dot_general3A_15, %add3A_19 : vector<2000x128xf32>
    %integer_pow3A = arith.mulf %add3A_20, %add3A_20 : vector<2000x128xf32>
    %integer_pow3A_21 = arith.mulf %add3A_20, %integer_pow3A : vector<2000x128xf32>
    %mul3A = arith.constant 4.471500e-02 : f32
    %mul3A_22 = vector.broadcast %mul3A : f32 to vector<2000x128xf32>
    %mul3A_23 = arith.mulf %mul3A_22, %integer_pow3A_21 : vector<2000x128xf32>
    %add3A_24 = arith.addf %add3A_20, %mul3A_23 : vector<2000x128xf32>
    %mul3A_25 = arith.constant 0.797884583 : f32
    %mul3A_26 = vector.broadcast %mul3A_25 : f32 to vector<2000x128xf32>
    %mul3A_27 = arith.mulf %mul3A_26, %add3A_24 : vector<2000x128xf32>
    %tanh3A = math.tanh %mul3A_27 : vector<2000x128xf32>
    %add3A_28 = arith.constant 1.000000e+00 : f32
    %add3A_29 = vector.broadcast %add3A_28 : f32 to vector<2000x128xf32>
    %add3A_30 = arith.addf %add3A_29, %tanh3A : vector<2000x128xf32>
    %mul3A_31 = arith.constant 5.000000e-01 : f32
    %mul3A_32 = vector.broadcast %mul3A_31 : f32 to vector<2000x128xf32>
    %mul3A_33 = arith.mulf %mul3A_32, %add3A_30 : vector<2000x128xf32>
    %mul3A_34 = arith.mulf %add3A_20, %mul3A_33 : vector<2000x128xf32>
    %get3A_35 = arith.constant 0 : index
    %get3A_36 = arith.constant 0 : index
    %get3A_37 = vector.load %arg5[%get3A_35, %get3A_36] : memref<128x128xf32, #tpu.memory_space<vmem>>, vector<128x128xf32>
    %dot_general3A_38 = arith.constant dense<0.000000e+00> : vector<2000x128xf32>
    %dot_general3A_39 = tpu.matmul %mul3A_34, %get3A_37, %dot_general3A_38 {dimension_numbers = #tpu.dot_dimension_numbers<[1], [0], [0], [1], [0, 0, 1, 1], [], []>, transpose_lhs_hint = false} : vector<2000x128xf32>, vector<128x128xf32>, vector<2000x128xf32> -> vector<2000x128xf32>
    %get3A_40 = arith.constant 0 : index
    %get3A_41 = arith.constant 0 : index
    %get3A_42 = vector.load %arg6[%get3A_40, %get3A_41] : memref<1x128xf32, #tpu.memory_space<vmem>>, vector<1x128xf32>
    %add3A_43 = vector.broadcast %get3A_42 : vector<1x128xf32> to vector<2000x128xf32>
    %add3A_44 = arith.addf %dot_general3A_39, %add3A_43 : vector<2000x128xf32>
    %integer_pow3A_45 = arith.mulf %add3A_44, %add3A_44 : vector<2000x128xf32>
    %integer_pow3A_46 = arith.mulf %add3A_44, %integer_pow3A_45 : vector<2000x128xf32>
    %mul3A_47 = arith.constant 4.471500e-02 : f32
    %mul3A_48 = vector.broadcast %mul3A_47 : f32 to vector<2000x128xf32>
    %mul3A_49 = arith.mulf %mul3A_48, %integer_pow3A_46 : vector<2000x128xf32>
    %add3A_50 = arith.addf %add3A_44, %mul3A_49 : vector<2000x128xf32>
    %mul3A_51 = arith.constant 0.797884583 : f32
    %mul3A_52 = vector.broadcast %mul3A_51 : f32 to vector<2000x128xf32>
    %mul3A_53 = arith.mulf %mul3A_52, %add3A_50 : vector<2000x128xf32>
    %tanh3A_54 = math.tanh %mul3A_53 : vector<2000x128xf32>
    %add3A_55 = arith.constant 1.000000e+00 : f32
    %add3A_56 = vector.broadcast %add3A_55 : f32 to vector<2000x128xf32>
    %add3A_57 = arith.addf %add3A_56, %tanh3A_54 : vector<2000x128xf32>
    %mul3A_58 = arith.constant 5.000000e-01 : f32
    %mul3A_59 = vector.broadcast %mul3A_58 : f32 to vector<2000x128xf32>
    %mul3A_60 = arith.mulf %mul3A_59, %add3A_57 : vector<2000x128xf32>
    %mul3A_61 = arith.mulf %add3A_44, %mul3A_60 : vector<2000x128xf32>
    %get3A_62 = arith.constant 0 : index
    %get3A_63 = arith.constant 0 : index
    %get3A_64 = vector.load %arg8[%get3A_62, %get3A_63] : memref<128x128xf32, #tpu.memory_space<vmem>>, vector<128x128xf32>
    %dot_general3A_65 = arith.constant dense<0.000000e+00> : vector<2000x128xf32>
    %dot_general3A_66 = tpu.matmul %mul3A_61, %get3A_64, %dot_general3A_65 {dimension_numbers = #tpu.dot_dimension_numbers<[1], [0], [0], [1], [0, 0, 1, 1], [], []>, transpose_lhs_hint = false} : vector<2000x128xf32>, vector<128x128xf32>, vector<2000x128xf32> -> vector<2000x128xf32>
    %get3A_67 = arith.constant 0 : index
    %get3A_68 = arith.constant 0 : index
    %get3A_69 = vector.load %arg9[%get3A_67, %get3A_68] : memref<1x128xf32, #tpu.memory_space<vmem>>, vector<1x128xf32>
    %add3A_70 = vector.broadcast %get3A_69 : vector<1x128xf32> to vector<2000x128xf32>
    %add3A_71 = arith.addf %dot_general3A_66, %add3A_70 : vector<2000x128xf32>
    %integer_pow3A_72 = arith.mulf %add3A_71, %add3A_71 : vector<2000x128xf32>
    %integer_pow3A_73 = arith.mulf %add3A_71, %integer_pow3A_72 : vector<2000x128xf32>
    %mul3A_74 = arith.constant 4.471500e-02 : f32
    %mul3A_75 = vector.broadcast %mul3A_74 : f32 to vector<2000x128xf32>
    %mul3A_76 = arith.mulf %mul3A_75, %integer_pow3A_73 : vector<2000x128xf32>
    %add3A_77 = arith.addf %add3A_71, %mul3A_76 : vector<2000x128xf32>
    %mul3A_78 = arith.constant 0.797884583 : f32
    %mul3A_79 = vector.broadcast %mul3A_78 : f32 to vector<2000x128xf32>
    %mul3A_80 = arith.mulf %mul3A_79, %add3A_77 : vector<2000x128xf32>
    %tanh3A_81 = math.tanh %mul3A_80 : vector<2000x128xf32>
    %add3A_82 = arith.constant 1.000000e+00 : f32
    %add3A_83 = vector.broadcast %add3A_82 : f32 to vector<2000x128xf32>
    %add3A_84 = arith.addf %add3A_83, %tanh3A_81 : vector<2000x128xf32>
    %mul3A_85 = arith.constant 5.000000e-01 : f32
    %mul3A_86 = vector.broadcast %mul3A_85 : f32 to vector<2000x128xf32>
    %mul3A_87 = arith.mulf %mul3A_86, %add3A_84 : vector<2000x128xf32>
    %mul3A_88 = arith.mulf %add3A_71, %mul3A_87 : vector<2000x128xf32>
    %get3A_89 = arith.constant 0 : index
    %get3A_90 = arith.constant 0 : index
    %get3A_91 = vector.load %arg7[%get3A_89, %get3A_90] : memref<2000x1xi32, #tpu.memory_space<vmem>>, vector<2000x1xi32>
    %iota3A = tpu.iota {dimensions = array<i32: 1>} : vector<1x256xi32>
    %eq3A = vector.broadcast %get3A_91 : vector<2000x1xi32> to vector<2000x256xi32>
    %eq3A_92 = vector.broadcast %iota3A : vector<1x256xi32> to vector<2000x256xi32>
    %eq3A_93 = arith.cmpi eq, %eq3A, %eq3A_92 : vector<2000x256xi32>
    %convert_element_type3A = arith.extui %eq3A_93 : vector<2000x256xi1> to vector<2000x256xi32>
    %convert_element_type3A_94 = arith.sitofp %convert_element_type3A : vector<2000x256xi32> to vector<2000x256xf32>
    %dot_general3A_95 = arith.constant dense<0.000000e+00> : vector<256x128xf32>
    %dot_general3A_96 = tpu.matmul %convert_element_type3A_94, %mul3A_88, %dot_general3A_95 {dimension_numbers = #tpu.dot_dimension_numbers<[0], [0], [1], [1], [0, 1, 1, 1], [], []>, transpose_lhs_hint = false} : vector<2000x256xf32>, vector<2000x128xf32>, vector<256x128xf32> -> vector<256x128xf32>
    %eq3A_97 = arith.constant 0 : i32
    %eq3A_98 = arith.cmpi eq, %arg0, %eq3A_97 : i32
    %convert_element_type3A_99 = arith.extui %eq3A_98 : i1 to i32
    %cond3A = arith.constant 0 : i32
    %cond3A_100 = arith.cmpi ne, %convert_element_type3A_99, %cond3A : i32
    scf.if %cond3A_100 {
      %swap3A = arith.constant 0 : index
      %swap3A_110 = arith.constant 0 : index
      %swap3A_111 = vector.load %arg12[%swap3A, %swap3A_110] : memref<256x128xf32, #tpu.memory_space<vmem>>, vector<256x128xf32>
      tpu.vector_store %arg12[%swap3A, %swap3A_110], %dot_general3A_96 {strides = array<i32>} : memref<256x128xf32, #tpu.memory_space<vmem>>, vector<256x128xf32>,
    } else {
    }
    %gt3A = arith.constant 0 : i32
    %gt3A_101 = arith.cmpi sgt, %arg0, %gt3A : i32
    %convert_element_type3A_102 = arith.extui %gt3A_101 : i1 to i32
    %cond3A_103 = arith.constant 0 : i32
    %cond3A_104 = arith.cmpi ne, %convert_element_type3A_102, %cond3A_103 : i32
    scf.if %cond3A_104 {
      %get3A_110 = arith.constant 0 : index
      %get3A_111 = arith.constant 0 : index
      %get3A_112 = vector.load %arg12[%get3A_110, %get3A_111] : memref<256x128xf32, #tpu.memory_space<vmem>>, vector<256x128xf32>
      %add3A_113 = arith.addf %get3A_112, %dot_general3A_96 : vector<256x128xf32>
      %swap3A = arith.constant 0 : index
      %swap3A_114 = arith.constant 0 : index
      %swap3A_115 = vector.load %arg12[%swap3A, %swap3A_114] : memref<256x128xf32, #tpu.memory_space<vmem>>, vector<256x128xf32>
      tpu.vector_store %arg12[%swap3A, %swap3A_114], %add3A_113 {strides = array<i32>} : memref<256x128xf32, #tpu.memory_space<vmem>>, vector<256x128xf32>,
    } else {
    }
    %eq3A_105 = arith.constant 4 : i32
    %eq3A_106 = arith.cmpi eq, %arg0, %eq3A_105 : i32
    %convert_element_type3A_107 = arith.extui %eq3A_106 : i1 to i32
    %cond3A_108 = arith.constant 0 : i32
    %cond3A_109 = arith.cmpi ne, %convert_element_type3A_107, %cond3A_108 : i32
    scf.if %cond3A_109 {
      %get3A_110 = arith.constant 0 : index
      %get3A_111 = arith.constant 0 : index
      %get3A_112 = vector.load %arg12[%get3A_110, %get3A_111] : memref<256x128xf32, #tpu.memory_space<vmem>>, vector<256x128xf32>
      %get3A_113 = arith.constant 0 : index
      %get3A_114 = arith.constant 0 : index
      %get3A_115 = vector.load %arg10[%get3A_113, %get3A_114] : memref<128x1xf32, #tpu.memory_space<vmem>>, vector<128x1xf32>
      %dot_general3A_116 = arith.constant dense<0.000000e+00> : vector<256x1xf32>
      %dot_general3A_117 = tpu.matmul %get3A_112, %get3A_115, %dot_general3A_116 {dimension_numbers = #tpu.dot_dimension_numbers<[1], [0], [0], [1], [0, 0, 1, 1], [], []>, transpose_lhs_hint = false} : vector<256x128xf32>, vector<128x1xf32>, vector<256x1xf32> -> vector<256x1xf32>
      %get3A_118 = arith.constant 0 : index
      %get3A_119 = arith.constant 0 : index
      %get3A_120 = vector.load %arg11[%get3A_118, %get3A_119] : memref<1x1xf32, #tpu.memory_space<vmem>>, vector<1x1xf32>
      %add3A_121 = vector.broadcast %get3A_120 : vector<1x1xf32> to vector<256x1xf32>
      %add3A_122 = arith.addf %dot_general3A_117, %add3A_121 : vector<256x1xf32>
      %swap3A = arith.constant 0 : index
      %swap3A_123 = arith.constant 0 : index
      %swap3A_124 = vector.load %arg13[%swap3A, %swap3A_123] : memref<256x1xf32, #tpu.memory_space<vmem>>, vector<256x1xf32>
      tpu.vector_store %arg13[%swap3A, %swap3A_123], %add3A_122 {strides = array<i32>} : memref<256x1xf32, #tpu.memory_space<vmem>>, vector<256x1xf32>,
    } else {
    }
    return
  }
  func.func @transform_0(%arg0: i32) -> (i32, i32) {
    %c0_i32 = arith.constant 0 : i32
    %c0_i32_0 = arith.constant 0 : i32
    return %arg0, %c0_i32 : i32, i32
  }
  func.func @transform_1(%arg0: i32) -> (i32, i32, i32) {
    %c0_i32 = arith.constant 0 : i32
    %c0_i32_0 = arith.constant 0 : i32
    %c0_i32_1 = arith.constant 0 : i32
    return %c0_i32, %arg0, %c0_i32_0 : i32, i32, i32
  }
  func.func @transform_2(%arg0: i32) -> (i32, i32) {
    %c0_i32 = arith.constant 0 : i32
    %c0_i32_0 = arith.constant 0 : i32
    %c0_i32_1 = arith.constant 0 : i32
    return %c0_i32, %c0_i32_0 : i32, i32
  }
  func.func @transform_3(%arg0: i32) -> (i32, i32) {
    %c0_i32 = arith.constant 0 : i32
    %c0_i32_0 = arith.constant 0 : i32
    %c0_i32_1 = arith.constant 0 : i32
    return %c0_i32, %c0_i32_0 : i32, i32
  }
  func.func @transform_4(%arg0: i32) -> (i32, i32) {
    %c0_i32 = arith.constant 0 : i32
    %c0_i32_0 = arith.constant 0 : i32
    %c0_i32_1 = arith.constant 0 : i32
    return %c0_i32, %c0_i32_0 : i32, i32
  }
  func.func @transform_5(%arg0: i32) -> (i32, i32) {
    %c0_i32 = arith.constant 0 : i32
    %c0_i32_0 = arith.constant 0 : i32
    %c0_i32_1 = arith.constant 0 : i32
    return %c0_i32, %c0_i32_0 : i32, i32
  }
  func.func @transform_6(%arg0: i32) -> (i32, i32) {
    %c0_i32 = arith.constant 0 : i32
    %c0_i32_0 = arith.constant 0 : i32
    return %arg0, %c0_i32 : i32, i32
  }
  func.func @transform_7(%arg0: i32) -> (i32, i32) {
    %c0_i32 = arith.constant 0 : i32
    %c0_i32_0 = arith.constant 0 : i32
    %c0_i32_1 = arith.constant 0 : i32
    return %c0_i32, %c0_i32_0 : i32, i32
  }
  func.func @transform_8(%arg0: i32) -> (i32, i32) {
    %c0_i32 = arith.constant 0 : i32
    %c0_i32_0 = arith.constant 0 : i32
    %c0_i32_1 = arith.constant 0 : i32
    return %c0_i32, %c0_i32_0 : i32, i32
  }
  func.func @transform_9(%arg0: i32) -> (i32, i32) {
    %c0_i32 = arith.constant 0 : i32
    %c0_i32_0 = arith.constant 0 : i32
    %c0_i32_1 = arith.constant 0 : i32
    return %c0_i32, %c0_i32_0 : i32, i32
  }
  func.func @transform_10(%arg0: i32) -> (i32, i32) {
    %c0_i32 = arith.constant 0 : i32
    %c0_i32_0 = arith.constant 0 : i32
    %c0_i32_1 = arith.constant 0 : i32
    return %c0_i32, %c0_i32_0 : i32, i32
  }
  func.func @transform_11(%arg0: i32) -> (i32, i32) {
    %c0_i32 = arith.constant 0 : i32
    %c0_i32_0 = arith.constant 0 : i32
    %c0_i32_1 = arith.constant 0 : i32
    return %c0_i32, %c0_i32_0 : i32, i32
  }
  func.func @transform_12(%arg0: i32) -> (i32, i32) {
    %c0_i32 = arith.constant 0 : i32
    %c0_i32_0 = arith.constant 0 : i32
    %c0_i32_1 = arith.constant 0 : i32
    return %c0_i32, %c0_i32_0 : i32, i32
  }
}

</mosaic_0001>

<sc_bundles>
// kernel: kernel.11.cloned.1.call-start
scs
__scs_entry_jumppad:
0x0: {  	(pc) =	sbr.rel $0x88, $3  }
0x1: {  	(tag) =	ssettag $0x0;
	lr =	simm.s32 $0x1  }
0x2: {  	[smem:$0x3F8F] =	sst lr;
	_ =	strace $0xD0000000  }
0x3: {  	_ = 	snop  }
0x4: {  	_ = 	snop  }
0x5: {  	_ = 	snop  }
0x6: {  	_ = 	snop  }
0x7: {  	_ = 	snop  }
__scs_overlays_trampoline_lowered:
0x8: {  	[smem:$0x3F9E] =	sst s0  }
0x9: {  	[smem:$0x3F9F] =	sst s1  }
0xa: {  	[smem:$0x3FA0] =	sst s2  }
0xb: {  	[smem:$0x3FA1] =	sst s3  }
0xc: {  	[smem:$0x3FA2] =	sst s4  }
0xd: {  	[smem:$0x3FA3] =	sst s5  }
0xe: {  	[smem:$0x3FA4] =	sst s6  }
0xf: {  	[smem:$0x3FA5] =	sst s7  }
0x10: {  	[smem:$0x3FA6] =	sst s8  }
0x11: {  	[smem:$0x3FA7] =	sst s9;
	s0 =	simm.s32 @!p0 $0x0  }
0x12: {  	s1 =	sld [smem:$0x3F8D];
	s0 =	simm.s32 @p0 $0x1  }
0x13: {  	[smem:$0x3FA8] =	sst s0;
	s0 =	simm.s32 @!p1 $0x0  }
0x14: {  	s2 =	sld [smem:$0x3F8C];
	s0 =	simm.s32 @p1 $0x1  }
0x15: {  	[smem:$0x3FA9] =	sst s0;
	s0 =	simm.s32 @!p2 $0x0  }
0x16: {  	s3 =	sld [smem:$0x3FDB];
	s0 =	simm.s32 @p2 $0x1  }
0x17: {  	s4 =	simm.s32 $0x1BF5;
	[smem:$0x3FAB] =	sst s0  }
0x18: {  	s0 =	sld [smem:$0x3F8E];
	_ =	swait.ge [sflag:s4], $0x0  }
0x19: {  	s7 =	sld [smem:$0x3F8F]  }
0x1a: {  	s8 =	sadd.s32 $0xFFFFE003, lr  }
0x1b: {  	s9 =	sadd.s32 $0xFFFFFEF7, lr;
	s5 =	simm.s32 $0xFFFFFFFF;
	p2 =	slt.u32 s8, $0xFFFFF086  }
0x1c: {  	p1 =	slt.u32 s9, $0xF7A;
	s5 =	simm.s32 @!p2 $0x0  }
0x1d: {  	s5 =	simm.s32 @p1 $0x1;
	p0 =	seq.s32 s7, s2  }
0x1e: {  	s7 =	smul.u32 @!p0 $0xF7A, s2;
	p2 =	seq.s32 @!p0 s5, $0x0  }
0x1f: {  	s9 =	smul.u32 $0xF7A, s1;
	s8 =	simm.s32 @!p0 $0x1BF5;
	p2 =	por !p2, p0  }
0x20: {  	[sflag:s8] =	ssyncset.s32 @!p0 $0xFFFFF086;
	s6 =	sadd.s32 @!p0 s3, s7;
	s7 =	simm.s32 @!p0 $0x108  }
0x21: {  	s3 =	sadd.s32 s3, s9;
	s6 =	sadd.s32 @!p0 $0x88, s6;
	s7 =	simm.s32 @p2 $0x1082  }
0x22: {  	[simem:s7], [sflag:s8] =	dma.local @!p0 [hbm:s6], $0xF7A  }
0x23: {  	s9 =	sor.u32 $0xD0000000, s2;
	s6 =	simm.s32 $0x108;
	_ =	swait.ge @!p0 [sflag:s8], $0x0  }
0x24: {  	s3 =	sadd.s32 $0x88, s3;
	s6 =	simm.s32 @!p1 $0x1082;
	[sflag:s4] =	ssyncset.s32 $0xFFFFF086  }
0x25: {  	[simem:s6], [sflag:s4] =	dma.local [hbm:s3], $0xF7A  }
0x26: {  	[smem:$0x3F8F] =	sst s1;
	(tag) =	ssettag s2;
	_ =	strace s9  }
0x27: {  	s1 =	sld [smem:$0x3F9F]  }
0x28: {  	s2 =	sld [smem:$0x3FA0]  }
0x29: {  	s4 =	sld [smem:$0x3FA2]  }
0x2a: {  	p0 =	seq.s32 s5, $0x0;
	s5 =	sld [smem:$0x3FA3]  }
0x2b: {  	s6 =	sld [smem:$0x3FA4]  }
0x2c: {  	s7 =	sld [smem:$0x3FA5]  }
0x2d: {  	s3 =	simm.s32 $0x108;
	s8 =	sld [smem:$0x3FA6]  }
0x2e: {  	s3 =	simm.s32 @!p0 $0x1082;
	s9 =	sld [smem:$0x3FA7]  }
0x2f: {  	lr =	sadd.s32 s0, s3;
	s0 =	sld [smem:$0x3F9E]  }
0x30: {  	s3 =	sld [smem:$0x3FA1]  }
0x31: {  	[smem:$0x3FAA] =	sst s10  }
0x32: {  	s10 =	sld [smem:$0x3FA8];
	_ =	sdelay $0x3  }
0x33: {  	p0 =	seq.s32 s10, $0x1;
	s10 =	sld [smem:$0x3FAA];
	_ =	sdelay $0x3  }
0x34: {  	[smem:$0x3FAA] =	sst s10  }
0x35: {  	s10 =	sld [smem:$0x3FA9];
	_ =	sdelay $0x3  }
0x36: {  	p1 =	seq.s32 s10, $0x1;
	s10 =	sld [smem:$0x3FAA];
	_ =	sdelay $0x3  }
0x37: {  	[smem:$0x3FAA] =	sst s10  }
0x38: {  	s10 =	sld [smem:$0x3FAB]  }
0x39: {  	_ = 	snop;
	(pc) =	sbr.ind lr, $3  }
0x3a: {  	_ = 	snop  }
0x3b: {  	_ = 	snop  }
0x3c: {  	p2 =	seq.s32 s10, $0x1;
	s10 =	sld [smem:$0x3FAA]  }
0x3d: {  	_ =	shalt  }
0x3e: {  	_ =	shalt  }
0x3f: {  	_ =	shalt  }
0x40: {  	_ =	shalt  }
0x41: {  	_ =	shalt  }
0x42: {  	_ =	shalt  }
0x43: {  	_ =	shalt  }
0x44: {  	_ =	shalt  }
0x45: {  	_ =	shalt  }
0x46: {  	_ =	shalt  }
0x47: {  	_ =	shalt  }
0x48: {  	_ =	shalt  }
0x49: {  	_ =	shalt  }
0x4a: {  	_ =	shalt  }
0x4b: {  	_ =	shalt  }
0x4c: {  	_ =	shalt  }
0x4d: {  	_ =	shalt  }
0x4e: {  	_ =	shalt  }
0x4f: {  	_ =	shalt  }
0x50: {  	_ =	shalt  }
0x51: {  	_ =	shalt  }
0x52: {  	_ =	shalt  }
0x53: {  	_ =	shalt  }
0x54: {  	_ =	shalt  }
0x55: {  	_ =	shalt  }
0x56: {  	_ =	shalt  }
0x57: {  	_ =	shalt  }
0x58: {  	_ =	shalt  }
0x59: {  	_ =	shalt  }
0x5a: {  	_ =	shalt  }
0x5b: {  	_ =	shalt  }
0x5c: {  	_ =	shalt  }
0x5d: {  	_ =	shalt  }
0x5e: {  	_ =	shalt  }
0x5f: {  	_ =	shalt  }
0x60: {  	_ =	shalt  }
0x61: {  	_ =	shalt  }
0x62: {  	_ =	shalt  }
0x63: {  	_ =	shalt  }
0x64: {  	_ =	shalt  }
0x65: {  	_ =	shalt  }
0x66: {  	_ =	shalt  }
0x67: {  	_ =	shalt  }
0x68: {  	_ =	shalt  }
0x69: {  	_ =	shalt  }
0x6a: {  	_ =	shalt  }
0x6b: {  	_ =	shalt  }
0x6c: {  	_ =	shalt  }
0x6d: {  	_ =	shalt  }
0x6e: {  	_ =	shalt  }
0x6f: {  	_ =	shalt  }
0x70: {  	_ =	shalt  }
0x71: {  	_ =	shalt  }
0x72: {  	_ =	shalt  }
0x73: {  	_ =	shalt  }
0x74: {  	_ =	shalt  }
0x75: {  	_ =	shalt  }
0x76: {  	_ =	shalt  }
0x77: {  	_ =	shalt  }
0x78: {  	_ =	shalt  }
0x79: {  	_ =	shalt  }
0x7a: {  	_ =	shalt  }
0x7b: {  	_ =	shalt  }
0x7c: {  	_ =	shalt  }
0x7d: {  	_ =	shalt  }
0x7e: {  	_ =	shalt  }
0x7f: {  	_ =	shalt  }
0x80: {  	_ =	shalt  }
0x81: {  	_ =	shalt  }
0x82: {  	_ =	shalt  }
0x83: {  	_ =	shalt  }
0x84: {  	_ =	shalt  }
0x85: {  	_ =	shalt  }
0x86: {  	_ =	shalt  }
0x87: {  	_ =	shalt  }
.Lfunc_end0:
.L_simem_size_0:
called_computation.1_lowered:
.L_overlay_start_0:
0x88: {  	s2 =	sld [smem:$0x3FD9]  }
0x89: {  	s3 =	sld [smem:$0x3FFE];
	_ =	sdelay $0x1  }
0x8a: {  	s1 =	srdreg.scid  }
0x8b: {  	s0 =	sand.u32 $0x1, s1  }
0x8c: {  	s16 =	sshll.u32 s0, $0xA;
	s2 =	sadd.s32 s3, s2  }
0x8d: {  	s2 =	sadd.s32 s2, s16  }
0x8e: {  	[smem:$0x3FB6] =	sst s2  }
0x8f: {  	_ = 	snop  }
0x90: {  	(tm) =	ssettm $0x1  }
0x91: {  	s17 =	sld [smem:$0x3FFB];
	_ =	sdelay $0x3  }
0x92: {  	_ =	strace s17  }
0x93: {  	s2 =	sld [smem:$0x3FFC];
	_ =	sdelay $0x3  }
0x94: {  	_ =	strace s2  }
0x95: {  	s2 =	sld [smem:$0x3FFD];
	_ =	sdelay $0x3  }
0x96: {  	_ =	strace s2  }
0x97: {  	_ =	strace $0x8FFFFFFF  }
0x98: {  	s18 =	sld [smem:$0x3FDB];
	_ =	sdelay $0x1  }
0x99: {  	s19 =	simm.s32 $_scs_section_size  }
0x9a: {  	s4 =	simm.s32 $_size__tile_overlayer_lowered;
	s5 =	simm.s32 $_tile_overlayer_lowered  }
0x9b: {  	s22 =	simm.s32 $0x1BFF;
	s21 =	sshll.u32 s5, $0x1;
	s2 =	sadd.s32 s19, s18  }
0x9c: {  	s6 =	simm.s32 $0x0;
	s20 =	sshll.u32 s4, $0x1;
	s4 =	sadd.s32 s21, s2  }
0x9d: {  	[timem:s6], [sflag:s22] =	dma.local [hbm:s4], s20  }
0x9e: {  	_ =	swait.ge [sflag:s22], s20  }
0x9f: {  	s3 =	ssub.s32 $0x0, s20;
	[sflag:s22] =	ssyncset.done $0x0  }
0xa0: {  	[sflag:s22] =	ssyncadd.s32 s3;
	_ =	sdelay $0x1  }
0xa1: {  	s23 =	simm.s32 $0x1B8B  }
0xa2: {  	_ =	swait.ge [sflag:s23], $0x1  }
0xa3: {  	[sflag:s23] =	ssyncset.done $0x0  }
0xa4: {  	s25 =	simm.s32 $0x1B8E;
	s24 =	sld [smem:$0x3FFE];
	[sflag:s23] =	ssyncadd.s32 $0xFFFFFFFF  }
0xa5: {  	s26 =	simm.s32 $execute0_lowered;
	[smem:$0x3FD2] =	sst s25  }
0xa6: {  	s4 =	sshll.u32 s26, $0x1;
	_ =	strace $0x80000049;
	[dreg:$0x1] =	wrdreg $0xFFFFFFFF  }
0xa7: {  	s28 =	simm.s32 $_size_execute0_lowered;
	s2 =	sadd.s32 s2, s4;
	[dreg:$0x0] =	wrdreg $0x0  }
0xa8: {  	s4 =	sshll.u32 s28, $0x1;
	[dreg:$0x2] =	wrdreg s2  }
0xa9: {  	[dreg:$0x3] =	wrdreg s4  }
0xaa: {  	[dreg:$0x4] =	wrdreg $0xC0  }
0xab: {  	_ =	task [dreg:s6], $0x5FFFF  }
0xac: {  	[dreg:$0x1] =	wrdreg $0xFFFFFFFF  }
0xad: {  	[dreg:$0x0] =	wrdreg $0x60  }
0xae: {  	[dreg:$0x2] =	wrdreg s24  }
0xaf: {  	[dreg:$0x3] =	wrdreg $0xC6200  }
0xb0: {  	[dreg:$0x4] =	wrdreg $0x9  }
0xb1: {  	_ =	task.clear_ibuf [dreg:s6], $0x5FFFF;
	_ =	strace $0x90000049  }
0xb2: {  	s29 =	simm.s32 $0x9;
	_ =	strace $0x8000004B  }
0xb3: {  	_ =	swait.ge [sflag:s29], $0x1  }
0xb4: {  	[sflag:s29] =	ssyncadd.s32 $0xFFFFFFFF  }
0xb5: {  	_ =	strace $0x9000004B  }
0xb6: {  	_ =	sfence  }
0xb7: {  	s30 =	sld [smem:$0x0];
	_ =	sdelay $0x2  }
0xb8: {  	s31 =	sshll.u32 s1, $0xD;
	s1 =	sshrl.u32 s1, $0x2  }
0xb9: {  	s3 =	sand.u32 $0x4000, s31;
	s1 =	sadd.s32 s1, s30  }
0xba: {  	s0 =	sor.u32 s3, s0;
	s1 =	sshll.u32 s1, $0x11  }
0xbb: {  	s0 =	sor.u32 s1, s0  }
0xbc: {  	s0 =	sadd.s32 $0x8F2B, s0  }
0xbd: {  	[sflag:s0] =	ssyncadd.remote.s32 $0x1  }
0xbe: {  	_ =	sfence.sel $0xFFFF  }
0xbf: {  	[dreg:$0x0] =	wrdreg $0xFFFFFFFF;
	(pc) =	sbr.abs _section_cstart, $3  }
0xc0: {  	[dreg:$0x1] =	wrdreg $0xFFFFFFFF  }
0xc1: {  	_ =	task.clear_ibuf [dreg:s6], $0x2FFFF;
	_ =	strace $0x9FFFFFFF  }
0xc2: {  	(tm) =	ssettm $0x7FFFFFFF  }
0xc3: {  	_ =	shalt  }
tec
execute0_lowered:
.L_overlay_start_1:
0x0: {  	(tag) =	ssettag $0x1  }
0x1: {  	s0 =	rddreg [dreg:$0x0];
	s1 =	srdreg.scid  }
0x2: {  	s13 =	stileid.u32;
	s2 =	rddreg [dreg:$0x1];
	s3 =	simm.s32 $0x0  }
0x3: {  	s15 =	simm.s32 $0x7;
	s16 =	simm.s32 $0x2710;
	s17 =	simm.s32 $0x50  }
0x4: {  	s18 =	simm.s32 $0x4E20;
	s19 =	simm.s32 $0x7620;
	s21 =	simm.s32 $0x9E20  }
0x5: {  	s22 =	simm.s32 $0x4;
	s23 =	simm.s32 $0x1;
	s24 =	simm.s32 $0x5  }
0x6: {  	s25 =	simm.s32 $0x2;
	s28 =	simm.s32 $0x3;
	s20 =	simm.s32 $0x4DD0  }
0x7: {  	s29 =	simm.s32 $0x0;
	s1 =	sand.u32 $0x1, s1;
	s4 =	sshll.u32 s13, $0x1  }
0x8: {  	[smem:$0x7FF] =	sst s3;
	s9 =	smul.u32 $0x14000, s13;
	s10 =	sadd.s32 $0x3EE00, s0  }
0x9: {  	s12 =	sadd.s32 $0x12C000, s2;
	p0 =	seq.s32 s13, $0xF;
	s4 =	sor.u32 s1, s4  }
0xa: {  	_ =	strace $0x8000004A;
	s6 =	ssub.s32 $0x2, s1;
	s1 =	smul.u32 $0x138800, s1  }
0xb: {  	s12 =	sshrl.u32 @p0 s12, $0x3;
	s5 =	smul.u32 $0x4E2, s4;
	s4 =	sadd.s32 $0x17C00, s0  }
0xc: {  	s26 =	sshrl.u32 s6, $0x1;
	s30 =	sshrl.u32 s9, $0x3;
	s14 =	sadd.s32 s9, s2  }
0xd: {  	s11 =	ssub.s32 s6, s26;
	s6 =	sadd.s32 $0x3D400, s0;
	s31 =	sadd.s32 s9, s1  }
0xe: {  	s1 =	sshrl.u32 s1, $0x3;
	s14 =	sshrl.u32 @!p0 s14, $0x3;
	s26 =	simm.s32 $0x6  }
0xf: {  	s8 =	sadd.s32 s5, s0;
	s5 =	sadd.s32 s4, s30;
	s0 =	sshrl.u32 s31, $0x3  }
0x10: {  	s1 =	sadd.s32 s10, s1;
	s11 =	smax.u32 s11, $0x1;
	s7 =	sadd.s32 $0x4000, s8  }
0x11: {  	s8 =	sadd.s32 $0xDE00, s8;
	s9 =	sadd.s32 s10, s0;
	s0 =	sshll.u32 @!p0 s13, $0x6  }
0x12: {  	s10 =	sadd.s32 $0x25800, s1;
	s13 =	sor.u32 @!p0 $0x1C07, s0;
	s0 =	simm.s32 $0x26C0  }
.LBB2_1:
0x13: {  	s30 =	simm.s32 @p0 $0x1FC7  }
0x14: {  	[spmem:s12], [sflag:s30] =	dma.local @p0 [hbm:s6], $0x1900  }
0x15: {  	s30 =	simm.s32 @p0 $0x7  }
0x16: {  	_ =	swait.ge @p0 [sflag:s30], $0x1900  }
0x17: {  	[sflag:s30] =	ssyncset.done @p0 $0x0  }
0x18: {  	[sflag:s30] =	ssyncadd.s32 @p0 $0xFFFFE700;
	s30 =	simm.s32 @!p0 $0x7  }
0x19: {  	[spmem:s14], [sflag:s13] =	dma.local @!p0 [hbm:s5], $0x2800  }
0x1a: {  	_ =	swait.ge @!p0 [sflag:s30], $0x2800  }
0x1b: {  	[sflag:s30] =	ssyncset.done @!p0 $0x0  }
0x1c: {  	[sflag:s30] =	ssyncadd.s32 @!p0 $0xFFFFD800  }
0x1d: {  	[bflag:$0x0] =	sbarrier.arrive $0xFFFF  }
0x1e: {  	[tilespmem:s3], [sflag:$0x7] =	stream.linear.gather [hbm4b:s7+s3], $0x2710, $0x38;
	[tilespmem:$0x1FEA0] =	vst v63  }
0x1f: {  	_ =	swait.ge [sflag:s15], $0x2710  }
0x20: {  	[sflag:s15] =	ssyncset.done $0x0  }
0x21: {  	[sflag:s15] =	ssyncadd.s32 $0xFFFFD8F0  }
0x22: {  	[tilespmem:s16], [sflag:$0x7] =	stream.linear.gather [hbm4b:s8+s3], $0x2710, $0x38;
	[tilespmem:$0x1FEA0] =	vst v63  }
0x23: {  	_ =	swait.ge [sflag:s15], $0x2710  }
0x24: {  	[sflag:s15] =	ssyncset.done $0x0  }
0x25: {  	[sflag:s15] =	ssyncadd.s32 $0xFFFFD8F0  }
0x26: {  	[tilespmem:s18], [sflag:$0x4] =	stream.indirect.gather [hbm4b:s4+s17], $0x80, s3, s17, $0xb8;
	[tilespmem:$0x1FEA0] =	vst v63  }
0x27: {  	_ = 	snop  }
0x28: {  	[tilespmem:s19], [sflag:$0x5] =	stream.indirect.gather [hbm4b:s4+s17], $0x80, s17, s17, $0xb8;
	[tilespmem:$0x1FEA0] =	vst v63  }
0x29: {  	s1 =	simm.s32 $0xA0  }
0x2a: {  	[tilespmem:s21], [sflag:$0x6] =	stream.indirect.gather [hbm4b:s4+s17], $0x80, s1, s17, $0xb8;
	[tilespmem:$0x1FEA0] =	vst v63  }
0x2b: {  	_ =	swait.ge [sflag:s22], $0x2800  }
0x2c: {  	[sflag:s22] =	ssyncset.done $0x0  }
0x2d: {  	[sflag:s22] =	ssyncadd.s32 $0xFFFFD800  }
0x2e: {  	[spmem:s2] =	stream.indirect.scatter.add.f32 [tilespmem:s18], [sflag:$0x1], $0x80, s16, s17, $0xb8;
	[tilespmem:$0x1FEA0] =	vst v63  }
0x2f: {  	_ =	swait.ge [sflag:s23], $0x2800  }
0x30: {  	[sflag:s23] =	ssyncset.done $0x0  }
0x31: {  	s30 =	simm.s32 $0xF0;
	[sflag:s23] =	ssyncadd.s32 $0xFFFFD800  }
0x32: {  	[tilespmem:s18], [sflag:$0x4] =	stream.indirect.gather [hbm4b:s4+s17], $0x80, s30, s17, $0xb8;
	[tilespmem:$0x1FEA0] =	vst v63  }
0x33: {  	_ =	swait.ge [sflag:s24], $0x2800  }
0x34: {  	[sflag:s24] =	ssyncset.done $0x0  }
0x35: {  	s30 =	simm.s32 $0x2760;
	[sflag:s24] =	ssyncadd.s32 $0xFFFFD800  }
0x36: {  	[spmem:s2] =	stream.indirect.scatter.add.f32 [tilespmem:s19], [sflag:$0x2], $0x80, s30, s17, $0xb8;
	[tilespmem:$0x1FEA0] =	vst v63  }
0x37: {  	_ =	swait.ge [sflag:s25], $0x2800  }
0x38: {  	[sflag:s25] =	ssyncset.done $0x0  }
0x39: {  	s30 =	simm.s32 $0x140;
	[sflag:s25] =	ssyncadd.s32 $0xFFFFD800  }
0x3a: {  	[tilespmem:s19], [sflag:$0x5] =	stream.indirect.gather [hbm4b:s4+s17], $0x80, s30, s17, $0xb8;
	[tilespmem:$0x1FEA0] =	vst v63  }
0x3b: {  	_ =	swait.ge [sflag:s26], $0x2800  }
0x3c: {  	[sflag:s26] =	ssyncset.done $0x0  }
0x3d: {  	s30 =	simm.s32 $0x27B0;
	[sflag:s26] =	ssyncadd.s32 $0xFFFFD800  }
0x3e: {  	[spmem:s2] =	stream.indirect.scatter.add.f32 [tilespmem:s21], [sflag:$0x3], $0x80, s30, s17, $0xb8;
	[tilespmem:$0x1FEA0] =	vst v63  }
0x3f: {  	_ =	swait.ge [sflag:s28], $0x2800  }
0x40: {  	[sflag:s28] =	ssyncset.done $0x0  }
0x41: {  	s30 =	simm.s32 $0x190;
	[sflag:s28] =	ssyncadd.s32 $0xFFFFD800  }
0x42: {  	[tilespmem:s21], [sflag:$0x6] =	stream.indirect.gather [hbm4b:s4+s17], $0x80, s30, s17, $0xb8;
	[tilespmem:$0x1FEA0] =	vst v63  }
0x43: {  	_ =	swait.ge [sflag:s22], $0x2800  }
0x44: {  	[sflag:s22] =	ssyncset.done $0x0  }
0x45: {  	s31 =	simm.s32 $0x2800;
	s30 =	simm.s32 $0x3C0;
	[sflag:s22] =	ssyncadd.s32 $0xFFFFD800  }
.LBB2_2:
0x46: {  	[spmem:s2] =	stream.indirect.scatter.add.f32 [tilespmem:s18], [sflag:$0x1], $0x80, s31, s17, $0xb8;
	[tilespmem:$0x1FEA0] =	vst v63  }
0x47: {  	s31 =	smov.u32 s30  }
0x48: {  	p1 =	sne.s32 s30, $0x9240;
	s30 =	sadd.s32 $0x3C0, s30;
	_ =	swait.ge [sflag:s23], $0x2800  }
0x49: {  	s31 =	sshra.s32 s31, $0x2;
	[sflag:s23] =	ssyncset.done $0x0  }
0x4a: {  	s1 =	sadd.s32 $0xF0, s31;
	[sflag:s23] =	ssyncadd.s32 $0xFFFFD800  }
0x4b: {  	[tilespmem:s18], [sflag:$0x4] =	stream.indirect.gather [hbm4b:s4+s17], $0x80, s1, s17, $0xb8;
	[tilespmem:$0x1FEA0] =	vst v63  }
0x4c: {  	_ =	swait.ge [sflag:s24], $0x2800  }
0x4d: {  	[sflag:s24] =	ssyncset.done $0x0  }
0x4e: {  	s1 =	sadd.s32 $0x2760, s31;
	[sflag:s24] =	ssyncadd.s32 $0xFFFFD800  }
0x4f: {  	[spmem:s2] =	stream.indirect.scatter.add.f32 [tilespmem:s19], [sflag:$0x2], $0x80, s1, s17, $0xb8;
	[tilespmem:$0x1FEA0] =	vst v63  }
0x50: {  	_ =	swait.ge [sflag:s25], $0x2800  }
0x51: {  	[sflag:s25] =	ssyncset.done $0x0  }
0x52: {  	s1 =	sadd.s32 $0x140, s31;
	[sflag:s25] =	ssyncadd.s32 $0xFFFFD800  }
0x53: {  	[tilespmem:s19], [sflag:$0x5] =	stream.indirect.gather [hbm4b:s4+s17], $0x80, s1, s17, $0xb8;
	[tilespmem:$0x1FEA0] =	vst v63  }
0x54: {  	_ =	swait.ge [sflag:s26], $0x2800  }
0x55: {  	[sflag:s26] =	ssyncset.done $0x0  }
0x56: {  	s1 =	sadd.s32 $0x27B0, s31;
	[sflag:s26] =	ssyncadd.s32 $0xFFFFD800  }
0x57: {  	[spmem:s2] =	stream.indirect.scatter.add.f32 [tilespmem:s21], [sflag:$0x3], $0x80, s1, s17, $0xb8;
	[tilespmem:$0x1FEA0] =	vst v63  }
0x58: {  	_ =	swait.ge [sflag:s28], $0x2800  }
0x59: {  	[sflag:s28] =	ssyncset.done $0x0  }
.Ltmp0:
0x5a: {  	s1 =	sadd.s32 $0x190, s31;
	[sflag:s28] =	ssyncadd.s32 $0xFFFFD800;
	(pc) =	sbr.rel @p1 .LBB2_2-.Ltmp0, $4  }
0x5b: {  	[tilespmem:s21], [sflag:$0x6] =	stream.indirect.gather [hbm4b:s4+s17], $0x80, s1, s17, $0xb8;
	[tilespmem:$0x1FEA0] =	vst v63  }
0x5c: {  	_ =	swait.ge [sflag:s22], $0x2800  }
0x5d: {  	[sflag:s22] =	ssyncset.done $0x0  }
0x5e: {  	s31 =	sadd.s32 $0x2800, s31;
	[sflag:s22] =	ssyncadd.s32 $0xFFFFD800  }
0x5f: {  	[spmem:s2] =	stream.indirect.scatter.add.f32 [tilespmem:s18], [sflag:$0x1], $0x80, s31, s17, $0xb8;
	[tilespmem:$0x1FEA0] =	vst v63  }
0x60: {  	_ =	swait.ge [sflag:s24], $0x2800  }
0x61: {  	[sflag:s24] =	ssyncset.done $0x0  }
0x62: {  	s1 =	simm.s32 $0x4CE0;
	[sflag:s24] =	ssyncadd.s32 $0xFFFFD800  }
0x63: {  	[spmem:s2] =	stream.indirect.scatter.add.f32 [tilespmem:s19], [sflag:$0x2], $0x80, s1, s17, $0xb8;
	[tilespmem:$0x1FEA0] =	vst v63  }
0x64: {  	_ =	swait.ge [sflag:s26], $0x2800  }
0x65: {  	[sflag:s26] =	ssyncset.done $0x0  }
0x66: {  	s31 =	simm.s32 $0x4D30;
	[sflag:s26] =	ssyncadd.s32 $0xFFFFD800  }
0x67: {  	[spmem:s2] =	stream.indirect.scatter.add.f32 [tilespmem:s21], [sflag:$0x3], $0x80, s31, s17, $0xb8;
	[tilespmem:$0x1FEA0] =	vst v63  }
0x68: {  	_ =	swait.ge [sflag:s23], $0x2800  }
0x69: {  	[sflag:s23] =	ssyncset.done $0x0  }
0x6a: {  	s30 =	simm.s32 $0x2670;
	[sflag:s23] =	ssyncadd.s32 $0xFFFFD800  }
0x6b: {  	[tilespmem:s18], [sflag:$0x7] =	stream.indirect.gather [hbm4b:s4+s17], $0x80, s30, s17, $0xb8;
	[tilespmem:$0x1FEA0] =	vst v63  }
0x6c: {  	_ =	swait.ge [sflag:s15], $0x2800  }
0x6d: {  	[sflag:s15] =	ssyncset.done $0x0  }
0x6e: {  	s31 =	simm.s32 $0x4D80;
	[sflag:s15] =	ssyncadd.s32 $0xFFFFD800  }
0x6f: {  	[spmem:s2] =	stream.indirect.scatter.add.f32 [tilespmem:s18], [sflag:$0x1], $0x80, s31, s17, $0xb8;
	[tilespmem:$0x1FEA0] =	vst v63  }
0x70: {  	_ =	swait.ge [sflag:s25], $0x2800  }
0x71: {  	[sflag:s25] =	ssyncset.done $0x0  }
0x72: {  	[sflag:s25] =	ssyncadd.s32 $0xFFFFD800  }
0x73: {  	[tilespmem:s19], [sflag:$0x7] =	stream.indirect.gather [hbm4b:s4+s17], $0x80, s0, s17, $0xb8;
	[tilespmem:$0x1FEA0] =	vst v63  }
0x74: {  	_ =	swait.ge [sflag:s15], $0x2800  }
0x75: {  	[sflag:s15] =	ssyncset.done $0x0  }
0x76: {  	[sflag:s15] =	ssyncadd.s32 $0xFFFFD800  }
0x77: {  	[spmem:s2] =	stream.indirect.scatter.add.f32 [tilespmem:s19], [sflag:$0x2], $0x80, s20, s17, $0xb8;
	[tilespmem:$0x1FEA0] =	vst v63  }
0x78: {  	_ =	swait.ge [sflag:s28], $0x2800  }
0x79: {  	[sflag:s28] =	ssyncset.done $0x0  }
0x7a: {  	[sflag:s28] =	ssyncadd.s32 $0xFFFFD800  }
0x7b: {  	_ =	swait.ge [sflag:s23], $0x2800  }
0x7c: {  	[sflag:s23] =	ssyncset.done $0x0  }
0x7d: {  	[sflag:s23] =	ssyncadd.s32 $0xFFFFD800  }
0x7e: {  	_ =	swait.ge [sflag:s25], $0x2800  }
0x7f: {  	[sflag:s25] =	ssyncset.done $0x0  }
0x80: {  	[sflag:s25] =	ssyncadd.s32 $0xFFFFD800  }
0x81: {  	s1 =	simm.s32 @p0 $0x1FC7;
	[bflag:$0x0] =	sbarrier.arrive $0xFFFF  }
0x82: {  	[hbm:s10], [sflag:s1] =	dma.local @p0 [spmem:s12], $0x1900  }
0x83: {  	s1 =	simm.s32 @p0 $0x7  }
0x84: {  	s29 =	sadd.s32 $0x1, s29;
	_ =	swait.ge @p0 [sflag:s1], $0x1900  }
0x85: {  	p1 =	sne.s32 s29, s11;
	[sflag:s1] =	ssyncset.done @p0 $0x0  }
.Ltmp1:
0x86: {  	[sflag:s1] =	ssyncadd.s32 @p0 $0xFFFFE700;
	s1 =	simm.s32 @!p0 $0x7;
	(pc) =	sbr.rel @p1 .LBB2_1-.Ltmp1, $4  }
0x87: {  	[hbm:s9], [sflag:s13] =	dma.local @!p0 [spmem:s14], $0x2800  }
0x88: {  	_ =	swait.ge @!p0 [sflag:s1], $0x2800  }
0x89: {  	[sflag:s1] =	ssyncset.done @!p0 $0x0  }
0x8a: {  	[sflag:s1] =	ssyncadd.s32 @!p0 $0xFFFFD800  }
0x8b: {  	_ =	sfence.sel $0x180000  }
0x8c: {  	[bflag:$0x0] =	sbarrier.arrive $0xFFFF  }
0x8d: {  	_ =	strace $0x9000004A  }
0x8e: {  	s0 =	stileid.u32;
	[bflag:$0x2] =	sbarrier.arrive $0xFFFF  }
0x8f: {  	p0 =	sne.s32 s0, $0x0;
	s0 =	rddreg [dreg:$0x2]  }
0x90: {  	s0 =	sadd.s32 @!p0 $0x100000, s0  }
0x91: {  	[sflag:s0] =	ssyncadd.tile.s32 @!p0 $0x1;
	_ =	shalt  }
.Lfunc_end2:
_tile_overlayer_lowered:
.L_overlay_start_2:
0x92: {  	(tag) =	ssettag $0x2  }
0x93: {  	s0 =	rddreg [dreg:$0x0];
	s2 =	stileid.u32  }
0x94: {  	s1 =	rddreg [dreg:$0x1];
	p0 =	sne.s32 s2, $0x0  }
0x95: {  	s3 =	rddreg [dreg:$0x2];
	[bflag:$0x3] =	sbarrier.arrive $0xFFFF;
	s2 =	simm.s32 @!p0 $0x1C07  }
0x96: {  	[timem:s3], [sflag:s2] =	dma.local @!p0 [hbm:s0], s1  }
0x97: {  	s0 =	simm.s32 @!p0 $0x7  }
0x98: {  	_ =	swait.ge @!p0 [sflag:s0], s1  }
0x99: {  	s1 =	ssub.s32 @!p0 $0x0, s1;
	[sflag:s0] =	ssyncset.done @!p0 $0x0  }
0x9a: {  	[sflag:s0] =	ssyncadd.s32 @!p0 s1  }
0x9b: {  	[bflag:$0x3] =	sbarrier.arrive $0xFFFF  }
0x9c: {  	_ =	shalt  }

// kernel: kernel.14.cloned.1.call-start
scs
__scs_entry_jumppad:
0x0: {  	(pc) =	sbr.rel $0x88, $3  }
0x1: {  	(tag) =	ssettag $0x0;
	lr =	simm.s32 $0x1  }
0x2: {  	[smem:$0x3F8F] =	sst lr;
	_ =	strace $0xD0000000  }
0x3: {  	_ = 	snop  }
0x4: {  	_ = 	snop  }
0x5: {  	_ = 	snop  }
0x6: {  	_ = 	snop  }
0x7: {  	_ = 	snop  }
__scs_overlays_trampoline_lowered:
0x8: {  	[smem:$0x3F9E] =	sst s0  }
0x9: {  	[smem:$0x3F9F] =	sst s1  }
0xa: {  	[smem:$0x3FA0] =	sst s2  }
0xb: {  	[smem:$0x3FA1] =	sst s3  }
0xc: {  	[smem:$0x3FA2] =	sst s4  }
0xd: {  	[smem:$0x3FA3] =	sst s5  }
0xe: {  	[smem:$0x3FA4] =	sst s6  }
0xf: {  	[smem:$0x3FA5] =	sst s7  }
0x10: {  	[smem:$0x3FA6] =	sst s8  }
0x11: {  	[smem:$0x3FA7] =	sst s9;
	s0 =	simm.s32 @!p0 $0x0  }
0x12: {  	s1 =	sld [smem:$0x3F8D];
	s0 =	simm.s32 @p0 $0x1  }
0x13: {  	[smem:$0x3FA8] =	sst s0;
	s0 =	simm.s32 @!p1 $0x0  }
0x14: {  	s2 =	sld [smem:$0x3F8C];
	s0 =	simm.s32 @p1 $0x1  }
0x15: {  	[smem:$0x3FA9] =	sst s0;
	s0 =	simm.s32 @!p2 $0x0  }
0x16: {  	s3 =	sld [smem:$0x3FDB];
	s0 =	simm.s32 @p2 $0x1  }
0x17: {  	s4 =	simm.s32 $0x1BF5;
	[smem:$0x3FAB] =	sst s0  }
0x18: {  	s0 =	sld [smem:$0x3F8E];
	_ =	swait.ge [sflag:s4], $0x0  }
0x19: {  	s7 =	sld [smem:$0x3F8F]  }
0x1a: {  	s8 =	sadd.s32 $0xFFFFE003, lr  }
0x1b: {  	s9 =	sadd.s32 $0xFFFFFEF7, lr;
	s5 =	simm.s32 $0xFFFFFFFF;
	p2 =	slt.u32 s8, $0xFFFFF086  }
0x1c: {  	p1 =	slt.u32 s9, $0xF7A;
	s5 =	simm.s32 @!p2 $0x0  }
0x1d: {  	s5 =	simm.s32 @p1 $0x1;
	p0 =	seq.s32 s7, s2  }
0x1e: {  	s7 =	smul.u32 @!p0 $0xF7A, s2;
	p2 =	seq.s32 @!p0 s5, $0x0  }
0x1f: {  	s9 =	smul.u32 $0xF7A, s1;
	s8 =	simm.s32 @!p0 $0x1BF5;
	p2 =	por !p2, p0  }
0x20: {  	[sflag:s8] =	ssyncset.s32 @!p0 $0xFFFFF086;
	s6 =	sadd.s32 @!p0 s3, s7;
	s7 =	simm.s32 @!p0 $0x108  }
0x21: {  	s3 =	sadd.s32 s3, s9;
	s6 =	sadd.s32 @!p0 $0x88, s6;
	s7 =	simm.s32 @p2 $0x1082  }
0x22: {  	[simem:s7], [sflag:s8] =	dma.local @!p0 [hbm:s6], $0xF7A  }
0x23: {  	s9 =	sor.u32 $0xD0000000, s2;
	s6 =	simm.s32 $0x108;
	_ =	swait.ge @!p0 [sflag:s8], $0x0  }
0x24: {  	s3 =	sadd.s32 $0x88, s3;
	s6 =	simm.s32 @!p1 $0x1082;
	[sflag:s4] =	ssyncset.s32 $0xFFFFF086  }
0x25: {  	[simem:s6], [sflag:s4] =	dma.local [hbm:s3], $0xF7A  }
0x26: {  	[smem:$0x3F8F] =	sst s1;
	(tag) =	ssettag s2;
	_ =	strace s9  }
0x27: {  	s1 =	sld [smem:$0x3F9F]  }
0x28: {  	s2 =	sld [smem:$0x3FA0]  }
0x29: {  	s4 =	sld [smem:$0x3FA2]  }
0x2a: {  	p0 =	seq.s32 s5, $0x0;
	s5 =	sld [smem:$0x3FA3]  }
0x2b: {  	s6 =	sld [smem:$0x3FA4]  }
0x2c: {  	s7 =	sld [smem:$0x3FA5]  }
0x2d: {  	s3 =	simm.s32 $0x108;
	s8 =	sld [smem:$0x3FA6]  }
0x2e: {  	s3 =	simm.s32 @!p0 $0x1082;
	s9 =	sld [smem:$0x3FA7]  }
0x2f: {  	lr =	sadd.s32 s0, s3;
	s0 =	sld [smem:$0x3F9E]  }
0x30: {  	s3 =	sld [smem:$0x3FA1]  }
0x31: {  	[smem:$0x3FAA] =	sst s10  }
0x32: {  	s10 =	sld [smem:$0x3FA8];
	_ =	sdelay $0x3  }
0x33: {  	p0 =	seq.s32 s10, $0x1;
	s10 =	sld [smem:$0x3FAA];
	_ =	sdelay $0x3  }
0x34: {  	[smem:$0x3FAA] =	sst s10  }
0x35: {  	s10 =	sld [smem:$0x3FA9];
	_ =	sdelay $0x3  }
0x36: {  	p1 =	seq.s32 s10, $0x1;
	s10 =	sld [smem:$0x3FAA];
	_ =	sdelay $0x3  }
0x37: {  	[smem:$0x3FAA] =	sst s10  }
0x38: {  	s10 =	sld [smem:$0x3FAB]  }
0x39: {  	_ = 	snop;
	(pc) =	sbr.ind lr, $3  }
0x3a: {  	_ = 	snop  }
0x3b: {  	_ = 	snop  }
0x3c: {  	p2 =	seq.s32 s10, $0x1;
	s10 =	sld [smem:$0x3FAA]  }
0x3d: {  	_ =	shalt  }
0x3e: {  	_ =	shalt  }
0x3f: {  	_ =	shalt  }
0x40: {  	_ =	shalt  }
0x41: {  	_ =	shalt  }
0x42: {  	_ =	shalt  }
0x43: {  	_ =	shalt  }
0x44: {  	_ =	shalt  }
0x45: {  	_ =	shalt  }
0x46: {  	_ =	shalt  }
0x47: {  	_ =	shalt  }
0x48: {  	_ =	shalt  }
0x49: {  	_ =	shalt  }
0x4a: {  	_ =	shalt  }
0x4b: {  	_ =	shalt  }
0x4c: {  	_ =	shalt  }
0x4d: {  	_ =	shalt  }
0x4e: {  	_ =	shalt  }
0x4f: {  	_ =	shalt  }
0x50: {  	_ =	shalt  }
0x51: {  	_ =	shalt  }
0x52: {  	_ =	shalt  }
0x53: {  	_ =	shalt  }
0x54: {  	_ =	shalt  }
0x55: {  	_ =	shalt  }
0x56: {  	_ =	shalt  }
0x57: {  	_ =	shalt  }
0x58: {  	_ =	shalt  }
0x59: {  	_ =	shalt  }
0x5a: {  	_ =	shalt  }
0x5b: {  	_ =	shalt  }
0x5c: {  	_ =	shalt  }
0x5d: {  	_ =	shalt  }
0x5e: {  	_ =	shalt  }
0x5f: {  	_ =	shalt  }
0x60: {  	_ =	shalt  }
0x61: {  	_ =	shalt  }
0x62: {  	_ =	shalt  }
0x63: {  	_ =	shalt  }
0x64: {  	_ =	shalt  }
0x65: {  	_ =	shalt  }
0x66: {  	_ =	shalt  }
0x67: {  	_ =	shalt  }
0x68: {  	_ =	shalt  }
0x69: {  	_ =	shalt  }
0x6a: {  	_ =	shalt  }
0x6b: {  	_ =	shalt  }
0x6c: {  	_ =	shalt  }
0x6d: {  	_ =	shalt  }
0x6e: {  	_ =	shalt  }
0x6f: {  	_ =	shalt  }
0x70: {  	_ =	shalt  }
0x71: {  	_ =	shalt  }
0x72: {  	_ =	shalt  }
0x73: {  	_ =	shalt  }
0x74: {  	_ =	shalt  }
0x75: {  	_ =	shalt  }
0x76: {  	_ =	shalt  }
0x77: {  	_ =	shalt  }
0x78: {  	_ =	shalt  }
0x79: {  	_ =	shalt  }
0x7a: {  	_ =	shalt  }
0x7b: {  	_ =	shalt  }
0x7c: {  	_ =	shalt  }
0x7d: {  	_ =	shalt  }
0x7e: {  	_ =	shalt  }
0x7f: {  	_ =	shalt  }
0x80: {  	_ =	shalt  }
0x81: {  	_ =	shalt  }
0x82: {  	_ =	shalt  }
0x83: {  	_ =	shalt  }
0x84: {  	_ =	shalt  }
0x85: {  	_ =	shalt  }
0x86: {  	_ =	shalt  }
0x87: {  	_ =	shalt  }
.Lfunc_end0:
.L_simem_size_0:
called_computation.2_lowered:
.L_overlay_start_0:
0x88: {  	s2 =	sld [smem:$0x3FD9]  }
0x89: {  	s3 =	sld [smem:$0x3FFE];
	_ =	sdelay $0x1  }
0x8a: {  	s1 =	srdreg.scid  }
0x8b: {  	s0 =	sand.u32 $0x1, s1  }
0x8c: {  	s16 =	sshll.u32 s0, $0xA;
	s2 =	sadd.s32 s3, s2  }
0x8d: {  	s2 =	sadd.s32 s2, s16  }
0x8e: {  	[smem:$0x3FB6] =	sst s2  }
0x8f: {  	_ = 	snop  }
0x90: {  	(tm) =	ssettm $0x1  }
0x91: {  	s17 =	sld [smem:$0x3FFB];
	_ =	sdelay $0x3  }
0x92: {  	_ =	strace s17  }
0x93: {  	s2 =	sld [smem:$0x3FFC];
	_ =	sdelay $0x3  }
0x94: {  	_ =	strace s2  }
0x95: {  	s2 =	sld [smem:$0x3FFD];
	_ =	sdelay $0x3  }
0x96: {  	_ =	strace s2  }
0x97: {  	_ =	strace $0x8FFFFFFF  }
0x98: {  	s18 =	sld [smem:$0x3FDB];
	_ =	sdelay $0x1  }
0x99: {  	s19 =	simm.s32 $_scs_section_size  }
0x9a: {  	s4 =	simm.s32 $_size__tile_overlayer_lowered;
	s5 =	simm.s32 $_tile_overlayer_lowered  }
0x9b: {  	s22 =	simm.s32 $0x1BFF;
	s21 =	sshll.u32 s5, $0x1;
	s2 =	sadd.s32 s19, s18  }
0x9c: {  	s6 =	simm.s32 $0x0;
	s20 =	sshll.u32 s4, $0x1;
	s4 =	sadd.s32 s21, s2  }
0x9d: {  	[timem:s6], [sflag:s22] =	dma.local [hbm:s4], s20  }
0x9e: {  	_ =	swait.ge [sflag:s22], s20  }
0x9f: {  	s3 =	ssub.s32 $0x0, s20;
	[sflag:s22] =	ssyncset.done $0x0  }
0xa0: {  	[sflag:s22] =	ssyncadd.s32 s3;
	_ =	sdelay $0x1  }
0xa1: {  	s23 =	simm.s32 $0x1B8B  }
0xa2: {  	_ =	swait.ge [sflag:s23], $0x1  }
0xa3: {  	[sflag:s23] =	ssyncset.done $0x0  }
0xa4: {  	s25 =	simm.s32 $0x1B8E;
	s24 =	sld [smem:$0x3FFE];
	[sflag:s23] =	ssyncadd.s32 $0xFFFFFFFF  }
0xa5: {  	s26 =	simm.s32 $execute0_lowered;
	[smem:$0x3FD2] =	sst s25  }
0xa6: {  	s4 =	sshll.u32 s26, $0x1;
	_ =	strace $0x8000004C;
	[dreg:$0x1] =	wrdreg $0xFFFFFFFF  }
0xa7: {  	s28 =	simm.s32 $_size_execute0_lowered;
	s2 =	sadd.s32 s2, s4;
	[dreg:$0x0] =	wrdreg $0x0  }
0xa8: {  	s4 =	sshll.u32 s28, $0x1;
	[dreg:$0x2] =	wrdreg s2  }
0xa9: {  	[dreg:$0x3] =	wrdreg s4  }
0xaa: {  	[dreg:$0x4] =	wrdreg $0xC0  }
0xab: {  	_ =	task [dreg:s6], $0x5FFFF  }
0xac: {  	[dreg:$0x1] =	wrdreg $0xFFFFFFFF  }
0xad: {  	[dreg:$0x0] =	wrdreg $0x60  }
0xae: {  	[dreg:$0x2] =	wrdreg s24  }
0xaf: {  	[dreg:$0x3] =	wrdreg $0xC6200  }
0xb0: {  	[dreg:$0x4] =	wrdreg $0x9  }
0xb1: {  	_ =	task.clear_ibuf [dreg:s6], $0x5FFFF;
	_ =	strace $0x9000004C  }
0xb2: {  	s29 =	simm.s32 $0x9;
	_ =	strace $0x8000004E  }
0xb3: {  	_ =	swait.ge [sflag:s29], $0x1  }
0xb4: {  	[sflag:s29] =	ssyncadd.s32 $0xFFFFFFFF  }
0xb5: {  	_ =	strace $0x9000004E  }
0xb6: {  	_ =	sfence  }
0xb7: {  	s30 =	sld [smem:$0x0];
	_ =	sdelay $0x2  }
0xb8: {  	s31 =	sshll.u32 s1, $0xD;
	s1 =	sshrl.u32 s1, $0x2  }
0xb9: {  	s3 =	sand.u32 $0x4000, s31;
	s1 =	sadd.s32 s1, s30  }
0xba: {  	s0 =	sor.u32 s3, s0;
	s1 =	sshll.u32 s1, $0x11  }
0xbb: {  	s0 =	sor.u32 s1, s0  }
0xbc: {  	s0 =	sadd.s32 $0x8F2B, s0  }
0xbd: {  	[sflag:s0] =	ssyncadd.remote.s32 $0x1  }
0xbe: {  	_ =	sfence.sel $0xFFFF  }
0xbf: {  	[dreg:$0x0] =	wrdreg $0xFFFFFFFF;
	(pc) =	sbr.abs _section_cstart, $3  }
0xc0: {  	[dreg:$0x1] =	wrdreg $0xFFFFFFFF  }
0xc1: {  	_ =	task.clear_ibuf [dreg:s6], $0x2FFFF;
	_ =	strace $0x9FFFFFFF  }
0xc2: {  	(tm) =	ssettm $0x7FFFFFFF  }
0xc3: {  	_ =	shalt  }
tec
execute0_lowered:
.L_overlay_start_1:
0x0: {  	(tag) =	ssettag $0x1  }
0x1: {  	s0 =	rddreg [dreg:$0x0];
	s1 =	srdreg.scid  }
0x2: {  	s13 =	stileid.u32;
	s2 =	rddreg [dreg:$0x1];
	s3 =	simm.s32 $0x0  }
0x3: {  	s15 =	simm.s32 $0x7;
	s16 =	simm.s32 $0x2710;
	s17 =	simm.s32 $0x50  }
0x4: {  	s18 =	simm.s32 $0x4E20;
	s19 =	simm.s32 $0x7620;
	s21 =	simm.s32 $0x9E20  }
0x5: {  	s22 =	simm.s32 $0x4;
	s23 =	simm.s32 $0x1;
	s24 =	simm.s32 $0x5  }
0x6: {  	s25 =	simm.s32 $0x2;
	s28 =	simm.s32 $0x3;
	s20 =	simm.s32 $0x4DD0  }
0x7: {  	s29 =	simm.s32 $0x0;
	s1 =	sand.u32 $0x1, s1;
	s4 =	sshll.u32 s13, $0x1  }
0x8: {  	[smem:$0x7FF] =	sst s3;
	s9 =	smul.u32 $0x14000, s13;
	s10 =	sadd.s32 $0x3EE00, s0  }
0x9: {  	s12 =	sadd.s32 $0x12C000, s2;
	p0 =	seq.s32 s13, $0xF;
	s4 =	sor.u32 s1, s4  }
0xa: {  	_ =	strace $0x8000004D;
	s6 =	ssub.s32 $0x2, s1;
	s1 =	smul.u32 $0x138800, s1  }
0xb: {  	s12 =	sshrl.u32 @p0 s12, $0x3;
	s5 =	smul.u32 $0x4E2, s4;
	s4 =	sadd.s32 $0x17C00, s0  }
0xc: {  	s26 =	sshrl.u32 s6, $0x1;
	s30 =	sshrl.u32 s9, $0x3;
	s14 =	sadd.s32 s9, s2  }
0xd: {  	s11 =	ssub.s32 s6, s26;
	s6 =	sadd.s32 $0x3D400, s0;
	s31 =	sadd.s32 s9, s1  }
0xe: {  	s1 =	sshrl.u32 s1, $0x3;
	s14 =	sshrl.u32 @!p0 s14, $0x3;
	s26 =	simm.s32 $0x6  }
0xf: {  	s8 =	sadd.s32 s5, s0;
	s5 =	sadd.s32 s4, s30;
	s0 =	sshrl.u32 s31, $0x3  }
0x10: {  	s1 =	sadd.s32 s10, s1;
	s11 =	smax.u32 s11, $0x1;
	s7 =	sadd.s32 $0x4000, s8  }
0x11: {  	s8 =	sadd.s32 $0xDE00, s8;
	s9 =	sadd.s32 s10, s0;
	s0 =	sshll.u32 @!p0 s13, $0x6  }
0x12: {  	s10 =	sadd.s32 $0x25800, s1;
	s13 =	sor.u32 @!p0 $0x1C07, s0;
	s0 =	simm.s32 $0x26C0  }
.LBB2_1:
0x13: {  	s30 =	simm.s32 @p0 $0x1FC7  }
0x14: {  	[spmem:s12], [sflag:s30] =	dma.local @p0 [hbm:s6], $0x1900  }
0x15: {  	s30 =	simm.s32 @p0 $0x7  }
0x16: {  	_ =	swait.ge @p0 [sflag:s30], $0x1900  }
0x17: {  	[sflag:s30] =	ssyncset.done @p0 $0x0  }
0x18: {  	[sflag:s30] =	ssyncadd.s32 @p0 $0xFFFFE700;
	s30 =	simm.s32 @!p0 $0x7  }
0x19: {  	[spmem:s14], [sflag:s13] =	dma.local @!p0 [hbm:s5], $0x2800  }
0x1a: {  	_ =	swait.ge @!p0 [sflag:s30], $0x2800  }
0x1b: {  	[sflag:s30] =	ssyncset.done @!p0 $0x0  }
0x1c: {  	[sflag:s30] =	ssyncadd.s32 @!p0 $0xFFFFD800  }
0x1d: {  	[bflag:$0x0] =	sbarrier.arrive $0xFFFF  }
0x1e: {  	[tilespmem:s3], [sflag:$0x7] =	stream.linear.gather [hbm4b:s7+s3], $0x2710, $0x38;
	[tilespmem:$0x1FEA0] =	vst v63  }
0x1f: {  	_ =	swait.ge [sflag:s15], $0x2710  }
0x20: {  	[sflag:s15] =	ssyncset.done $0x0  }
0x21: {  	[sflag:s15] =	ssyncadd.s32 $0xFFFFD8F0  }
0x22: {  	[tilespmem:s16], [sflag:$0x7] =	stream.linear.gather [hbm4b:s8+s3], $0x2710, $0x38;
	[tilespmem:$0x1FEA0] =	vst v63  }
0x23: {  	_ =	swait.ge [sflag:s15], $0x2710  }
0x24: {  	[sflag:s15] =	ssyncset.done $0x0  }
0x25: {  	[sflag:s15] =	ssyncadd.s32 $0xFFFFD8F0  }
0x26: {  	[tilespmem:s18], [sflag:$0x4] =	stream.indirect.gather [hbm4b:s4+s17], $0x80, s3, s17, $0xb8;
	[tilespmem:$0x1FEA0] =	vst v63  }
0x27: {  	_ = 	snop  }
0x28: {  	[tilespmem:s19], [sflag:$0x5] =	stream.indirect.gather [hbm4b:s4+s17], $0x80, s17, s17, $0xb8;
	[tilespmem:$0x1FEA0] =	vst v63  }
0x29: {  	s1 =	simm.s32 $0xA0  }
0x2a: {  	[tilespmem:s21], [sflag:$0x6] =	stream.indirect.gather [hbm4b:s4+s17], $0x80, s1, s17, $0xb8;
	[tilespmem:$0x1FEA0] =	vst v63  }
0x2b: {  	_ =	swait.ge [sflag:s22], $0x2800  }
0x2c: {  	[sflag:s22] =	ssyncset.done $0x0  }
0x2d: {  	[sflag:s22] =	ssyncadd.s32 $0xFFFFD800  }
0x2e: {  	[spmem:s2] =	stream.indirect.scatter.add.f32 [tilespmem:s18], [sflag:$0x1], $0x80, s16, s17, $0xb8;
	[tilespmem:$0x1FEA0] =	vst v63  }
0x2f: {  	_ =	swait.ge [sflag:s23], $0x2800  }
0x30: {  	[sflag:s23] =	ssyncset.done $0x0  }
0x31: {  	s30 =	simm.s32 $0xF0;
	[sflag:s23] =	ssyncadd.s32 $0xFFFFD800  }
0x32: {  	[tilespmem:s18], [sflag:$0x4] =	stream.indirect.gather [hbm4b:s4+s17], $0x80, s30, s17, $0xb8;
	[tilespmem:$0x1FEA0] =	vst v63  }
0x33: {  	_ =	swait.ge [sflag:s24], $0x2800  }
0x34: {  	[sflag:s24] =	ssyncset.done $0x0  }
0x35: {  	s30 =	simm.s32 $0x2760;
	[sflag:s24] =	ssyncadd.s32 $0xFFFFD800  }
0x36: {  	[spmem:s2] =	stream.indirect.scatter.add.f32 [tilespmem:s19], [sflag:$0x2], $0x80, s30, s17, $0xb8;
	[tilespmem:$0x1FEA0] =	vst v63  }
0x37: {  	_ =	swait.ge [sflag:s25], $0x2800  }
0x38: {  	[sflag:s25] =	ssyncset.done $0x0  }
0x39: {  	s30 =	simm.s32 $0x140;
	[sflag:s25] =	ssyncadd.s32 $0xFFFFD800  }
0x3a: {  	[tilespmem:s19], [sflag:$0x5] =	stream.indirect.gather [hbm4b:s4+s17], $0x80, s30, s17, $0xb8;
	[tilespmem:$0x1FEA0] =	vst v63  }
0x3b: {  	_ =	swait.ge [sflag:s26], $0x2800  }
0x3c: {  	[sflag:s26] =	ssyncset.done $0x0  }
0x3d: {  	s30 =	simm.s32 $0x27B0;
	[sflag:s26] =	ssyncadd.s32 $0xFFFFD800  }
0x3e: {  	[spmem:s2] =	stream.indirect.scatter.add.f32 [tilespmem:s21], [sflag:$0x3], $0x80, s30, s17, $0xb8;
	[tilespmem:$0x1FEA0] =	vst v63  }
0x3f: {  	_ =	swait.ge [sflag:s28], $0x2800  }
0x40: {  	[sflag:s28] =	ssyncset.done $0x0  }
0x41: {  	s30 =	simm.s32 $0x190;
	[sflag:s28] =	ssyncadd.s32 $0xFFFFD800  }
0x42: {  	[tilespmem:s21], [sflag:$0x6] =	stream.indirect.gather [hbm4b:s4+s17], $0x80, s30, s17, $0xb8;
	[tilespmem:$0x1FEA0] =	vst v63  }
0x43: {  	_ =	swait.ge [sflag:s22], $0x2800  }
0x44: {  	[sflag:s22] =	ssyncset.done $0x0  }
0x45: {  	s31 =	simm.s32 $0x2800;
	s30 =	simm.s32 $0x3C0;
	[sflag:s22] =	ssyncadd.s32 $0xFFFFD800  }
.LBB2_2:
0x46: {  	[spmem:s2] =	stream.indirect.scatter.add.f32 [tilespmem:s18], [sflag:$0x1], $0x80, s31, s17, $0xb8;
	[tilespmem:$0x1FEA0] =	vst v63  }
0x47: {  	s31 =	smov.u32 s30  }
0x48: {  	p1 =	sne.s32 s30, $0x9240;
	s30 =	sadd.s32 $0x3C0, s30;
	_ =	swait.ge [sflag:s23], $0x2800  }
0x49: {  	s31 =	sshra.s32 s31, $0x2;
	[sflag:s23] =	ssyncset.done $0x0  }
0x4a: {  	s1 =	sadd.s32 $0xF0, s31;
	[sflag:s23] =	ssyncadd.s32 $0xFFFFD800  }
0x4b: {  	[tilespmem:s18], [sflag:$0x4] =	stream.indirect.gather [hbm4b:s4+s17], $0x80, s1, s17, $0xb8;
	[tilespmem:$0x1FEA0] =	vst v63  }
0x4c: {  	_ =	swait.ge [sflag:s24], $0x2800  }
0x4d: {  	[sflag:s24] =	ssyncset.done $0x0  }
0x4e: {  	s1 =	sadd.s32 $0x2760, s31;
	[sflag:s24] =	ssyncadd.s32 $0xFFFFD800  }
0x4f: {  	[spmem:s2] =	stream.indirect.scatter.add.f32 [tilespmem:s19], [sflag:$0x2], $0x80, s1, s17, $0xb8;
	[tilespmem:$0x1FEA0] =	vst v63  }
0x50: {  	_ =	swait.ge [sflag:s25], $0x2800  }
0x51: {  	[sflag:s25] =	ssyncset.done $0x0  }
0x52: {  	s1 =	sadd.s32 $0x140, s31;
	[sflag:s25] =	ssyncadd.s32 $0xFFFFD800  }
0x53: {  	[tilespmem:s19], [sflag:$0x5] =	stream.indirect.gather [hbm4b:s4+s17], $0x80, s1, s17, $0xb8;
	[tilespmem:$0x1FEA0] =	vst v63  }
0x54: {  	_ =	swait.ge [sflag:s26], $0x2800  }
0x55: {  	[sflag:s26] =	ssyncset.done $0x0  }
0x56: {  	s1 =	sadd.s32 $0x27B0, s31;
	[sflag:s26] =	ssyncadd.s32 $0xFFFFD800  }
0x57: {  	[spmem:s2] =	stream.indirect.scatter.add.f32 [tilespmem:s21], [sflag:$0x3], $0x80, s1, s17, $0xb8;
	[tilespmem:$0x1FEA0] =	vst v63  }
0x58: {  	_ =	swait.ge [sflag:s28], $0x2800  }
0x59: {  	[sflag:s28] =	ssyncset.done $0x0  }
.Ltmp0:
0x5a: {  	s1 =	sadd.s32 $0x190, s31;
	[sflag:s28] =	ssyncadd.s32 $0xFFFFD800;
	(pc) =	sbr.rel @p1 .LBB2_2-.Ltmp0, $4  }
0x5b: {  	[tilespmem:s21], [sflag:$0x6] =	stream.indirect.gather [hbm4b:s4+s17], $0x80, s1, s17, $0xb8;
	[tilespmem:$0x1FEA0] =	vst v63  }
0x5c: {  	_ =	swait.ge [sflag:s22], $0x2800  }
0x5d: {  	[sflag:s22] =	ssyncset.done $0x0  }
0x5e: {  	s31 =	sadd.s32 $0x2800, s31;
	[sflag:s22] =	ssyncadd.s32 $0xFFFFD800  }
0x5f: {  	[spmem:s2] =	stream.indirect.scatter.add.f32 [tilespmem:s18], [sflag:$0x1], $0x80, s31, s17, $0xb8;
	[tilespmem:$0x1FEA0] =	vst v63  }
0x60: {  	_ =	swait.ge [sflag:s24], $0x2800  }
0x61: {  	[sflag:s24] =	ssyncset.done $0x0  }
0x62: {  	s1 =	simm.s32 $0x4CE0;
	[sflag:s24] =	ssyncadd.s32 $0xFFFFD800  }
0x63: {  	[spmem:s2] =	stream.indirect.scatter.add.f32 [tilespmem:s19], [sflag:$0x2], $0x80, s1, s17, $0xb8;
	[tilespmem:$0x1FEA0] =	vst v63  }
0x64: {  	_ =	swait.ge [sflag:s26], $0x2800  }
0x65: {  	[sflag:s26] =	ssyncset.done $0x0  }
0x66: {  	s31 =	simm.s32 $0x4D30;
	[sflag:s26] =	ssyncadd.s32 $0xFFFFD800  }
0x67: {  	[spmem:s2] =	stream.indirect.scatter.add.f32 [tilespmem:s21], [sflag:$0x3], $0x80, s31, s17, $0xb8;
	[tilespmem:$0x1FEA0] =	vst v63  }
0x68: {  	_ =	swait.ge [sflag:s23], $0x2800  }
0x69: {  	[sflag:s23] =	ssyncset.done $0x0  }
0x6a: {  	s30 =	simm.s32 $0x2670;
	[sflag:s23] =	ssyncadd.s32 $0xFFFFD800  }
0x6b: {  	[tilespmem:s18], [sflag:$0x7] =	stream.indirect.gather [hbm4b:s4+s17], $0x80, s30, s17, $0xb8;
	[tilespmem:$0x1FEA0] =	vst v63  }
0x6c: {  	_ =	swait.ge [sflag:s15], $0x2800  }
0x6d: {  	[sflag:s15] =	ssyncset.done $0x0  }
0x6e: {  	s31 =	simm.s32 $0x4D80;
	[sflag:s15] =	ssyncadd.s32 $0xFFFFD800  }
0x6f: {  	[spmem:s2] =	stream.indirect.scatter.add.f32 [tilespmem:s18], [sflag:$0x1], $0x80, s31, s17, $0xb8;
	[tilespmem:$0x1FEA0] =	vst v63  }
0x70: {  	_ =	swait.ge [sflag:s25], $0x2800  }
0x71: {  	[sflag:s25] =	ssyncset.done $0x0  }
0x72: {  	[sflag:s25] =	ssyncadd.s32 $0xFFFFD800  }
0x73: {  	[tilespmem:s19], [sflag:$0x7] =	stream.indirect.gather [hbm4b:s4+s17], $0x80, s0, s17, $0xb8;
	[tilespmem:$0x1FEA0] =	vst v63  }
0x74: {  	_ =	swait.ge [sflag:s15], $0x2800  }
0x75: {  	[sflag:s15] =	ssyncset.done $0x0  }
0x76: {  	[sflag:s15] =	ssyncadd.s32 $0xFFFFD800  }
0x77: {  	[spmem:s2] =	stream.indirect.scatter.add.f32 [tilespmem:s19], [sflag:$0x2], $0x80, s20, s17, $0xb8;
	[tilespmem:$0x1FEA0] =	vst v63  }
0x78: {  	_ =	swait.ge [sflag:s28], $0x2800  }
0x79: {  	[sflag:s28] =	ssyncset.done $0x0  }
0x7a: {  	[sflag:s28] =	ssyncadd.s32 $0xFFFFD800  }
0x7b: {  	_ =	swait.ge [sflag:s23], $0x2800  }
0x7c: {  	[sflag:s23] =	ssyncset.done $0x0  }
0x7d: {  	[sflag:s23] =	ssyncadd.s32 $0xFFFFD800  }
0x7e: {  	_ =	swait.ge [sflag:s25], $0x2800  }
0x7f: {  	[sflag:s25] =	ssyncset.done $0x0  }
0x80: {  	[sflag:s25] =	ssyncadd.s32 $0xFFFFD800  }
0x81: {  	s1 =	simm.s32 @p0 $0x1FC7;
	[bflag:$0x0] =	sbarrier.arrive $0xFFFF  }
0x82: {  	[hbm:s10], [sflag:s1] =	dma.local @p0 [spmem:s12], $0x1900  }
0x83: {  	s1 =	simm.s32 @p0 $0x7  }
0x84: {  	s29 =	sadd.s32 $0x1, s29;
	_ =	swait.ge @p0 [sflag:s1], $0x1900  }
0x85: {  	p1 =	sne.s32 s29, s11;
	[sflag:s1] =	ssyncset.done @p0 $0x0  }
.Ltmp1:
0x86: {  	[sflag:s1] =	ssyncadd.s32 @p0 $0xFFFFE700;
	s1 =	simm.s32 @!p0 $0x7;
	(pc) =	sbr.rel @p1 .LBB2_1-.Ltmp1, $4  }
0x87: {  	[hbm:s9], [sflag:s13] =	dma.local @!p0 [spmem:s14], $0x2800  }
0x88: {  	_ =	swait.ge @!p0 [sflag:s1], $0x2800  }
0x89: {  	[sflag:s1] =	ssyncset.done @!p0 $0x0  }
0x8a: {  	[sflag:s1] =	ssyncadd.s32 @!p0 $0xFFFFD800  }
0x8b: {  	_ =	sfence.sel $0x180000  }
0x8c: {  	[bflag:$0x0] =	sbarrier.arrive $0xFFFF  }
0x8d: {  	_ =	strace $0x9000004D  }
0x8e: {  	s0 =	stileid.u32;
	[bflag:$0x2] =	sbarrier.arrive $0xFFFF  }
0x8f: {  	p0 =	sne.s32 s0, $0x0;
	s0 =	rddreg [dreg:$0x2]  }
0x90: {  	s0 =	sadd.s32 @!p0 $0x100000, s0  }
0x91: {  	[sflag:s0] =	ssyncadd.tile.s32 @!p0 $0x1;
	_ =	shalt  }
.Lfunc_end2:
_tile_overlayer_lowered:
.L_overlay_start_2:
0x92: {  	(tag) =	ssettag $0x2  }
0x93: {  	s0 =	rddreg [dreg:$0x0];
	s2 =	stileid.u32  }
0x94: {  	s1 =	rddreg [dreg:$0x1];
	p0 =	sne.s32 s2, $0x0  }
0x95: {  	s3 =	rddreg [dreg:$0x2];
	[bflag:$0x3] =	sbarrier.arrive $0xFFFF;
	s2 =	simm.s32 @!p0 $0x1C07  }
0x96: {  	[timem:s3], [sflag:s2] =	dma.local @!p0 [hbm:s0], s1  }
0x97: {  	s0 =	simm.s32 @!p0 $0x7  }
0x98: {  	_ =	swait.ge @!p0 [sflag:s0], s1  }
0x99: {  	s1 =	ssub.s32 @!p0 $0x0, s1;
	[sflag:s0] =	ssyncset.done @!p0 $0x0  }
0x9a: {  	[sflag:s0] =	ssyncadd.s32 @!p0 s1  }
0x9b: {  	[bflag:$0x3] =	sbarrier.arrive $0xFFFF  }
0x9c: {  	_ =	shalt  }

// kernel: kernel.8.cloned.1.call-start
scs
__scs_entry_jumppad:
0x0: {  	(pc) =	sbr.rel $0x88, $3  }
0x1: {  	(tag) =	ssettag $0x0;
	lr =	simm.s32 $0x1  }
0x2: {  	[smem:$0x3F8F] =	sst lr;
	_ =	strace $0xD0000000  }
0x3: {  	_ = 	snop  }
0x4: {  	_ = 	snop  }
0x5: {  	_ = 	snop  }
0x6: {  	_ = 	snop  }
0x7: {  	_ = 	snop  }
__scs_overlays_trampoline_lowered:
0x8: {  	[smem:$0x3F9E] =	sst s0  }
0x9: {  	[smem:$0x3F9F] =	sst s1  }
0xa: {  	[smem:$0x3FA0] =	sst s2  }
0xb: {  	[smem:$0x3FA1] =	sst s3  }
0xc: {  	[smem:$0x3FA2] =	sst s4  }
0xd: {  	[smem:$0x3FA3] =	sst s5  }
0xe: {  	[smem:$0x3FA4] =	sst s6  }
0xf: {  	[smem:$0x3FA5] =	sst s7  }
0x10: {  	[smem:$0x3FA6] =	sst s8  }
0x11: {  	[smem:$0x3FA7] =	sst s9;
	s0 =	simm.s32 @!p0 $0x0  }
0x12: {  	s1 =	sld [smem:$0x3F8D];
	s0 =	simm.s32 @p0 $0x1  }
0x13: {  	[smem:$0x3FA8] =	sst s0;
	s0 =	simm.s32 @!p1 $0x0  }
0x14: {  	s2 =	sld [smem:$0x3F8C];
	s0 =	simm.s32 @p1 $0x1  }
0x15: {  	[smem:$0x3FA9] =	sst s0;
	s0 =	simm.s32 @!p2 $0x0  }
0x16: {  	s3 =	sld [smem:$0x3FDB];
	s0 =	simm.s32 @p2 $0x1  }
0x17: {  	s4 =	simm.s32 $0x1BF5;
	[smem:$0x3FAB] =	sst s0  }
0x18: {  	s0 =	sld [smem:$0x3F8E];
	_ =	swait.ge [sflag:s4], $0x0  }
0x19: {  	s7 =	sld [smem:$0x3F8F]  }
0x1a: {  	s8 =	sadd.s32 $0xFFFFE003, lr  }
0x1b: {  	s9 =	sadd.s32 $0xFFFFFEF7, lr;
	s5 =	simm.s32 $0xFFFFFFFF;
	p2 =	slt.u32 s8, $0xFFFFF086  }
0x1c: {  	p1 =	slt.u32 s9, $0xF7A;
	s5 =	simm.s32 @!p2 $0x0  }
0x1d: {  	s5 =	simm.s32 @p1 $0x1;
	p0 =	seq.s32 s7, s2  }
0x1e: {  	s7 =	smul.u32 @!p0 $0xF7A, s2;
	p2 =	seq.s32 @!p0 s5, $0x0  }
0x1f: {  	s9 =	smul.u32 $0xF7A, s1;
	s8 =	simm.s32 @!p0 $0x1BF5;
	p2 =	por !p2, p0  }
0x20: {  	[sflag:s8] =	ssyncset.s32 @!p0 $0xFFFFF086;
	s6 =	sadd.s32 @!p0 s3, s7;
	s7 =	simm.s32 @!p0 $0x108  }
0x21: {  	s3 =	sadd.s32 s3, s9;
	s6 =	sadd.s32 @!p0 $0x88, s6;
	s7 =	simm.s32 @p2 $0x1082  }
0x22: {  	[simem:s7], [sflag:s8] =	dma.local @!p0 [hbm:s6], $0xF7A  }
0x23: {  	s9 =	sor.u32 $0xD0000000, s2;
	s6 =	simm.s32 $0x108;
	_ =	swait.ge @!p0 [sflag:s8], $0x0  }
0x24: {  	s3 =	sadd.s32 $0x88, s3;
	s6 =	simm.s32 @!p1 $0x1082;
	[sflag:s4] =	ssyncset.s32 $0xFFFFF086  }
0x25: {  	[simem:s6], [sflag:s4] =	dma.local [hbm:s3], $0xF7A  }
0x26: {  	[smem:$0x3F8F] =	sst s1;
	(tag) =	ssettag s2;
	_ =	strace s9  }
0x27: {  	s1 =	sld [smem:$0x3F9F]  }
0x28: {  	s2 =	sld [smem:$0x3FA0]  }
0x29: {  	s4 =	sld [smem:$0x3FA2]  }
0x2a: {  	p0 =	seq.s32 s5, $0x0;
	s5 =	sld [smem:$0x3FA3]  }
0x2b: {  	s6 =	sld [smem:$0x3FA4]  }
0x2c: {  	s7 =	sld [smem:$0x3FA5]  }
0x2d: {  	s3 =	simm.s32 $0x108;
	s8 =	sld [smem:$0x3FA6]  }
0x2e: {  	s3 =	simm.s32 @!p0 $0x1082;
	s9 =	sld [smem:$0x3FA7]  }
0x2f: {  	lr =	sadd.s32 s0, s3;
	s0 =	sld [smem:$0x3F9E]  }
0x30: {  	s3 =	sld [smem:$0x3FA1]  }
0x31: {  	[smem:$0x3FAA] =	sst s10  }
0x32: {  	s10 =	sld [smem:$0x3FA8];
	_ =	sdelay $0x3  }
0x33: {  	p0 =	seq.s32 s10, $0x1;
	s10 =	sld [smem:$0x3FAA];
	_ =	sdelay $0x3  }
0x34: {  	[smem:$0x3FAA] =	sst s10  }
0x35: {  	s10 =	sld [smem:$0x3FA9];
	_ =	sdelay $0x3  }
0x36: {  	p1 =	seq.s32 s10, $0x1;
	s10 =	sld [smem:$0x3FAA];
	_ =	sdelay $0x3  }
0x37: {  	[smem:$0x3FAA] =	sst s10  }
0x38: {  	s10 =	sld [smem:$0x3FAB]  }
0x39: {  	_ = 	snop;
	(pc) =	sbr.ind lr, $3  }
0x3a: {  	_ = 	snop  }
0x3b: {  	_ = 	snop  }
0x3c: {  	p2 =	seq.s32 s10, $0x1;
	s10 =	sld [smem:$0x3FAA]  }
0x3d: {  	_ =	shalt  }
0x3e: {  	_ =	shalt  }
0x3f: {  	_ =	shalt  }
0x40: {  	_ =	shalt  }
0x41: {  	_ =	shalt  }
0x42: {  	_ =	shalt  }
0x43: {  	_ =	shalt  }
0x44: {  	_ =	shalt  }
0x45: {  	_ =	shalt  }
0x46: {  	_ =	shalt  }
0x47: {  	_ =	shalt  }
0x48: {  	_ =	shalt  }
0x49: {  	_ =	shalt  }
0x4a: {  	_ =	shalt  }
0x4b: {  	_ =	shalt  }
0x4c: {  	_ =	shalt  }
0x4d: {  	_ =	shalt  }
0x4e: {  	_ =	shalt  }
0x4f: {  	_ =	shalt  }
0x50: {  	_ =	shalt  }
0x51: {  	_ =	shalt  }
0x52: {  	_ =	shalt  }
0x53: {  	_ =	shalt  }
0x54: {  	_ =	shalt  }
0x55: {  	_ =	shalt  }
0x56: {  	_ =	shalt  }
0x57: {  	_ =	shalt  }
0x58: {  	_ =	shalt  }
0x59: {  	_ =	shalt  }
0x5a: {  	_ =	shalt  }
0x5b: {  	_ =	shalt  }
0x5c: {  	_ =	shalt  }
0x5d: {  	_ =	shalt  }
0x5e: {  	_ =	shalt  }
0x5f: {  	_ =	shalt  }
0x60: {  	_ =	shalt  }
0x61: {  	_ =	shalt  }
0x62: {  	_ =	shalt  }
0x63: {  	_ =	shalt  }
0x64: {  	_ =	shalt  }
0x65: {  	_ =	shalt  }
0x66: {  	_ =	shalt  }
0x67: {  	_ =	shalt  }
0x68: {  	_ =	shalt  }
0x69: {  	_ =	shalt  }
0x6a: {  	_ =	shalt  }
0x6b: {  	_ =	shalt  }
0x6c: {  	_ =	shalt  }
0x6d: {  	_ =	shalt  }
0x6e: {  	_ =	shalt  }
0x6f: {  	_ =	shalt  }
0x70: {  	_ =	shalt  }
0x71: {  	_ =	shalt  }
0x72: {  	_ =	shalt  }
0x73: {  	_ =	shalt  }
0x74: {  	_ =	shalt  }
0x75: {  	_ =	shalt  }
0x76: {  	_ =	shalt  }
0x77: {  	_ =	shalt  }
0x78: {  	_ =	shalt  }
0x79: {  	_ =	shalt  }
0x7a: {  	_ =	shalt  }
0x7b: {  	_ =	shalt  }
0x7c: {  	_ =	shalt  }
0x7d: {  	_ =	shalt  }
0x7e: {  	_ =	shalt  }
0x7f: {  	_ =	shalt  }
0x80: {  	_ =	shalt  }
0x81: {  	_ =	shalt  }
0x82: {  	_ =	shalt  }
0x83: {  	_ =	shalt  }
0x84: {  	_ =	shalt  }
0x85: {  	_ =	shalt  }
0x86: {  	_ =	shalt  }
0x87: {  	_ =	shalt  }
.Lfunc_end0:
.L_simem_size_0:
called_computation_lowered:
.L_overlay_start_0:
0x88: {  	s2 =	sld [smem:$0x3FD9]  }
0x89: {  	s3 =	sld [smem:$0x3FFE];
	_ =	sdelay $0x1  }
0x8a: {  	s1 =	srdreg.scid  }
0x8b: {  	s0 =	sand.u32 $0x1, s1  }
0x8c: {  	s14 =	sshll.u32 s0, $0xA;
	s2 =	sadd.s32 s3, s2  }
0x8d: {  	s2 =	sadd.s32 s2, s14  }
0x8e: {  	[smem:$0x3FB6] =	sst s2  }
0x8f: {  	_ = 	snop  }
0x90: {  	s2 =	sld [smem:$0x3FD0];
	_ =	sdelay $0x2  }
0x91: {  	s15 =	simm.s32 $0xA;
	s4 =	simm.s32 $0x10  }
0x92: {  	[smem:s4], [sflag:s15] =	dma.local [hbm:s2], $0x1  }
0x93: {  	_ =	swait.eq [sflag:s15], $0x1  }
0x94: {  	[sflag:s15] =	ssyncset.done $0x0  }
0x95: {  	[sflag:s15] =	ssyncadd.s32 $0xFFFFFFFF  }
0x96: {  	s16 =	sld [smem:$0x10];
	(tm) =	ssettm $0x1  }
0x97: {  	s17 =	sld [smem:$0x3FFB];
	_ =	sdelay $0x3  }
0x98: {  	_ =	strace s17  }
0x99: {  	s3 =	sld [smem:$0x3FFC];
	_ =	sdelay $0x3  }
0x9a: {  	_ =	strace s3  }
0x9b: {  	s3 =	sld [smem:$0x3FFD];
	_ =	sdelay $0x3  }
0x9c: {  	_ =	strace s3  }
0x9d: {  	_ =	strace $0x8FFFFFFF  }
0x9e: {  	s18 =	sld [smem:$0x3FDB];
	_ =	sdelay $0x1  }
0x9f: {  	s19 =	simm.s32 $_scs_section_size  }
0xa0: {  	s5 =	simm.s32 $_size__tile_overlayer_lowered;
	s6 =	simm.s32 $_tile_overlayer_lowered  }
0xa1: {  	s22 =	simm.s32 $0x1BFF;
	s21 =	sshll.u32 s6, $0x1;
	s3 =	sadd.s32 s19, s18  }
0xa2: {  	s7 =	simm.s32 $0x0;
	s20 =	sshll.u32 s5, $0x1;
	s5 =	sadd.s32 s21, s3  }
0xa3: {  	[timem:s7], [sflag:s22] =	dma.local [hbm:s5], s20  }
0xa4: {  	_ =	swait.ge [sflag:s22], s20  }
0xa5: {  	s4 =	ssub.s32 $0x0, s20;
	[sflag:s22] =	ssyncset.done $0x0  }
0xa6: {  	[sflag:s22] =	ssyncadd.s32 s4;
	_ =	sdelay $0x1  }
0xa7: {  	s23 =	simm.s32 $0x1B8B  }
0xa8: {  	_ =	swait.ge [sflag:s23], $0x1  }
0xa9: {  	[sflag:s23] =	ssyncset.done $0x0  }
0xaa: {  	s25 =	simm.s32 $0x1B8E;
	s24 =	sld [smem:$0x3FFE];
	[sflag:s23] =	ssyncadd.s32 $0xFFFFFFFF  }
0xab: {  	s26 =	simm.s32 $execute0_lowered;
	[smem:$0x3FD2] =	sst s25  }
0xac: {  	s5 =	sshll.u32 s26, $0x1;
	_ =	strace $0x80000046;
	[dreg:$0x1] =	wrdreg $0xFFFFFFFF  }
0xad: {  	s28 =	simm.s32 $_size_execute0_lowered;
	s3 =	sadd.s32 s3, s5;
	[dreg:$0x0] =	wrdreg $0x0  }
0xae: {  	s5 =	sshll.u32 s28, $0x1;
	[dreg:$0x2] =	wrdreg s3  }
0xaf: {  	[dreg:$0x3] =	wrdreg s5  }
0xb0: {  	[dreg:$0x4] =	wrdreg $0xC0  }
0xb1: {  	_ =	task [dreg:s7], $0x5FFFF  }
0xb2: {  	[dreg:$0x1] =	wrdreg $0xFFFFFFFF  }
0xb3: {  	[dreg:$0x0] =	wrdreg $0x60  }
0xb4: {  	[dreg:$0x2] =	wrdreg s24  }
0xb5: {  	[dreg:$0x3] =	wrdreg s16  }
0xb6: {  	[dreg:$0x4] =	wrdreg $0x43000  }
0xb7: {  	[dreg:$0x5] =	wrdreg $0x9  }
0xb8: {  	_ =	task.clear_ibuf [dreg:s7], $0x6FFFF;
	_ =	strace $0x90000046  }
0xb9: {  	s29 =	simm.s32 $0x9;
	_ =	strace $0x80000048  }
0xba: {  	_ =	swait.ge [sflag:s29], $0x1  }
0xbb: {  	[sflag:s29] =	ssyncadd.s32 $0xFFFFFFFF  }
0xbc: {  	_ =	strace $0x90000048  }
0xbd: {  	_ =	sfence  }
0xbe: {  	s30 =	sld [smem:$0x0];
	_ =	sdelay $0x2  }
0xbf: {  	s31 =	sshll.u32 s1, $0xD;
	s1 =	sshrl.u32 s1, $0x2  }
0xc0: {  	s3 =	sand.u32 $0x4000, s31;
	s1 =	sadd.s32 s1, s30  }
0xc1: {  	s0 =	sor.u32 s3, s0;
	s1 =	sshll.u32 s1, $0x11  }
0xc2: {  	s0 =	sor.u32 s1, s0  }
0xc3: {  	s0 =	sadd.s32 $0x8F2B, s0  }
0xc4: {  	[sflag:s0] =	ssyncadd.remote.s32 $0x1  }
0xc5: {  	_ =	sfence.sel $0xFFFF  }
0xc6: {  	[dreg:$0x0] =	wrdreg $0xFFFFFFFF;
	(pc) =	sbr.abs _section_cstart, $3  }
0xc7: {  	[dreg:$0x1] =	wrdreg $0xFFFFFFFF  }
0xc8: {  	_ =	task.clear_ibuf [dreg:s7], $0x2FFFF;
	_ =	strace $0x9FFFFFFF  }
0xc9: {  	(tm) =	ssettm $0x7FFFFFFF  }
tec
execute0_lowered:
.L_overlay_start_1:
0x0: {  	(tag) =	ssettag $0x1  }
0x1: {  	s4 =	rddreg [dreg:$0x0]  }
0x2: {  	s7 =	rddreg [dreg:$0x1]  }
0x3: {  	s1 =	rddreg [dreg:$0x2]  }
0x4: {  	s0 =	rddreg [dreg:$0x3];
	s2 =	simm.s32 $0x0  }
0x5: {  	s3 =	srdreg.scid;
	s12 =	simm.s32 $0x1;
	s15 =	simm.s32 $0x0  }
0x6: {  	[smem:$0x7FF] =	sst s2;
	s5 =	sand.u32 $0x1, s3;
	s3 =	stileid.u32  }
0x7: {  	s11 =	sadd.s32 $0x27C00, s4;
	_ =	strace $0x80000047;
	s6 =	ssub.s32 $0x2, s5  }
0x8: {  	s8 =	sshll.u32 s5, $0xB;
	s10 =	smul.u32 $0x280, s3;
	s29 =	sshll.u32 s3, $0xC  }
0x9: {  	p0 =	seq.s32 s5, $0x1;
	s13 =	sshll.u32 s3, $0x6;
	s9 =	sshrl.u32 s6, $0x1  }
0xa: {  	s8 =	sadd.s32 s8, s4;
	s7 =	smov.u32 @p0 s11;
	s11 =	simm.s32 $0x4000  }
0xb: {  	s13 =	sor.u32 $0x1C02, s13;
	s6 =	ssub.s32 s6, s9;
	s4 =	sadd.s32 s10, s1  }
0xc: {  	s30 =	sadd.s32 s29, s8;
	s31 =	sshrl.u32 s10, $0x3;
	s8 =	simm.s32 $0x4080  }
0xd: {  	s9 =	simm.s32 $0x2;
	s10 =	simm.s32 $0x50;
	s5 =	sadd.s32 $0x17C00, s30  }
0xe: {  	v0 =	vimm.f32 $1.000000000e+00;
	v1 =	vimm.f32 $0.0e+00;
	s6 =	smax.u32 s6, $0x1;
	s7 =	sadd.s32 s7, s31;
	s14 =	sshrl.u32 s4, $0x3  }
.LBB2_1:
0xf: {  	[tilespmem:$0x4000] =	vst v0  }
0x10: {  	[tilespmem:$0x4010] =	vst v0  }
0x11: {  	[tilespmem:$0x4020] =	vst v0  }
0x12: {  	[tilespmem:$0x4030] =	vst v0  }
0x13: {  	[tilespmem:$0x4040] =	vst v0  }
0x14: {  	[tilespmem:$0x4080] =	vst v1  }
0x15: {  	[tilespmem:$0x4090] =	vst v1  }
0x16: {  	[tilespmem:$0x40A0] =	vst v1  }
0x17: {  	[tilespmem:$0x40B0] =	vst v1  }
0x18: {  	[tilespmem:$0x40C0] =	vst v1  }
0x19: {  	[tilespmem:$0x40D0] =	vst v1  }
0x1a: {  	[tilespmem:$0x40E0] =	vst v1  }
0x1b: {  	[tilespmem:$0x40F0] =	vst v1  }
0x1c: {  	[tilespmem:$0x4100] =	vst v1  }
0x1d: {  	[tilespmem:$0x4110] =	vst v1  }
0x1e: {  	[tilespmem:$0x4120] =	vst v1  }
0x1f: {  	[tilespmem:$0x4130] =	vst v1  }
0x20: {  	[tilespmem:$0x4140] =	vst v1  }
0x21: {  	[tilespmem:$0x4150] =	vst v1  }
0x22: {  	[tilespmem:$0x4160] =	vst v1  }
0x23: {  	[tilespmem:$0x4170] =	vst v1  }
0x24: {  	[tilespmem:$0x4180] =	vst v1  }
0x25: {  	[tilespmem:$0x4190] =	vst v1  }
0x26: {  	[tilespmem:$0x41A0] =	vst v1  }
0x27: {  	[tilespmem:$0x41B0] =	vst v1  }
0x28: {  	[tilespmem:$0x41C0] =	vst v1  }
0x29: {  	[tilespmem:$0x41D0] =	vst v1  }
0x2a: {  	[tilespmem:$0x41E0] =	vst v1  }
0x2b: {  	[tilespmem:$0x41F0] =	vst v1  }
0x2c: {  	[tilespmem:$0x4200] =	vst v1  }
0x2d: {  	[tilespmem:$0x4210] =	vst v1  }
0x2e: {  	[tilespmem:$0x4220] =	vst v1  }
0x2f: {  	[tilespmem:$0x4230] =	vst v1  }
0x30: {  	[tilespmem:$0x4240] =	vst v1  }
0x31: {  	[tilespmem:$0x4250] =	vst v1  }
0x32: {  	[tilespmem:$0x4260] =	vst v1  }
0x33: {  	[tilespmem:$0x4270] =	vst v1  }
0x34: {  	[tilespmem:$0x4280] =	vst v1  }
0x35: {  	[tilespmem:$0x4290] =	vst v1  }
0x36: {  	[tilespmem:$0x42A0] =	vst v1  }
0x37: {  	[tilespmem:$0x42B0] =	vst v1  }
0x38: {  	[tilespmem:$0x42C0] =	vst v1  }
0x39: {  	[tilespmem:$0x42D0] =	vst v1  }
0x3a: {  	[tilespmem:$0x42E0] =	vst v1  }
0x3b: {  	[tilespmem:$0x42F0] =	vst v1  }
0x3c: {  	[spmem:s4] =	stream.linear.scatter [tilespmem:s8], [sflag:$0x2], $0x280, $0x38;
	[tilespmem:$0x4580] =	vst v63  }
0x3d: {  	_ =	swait.ge [sflag:s9], $0x280  }
0x3e: {  	[sflag:s9] =	ssyncset.done $0x0  }
0x3f: {  	[sflag:s9] =	ssyncadd.s32 $0xFFFFFD80  }
0x40: {  	[bflag:$0x0] =	sbarrier.arrive $0xFFFF  }
0x41: {  	[tilespmem:s2], [sflag:$0x2] =	stream.linear.gather [hbm4b:s5+s2], $0x3E80, $0x38;
	[tilespmem:$0x4580] =	vst v63  }
0x42: {  	_ =	swait.ge [sflag:s9], $0x3E80  }
0x43: {  	p0 =	por $0x1, $0x1;
	[sflag:s9] =	ssyncset.done $0x0  }
0x44: {  	s18 =	simm.s32 @!p0 $0x1;
	[sflag:s9] =	ssyncadd.s32 $0xFFFFC180  }
0x45: {  	[spmem:s1] =	stream.indirect.scatter.add.f32 [tilespmem:s11], [sflag:$0x1], $0x1, s2, s10, $0xb8;
	[tilespmem:$0x4580] =	vst v63  }
0x46: {  	_ =	swait.ge @!p0 [sflag:s18], $0x50  }
0x47: {  	s16 =	simm.s32 $0x1;
	s17 =	simm.s32 $0x0;
	[sflag:s18] =	ssyncset.done @!p0 $0x0  }
.LBB2_2:
0x48: {  	[sflag:s18] =	ssyncadd.s32 @!p0 $0xFFFFFFB0  }
0x49: {  	s17 =	sadd.s32 $0x80, s17;
	s18 =	smov.u32 s16;
	s16 =	sadd.s32 $0x1, s16  }
0x4a: {  	p1 =	sne.s32 s16, $0x7D  }
0x4b: {  	[spmem:s1] =	stream.indirect.scatter.add.f32 [tilespmem:s11], [sflag:$0x1], $0x1, s17, s10, $0xb8;
	[tilespmem:$0x4580] =	vst v63  }
.Ltmp0:
0x4c: {  	_ = 	snop;
	(pc) =	sbr.rel @p1 .LBB2_2-.Ltmp0, $4  }
0x4d: {  	p0 =	slt.u32 s18, $0x10  }
0x4e: {  	s18 =	simm.s32 @!p0 $0x1  }
0x4f: {  	_ =	swait.ge @!p0 [sflag:s18], $0x50  }
0x50: {  	[sflag:s18] =	ssyncset.done @!p0 $0x0  }
0x51: {  	[sflag:s18] =	ssyncadd.s32 @!p0 $0xFFFFFFB0  }
0x52: {  	_ =	swait.ge [sflag:s12], $0x50  }
0x53: {  	[sflag:s12] =	ssyncset.done $0x0  }
0x54: {  	[sflag:s12] =	ssyncadd.s32 $0xFFFFFFB0  }
0x55: {  	_ =	swait.ge [sflag:s12], $0x50  }
0x56: {  	[sflag:s12] =	ssyncset.done $0x0  }
0x57: {  	[sflag:s12] =	ssyncadd.s32 $0xFFFFFFB0  }
0x58: {  	_ =	swait.ge [sflag:s12], $0x50  }
0x59: {  	[sflag:s12] =	ssyncset.done $0x0  }
0x5a: {  	[sflag:s12] =	ssyncadd.s32 $0xFFFFFFB0  }
0x5b: {  	_ =	swait.ge [sflag:s12], $0x50  }
0x5c: {  	[sflag:s12] =	ssyncset.done $0x0  }
0x5d: {  	[sflag:s12] =	ssyncadd.s32 $0xFFFFFFB0  }
0x5e: {  	_ =	swait.ge [sflag:s12], $0x50  }
0x5f: {  	[sflag:s12] =	ssyncset.done $0x0  }
0x60: {  	[sflag:s12] =	ssyncadd.s32 $0xFFFFFFB0  }
0x61: {  	_ =	swait.ge [sflag:s12], $0x50  }
0x62: {  	[sflag:s12] =	ssyncset.done $0x0  }
0x63: {  	[sflag:s12] =	ssyncadd.s32 $0xFFFFFFB0  }
0x64: {  	_ =	swait.ge [sflag:s12], $0x50  }
0x65: {  	[sflag:s12] =	ssyncset.done $0x0  }
0x66: {  	[sflag:s12] =	ssyncadd.s32 $0xFFFFFFB0  }
0x67: {  	_ =	swait.ge [sflag:s12], $0x50  }
0x68: {  	[sflag:s12] =	ssyncset.done $0x0  }
0x69: {  	[sflag:s12] =	ssyncadd.s32 $0xFFFFFFB0  }
0x6a: {  	_ =	swait.ge [sflag:s12], $0x50  }
0x6b: {  	[sflag:s12] =	ssyncset.done $0x0  }
0x6c: {  	[sflag:s12] =	ssyncadd.s32 $0xFFFFFFB0  }
0x6d: {  	_ =	swait.ge [sflag:s12], $0x50  }
0x6e: {  	[sflag:s12] =	ssyncset.done $0x0  }
0x6f: {  	[sflag:s12] =	ssyncadd.s32 $0xFFFFFFB0  }
0x70: {  	_ =	swait.ge [sflag:s12], $0x50  }
0x71: {  	[sflag:s12] =	ssyncset.done $0x0  }
0x72: {  	[sflag:s12] =	ssyncadd.s32 $0xFFFFFFB0  }
0x73: {  	_ =	swait.ge [sflag:s12], $0x50  }
0x74: {  	[sflag:s12] =	ssyncset.done $0x0  }
0x75: {  	[sflag:s12] =	ssyncadd.s32 $0xFFFFFFB0  }
0x76: {  	_ =	swait.ge [sflag:s12], $0x50  }
0x77: {  	[sflag:s12] =	ssyncset.done $0x0  }
0x78: {  	[sflag:s12] =	ssyncadd.s32 $0xFFFFFFB0  }
0x79: {  	_ =	swait.ge [sflag:s12], $0x50  }
0x7a: {  	[sflag:s12] =	ssyncset.done $0x0  }
0x7b: {  	[sflag:s12] =	ssyncadd.s32 $0xFFFFFFB0  }
0x7c: {  	_ =	swait.ge [sflag:s12], $0x50  }
0x7d: {  	[sflag:s12] =	ssyncset.done $0x0  }
0x7e: {  	[sflag:s12] =	ssyncadd.s32 $0xFFFFFFB0  }
0x7f: {  	_ =	swait.ge [sflag:s12], $0x50  }
0x80: {  	s15 =	sadd.s32 $0x1, s15;
	[sflag:s12] =	ssyncset.done $0x0  }
0x81: {  	p0 =	sne.s32 s15, s6;
	[sflag:s12] =	ssyncadd.s32 $0xFFFFFFB0  }
.Ltmp1:
0x82: {  	[bflag:$0x0] =	sbarrier.arrive $0xFFFF;
	(pc) =	sbr.rel @p0 .LBB2_1-.Ltmp1, $4  }
0x83: {  	[hbm:s7], [sflag:s13] =	dma.local [spmem:s14], $0x50  }
0x84: {  	_ =	swait.ge [sflag:s9], $0x50  }
0x85: {  	[sflag:s9] =	ssyncset.done $0x0  }
0x86: {  	[sflag:s9] =	ssyncadd.s32 $0xFFFFFFB0  }
0x87: {  	_ =	sfence.sel $0x180000  }
0x88: {  	[bflag:$0x0] =	sbarrier.arrive $0xFFFF  }
0x89: {  	p0 =	sne.s32 s3, $0x0;
	_ =	strace $0x90000047  }
0x8a: {  	s0 =	sadd.s32 @!p0 $0x100000, s0;
	[bflag:$0x2] =	sbarrier.arrive $0xFFFF  }
0x8b: {  	[sflag:s0] =	ssyncadd.tile.s32 @!p0 $0x1;
	_ =	shalt  }
.Lfunc_end2:
_tile_overlayer_lowered:
.L_overlay_start_2:
0x8c: {  	(tag) =	ssettag $0x2  }
0x8d: {  	s0 =	rddreg [dreg:$0x0];
	s2 =	stileid.u32  }
0x8e: {  	s1 =	rddreg [dreg:$0x1];
	p0 =	sne.s32 s2, $0x0  }
0x8f: {  	s3 =	rddreg [dreg:$0x2];
	[bflag:$0x3] =	sbarrier.arrive $0xFFFF;
	s2 =	simm.s32 @!p0 $0x1C02  }
0x90: {  	[timem:s3], [sflag:s2] =	dma.local @!p0 [hbm:s0], s1  }
0x91: {  	s0 =	simm.s32 @!p0 $0x2  }
0x92: {  	_ =	swait.ge @!p0 [sflag:s0], s1  }
0x93: {  	s1 =	ssub.s32 @!p0 $0x0, s1;
	[sflag:s0] =	ssyncset.done @!p0 $0x0  }
0x94: {  	[sflag:s0] =	ssyncadd.s32 @!p0 s1  }
0x95: {  	[bflag:$0x3] =	sbarrier.arrive $0xFFFF  }
0x96: {  	_ =	shalt  }

</sc_bundles>
